<compile_context>
chip_gen: v7x
topology: tpu7x:2x2x1
jax: 0.10.2.dev20260603
libtpu: 0.0.44.dev20260713+nightly
codegen_flags: <defaults>
</compile_context>

<pallas_src>
import functools

import jax
import jax.numpy as jnp
import numpy as np
from jax import lax
from jax.experimental import pallas as pl
from jax.experimental.pallas import tpu as pltpu
from jax.experimental.pallas import tpu_sc as plsc

_N, _D, _E, _H, _C = 10000, 128, 320000, 16, 2
_NC, _NS = 2, 16
_NW = _NC * _NS
_EPW = _E // _NW
_EPT = _E // _NS
_HALF = _N // _NC
_DPAD = 5120
_R = _N // 8

_mesh = plsc.VectorSubcoreMesh(core_axis_name="c", subcore_axis_name="s")

_KSWAP = np.zeros((128, 128), np.float32)
_PSEL = np.zeros((128, 16), np.float32)
for _a in range(8):
    _KSWAP[_a * 16 + 1, _a * 16 + 0] = 1.0
    _KSWAP[_a * 16 + 0, _a * 16 + 1] = 1.0
    for _j in range(_C):
        _PSEL[_a * 16 + _j, _a * _C + _j] = 1.0


@functools.partial(
    pl.kernel,
    out_type=jax.ShapeDtypeStruct((_N, 16), jnp.float32),
    mesh=_mesh,
    scratch_types=[
        pltpu.VMEM((_EPT,), jnp.int32),
        pltpu.VMEM((_EPT,), jnp.int32),
        pltpu.VMEM((_EPT,), jnp.float32),
        pltpu.VMEM((1000,), jnp.float32),
        pltpu.VMEM((1000, 16), jnp.float32),
        pltpu.VMEM_SHARED((_DPAD,), jnp.float32),
    ],
    compiler_params=pltpu.CompilerParams(use_tc_tiling_on_sc=False),
)
def _deg_kernel(edges, zeros_d, deg_out, dst_v, idx_v, val_v, comp_v, wide_v, deg_sh):
    c = lax.axis_index("c")
    s = lax.axis_index("s")
    lo = c * _HALF
    pltpu.sync_copy(edges.at[pl.ds(_E + s * _EPT, _EPT)], dst_v)

    @pl.when(s == 0)
    def _():
        pltpu.sync_copy(zeros_d, val_v.at[pl.ds(0, _DPAD)])
        pltpu.sync_copy(val_v.at[pl.ds(0, _DPAD)], deg_sh)

    def tbody(i, _):
        v = dst_v[pl.ds(i * 16, 16)]
        inr = (v >= lo) & (v < lo + _HALF)
        idx_v[pl.ds(i * 16, 16)] = jnp.where(inr, v - lo, v & 4095)
        val_v[pl.ds(i * 16, 16)] = jnp.where(inr, jnp.float32(1.0), jnp.float32(0.0))
        return 0

    lax.fori_loop(0, _EPT // 16, tbody, 0)
    plsc.subcore_barrier()
    pltpu.sync_copy(val_v, deg_sh.at[idx_v], add=True)
    plsc.subcore_barrier()

    @pl.when(s < 5)
    def _():
        pltpu.sync_copy(deg_sh.at[pl.ds(s * 1000, 1000)], comp_v)

        def ebody(g, _):
            v = comp_v[pl.ds(g * 16, 16)]
            for k in range(16):
                wide_v[g * 16 + k, :] = jnp.broadcast_to(
                    lax.slice(v, (k,), (k + 1,)), (16,))
            return 0

        lax.fori_loop(0, 1000 // 16, ebody, 0)
        vtail = comp_v[pl.ds(984, 16)]
        for k in range(8, 16):
            wide_v[984 + k, :] = jnp.broadcast_to(
                lax.slice(vtail, (k,), (k + 1,)), (16,))
        pltpu.sync_copy(wide_v, deg_out.at[pl.ds(lo + s * 1000, 1000)])


def _make_agg_kernel(feat_dim, batch, nbatch):
    assert batch * nbatch == _EPW

    @functools.partial(
        pl.kernel,
        out_type=jax.ShapeDtypeStruct((_NC, _N, feat_dim), jnp.float32),
        mesh=_mesh,
        scratch_types=(
            [pltpu.VMEM((batch,), jnp.int32) for _ in range(nbatch)]
            + [pltpu.VMEM((batch,), jnp.int32) for _ in range(nbatch)]
            + [
                pltpu.VMEM((batch, feat_dim), jnp.float32),
                pltpu.VMEM((batch, feat_dim), jnp.float32),
                pltpu.VMEM_SHARED((_N, feat_dim), jnp.float32),
                pltpu.SemaphoreType.DMA,
                pltpu.SemaphoreType.DMA,
            ]
        ),
        compiler_params=pltpu.CompilerParams(use_tc_tiling_on_sc=False),
    )
    def _agg(edges, y, zeros_a, out, *rest):
        src_v = rest[:nbatch]
        dst_v = rest[nbatch:2 * nbatch]
        rows_a, rows_b, acc_sh, sem_a, sem_b = rest[2 * nbatch:]
        bufs = (rows_a, rows_b)
        sems = (sem_a, sem_b)
        c = lax.axis_index("c")
        s = lax.axis_index("s")
        base = (c * _NS + s) * _EPW
        for b in range(nbatch):
            pltpu.sync_copy(edges.at[pl.ds(base + b * batch, batch)], src_v[b])
            pltpu.sync_copy(edges.at[pl.ds(_E + base + b * batch, batch)], dst_v[b])
        zchunk = 1000
        nz = _N // zchunk

        @pl.when(s < nz)
        def _():
            pltpu.sync_copy(zeros_a.at[pl.ds(s * zchunk, zchunk)],
                            rows_a.at[pl.ds(0, zchunk)])
            pltpu.sync_copy(rows_a.at[pl.ds(0, zchunk)],
                            acc_sh.at[pl.ds(s * zchunk, zchunk)])
        plsc.subcore_barrier()
        cps = [pltpu.async_copy(y.at[src_v[0]], bufs[0], sems[0])]
        for b in range(nbatch):
            cps[b].wait()
            if b + 1 < nbatch:
                nxt = (b + 1) % 2
                cps.append(pltpu.async_copy(y.at[src_v[b + 1]], bufs[nxt], sems[nxt]))
            pltpu.sync_copy(bufs[b % 2], acc_sh.at[dst_v[b]], add=True)
        plsc.subcore_barrier()

        @pl.when(s < 10)
        def _():
            pltpu.sync_copy(acc_sh.at[pl.ds(s * 1000, 1000)],
                            rows_a.at[pl.ds(0, 1000)])
            pltpu.sync_copy(rows_a.at[pl.ds(0, 1000)],
                            out.at[c, pl.ds(s * 1000, 1000)])

    return _agg


_agg_kernel = _make_agg_kernel(_H, 2000, 5)


def _mm1_body(x8_ref, w8_ref, y_ref):
    y_ref[...] = jnp.dot(x8_ref[...], w8_ref[...],
                         preferred_element_type=jnp.float32)


def _scale_body(yraw_ref, deg_ref, y_ref):
    y_ref[...] = yraw_ref[...] * lax.rsqrt(deg_ref[...] + 1.0)


def _mm2_body(acc_ref, y_ref, deg_ref, b1_ref, w2k_ref, z_ref):
    dis = lax.rsqrt(deg_ref[...] + 1.0)
    a = acc_ref[0] + acc_ref[1] + y_ref[...]
    h = jnp.maximum(a * dis + b1_ref[...], 0.0)
    z_ref[...] = jnp.dot(h, w2k_ref[...], preferred_element_type=jnp.float32) * dis


def _out_body(acc_ref, z_ref, deg_ref, b2_ref, k_ref, p_ref, o_ref):
    dis = lax.rsqrt(deg_ref[...] + 1.0)
    o = (acc_ref[0] + acc_ref[1] + z_ref[...]) * dis + b2_ref[...]
    osw = jnp.dot(o, k_ref[...], preferred_element_type=jnp.float32)
    m = jnp.maximum(o, osw)
    sm = jnp.exp(o - m) + jnp.exp(osw - m)
    r = (o - m) - jnp.log(sm)
    o_ref[...] = jnp.dot(r, p_ref[...], preferred_element_type=jnp.float32)


def _fs(shape):
    return pl.BlockSpec(shape, lambda: tuple(0 for _ in shape))


def kernel(x, edge_index, W1, b1, W2, b2):
    f32 = jnp.float32
    edges = edge_index.astype(jnp.int32).reshape(2 * _E)
    zeros_d = jnp.zeros((_DPAD,), f32)
    zeros1 = jnp.zeros((_N, _H), f32)
    eye8 = jnp.eye(8, dtype=f32)

    deg16 = _deg_kernel(edges, zeros_d)
    deg128 = deg16.reshape(_R, 128)

    x8 = x.reshape(_R, 8 * _D)
    W8 = jnp.kron(eye8, W1)
    yraw = pl.pallas_call(
        _mm1_body,
        in_specs=[_fs((_R, 8 * _D)), _fs((8 * _D, 128))],
        out_specs=_fs((_R, 128)),
        out_shape=jax.ShapeDtypeStruct((_R, 128), f32),
    )(x8, W8)
    y128 = pl.pallas_call(
        _scale_body,
        in_specs=[_fs((_R, 128)), _fs((_R, 128))],
        out_specs=_fs((_R, 128)),
        out_shape=jax.ShapeDtypeStruct((_R, 128), f32),
    )(yraw, deg128)

    acc1 = _agg_kernel(edges, y128.reshape(_N, _H), zeros1)
    acc1p = acc1.reshape(_NC, _R, 128)

    W2k = jnp.kron(eye8, jnp.pad(W2, ((0, 0), (0, _H - _C))))
    b1t = jnp.tile(b1, 8).reshape(1, 128)
    z128 = pl.pallas_call(
        _mm2_body,
        in_specs=[_fs((_NC, _R, 128)), _fs((_R, 128)), _fs((_R, 128)),
                  _fs((1, 128)), _fs((128, 128))],
        out_specs=_fs((_R, 128)),
        out_shape=jax.ShapeDtypeStruct((_R, 128), f32),
    )(acc1p, y128, deg128, b1t, W2k)

    acc2 = _agg_kernel(edges, z128.reshape(_N, _H), zeros1)
    acc2p = acc2.reshape(_NC, _R, 128)

    b2t = jnp.tile(jnp.pad(b2, (0, _H - _C)), 8).reshape(1, 128)
    out16 = pl.pallas_call(
        _out_body,
        in_specs=[_fs((_NC, _R, 128)), _fs((_R, 128)), _fs((_R, 128)),
                  _fs((1, 128)), _fs((128, 128)), _fs((128, 16))],
        out_specs=_fs((_R, 16)),
        out_shape=jax.ShapeDtypeStruct((_R, 16), f32),
    )(acc2p, z128, deg128, b2t, jnp.asarray(_KSWAP), jnp.asarray(_PSEL))

    return out16.reshape(_N, _C)

# --- scband reference (transcript-rebuilt; emitter-appended) ---
"""Pipeline reference for scband-gcn-61194694033576 (READ-ONLY COPY).

The authoritative reference and input builder live on the scoring server;
editing this copy changes nothing except your own understanding.
"""

import jax, jax.numpy as jnp
import numpy as np


def gcn_conv(x, edge_index, W, b):
    # Faithful GCNConv: add self-loops, symmetric degree normalization,
    # linear transform then scatter-add aggregation, plus bias.
    n_nodes = x.shape[0]
    src = edge_index[0]
    dst = edge_index[1]
    loop = jnp.arange(n_nodes, dtype=src.dtype)
    src = jnp.concatenate([src, loop])
    dst = jnp.concatenate([dst, loop])
    ones = jnp.ones(src.shape[0], dtype=x.dtype)
    deg = jnp.zeros((n_nodes,), dtype=x.dtype).at[dst].add(ones)
    deg_inv_sqrt = jnp.where(deg > 0, jax.lax.rsqrt(jnp.maximum(deg, 1e-12)), 0.0)
    norm = deg_inv_sqrt[src] * deg_inv_sqrt[dst]
    xw = x @ W
    msg = xw[src] * norm[:, None]
    out = jnp.zeros((n_nodes, W.shape[1]), dtype=x.dtype).at[dst].add(msg)
    return out + b


def setup_inputs(seed: int = 0):
    key = jax.random.key(seed)
    k1, k2, k3, k4 = jax.random.split(key, 4)
    N, D, E, H, C = 10000, 128, 320000, 16, 2
    x = jax.random.normal(k1, (N, D), dtype=jnp.float32)
    edge_index = jax.random.randint(k2, (2, E), 0, N)
    W1 = jax.random.normal(k3, (D, H), dtype=jnp.float32) * (1.0 / np.sqrt(D))
    b1 = jnp.zeros((H,), dtype=jnp.float32)
    W2 = jax.random.normal(k4, (H, C), dtype=jnp.float32) * (1.0 / np.sqrt(H))
    b2 = jnp.zeros((C,), dtype=jnp.float32)
    return {"x": x, "edge_index": edge_index, "W1": W1, "b1": b1, "W2": W2, "b2": b2}


def reference(x, edge_index, W1, b1, W2, b2):
    # conv1 -> relu -> (dropout is identity in eval) -> conv2 -> log_softmax
    h = gcn_conv(x, edge_index, W1, b1)
    h = jax.nn.relu(h)
    out = gcn_conv(h, edge_index, W2, b2)
    return jax.nn.log_softmax(out, axis=1)

if __name__ == "__main__":
    import jax
    _d = setup_inputs()
    print(jax.jit(kernel)(*tuple(_d.values())))

</pallas_src>

<mosaic_0001>
#map = affine_map<(d0, d1) -> (0)>
#map1 = affine_map<(d0, d1) -> (0, 0)>
#map2 = affine_map<(d0, d1) -> (0, 0, 0)>
module attributes {stable_mosaic.version = 14 : i64} {
  func.func @_agg(%arg0: i32, %arg1: i32, %arg2: memref<640000xi32, #tpu.memory_space<hbm>>, %arg3: memref<10000x16xf32, #tpu.memory_space<hbm>>, %arg4: memref<10000x16xf32, #tpu.memory_space<hbm>>, %arg5: memref<2x10000x16xf32, #tpu.memory_space<hbm>>, %arg6: memref<2000xi32, #tpu.memory_space<vmem>>, %arg7: memref<2000xi32, #tpu.memory_space<vmem>>, %arg8: memref<2000xi32, #tpu.memory_space<vmem>>, %arg9: memref<2000xi32, #tpu.memory_space<vmem>>, %arg10: memref<2000xi32, #tpu.memory_space<vmem>>, %arg11: memref<2000xi32, #tpu.memory_space<vmem>>, %arg12: memref<2000xi32, #tpu.memory_space<vmem>>, %arg13: memref<2000xi32, #tpu.memory_space<vmem>>, %arg14: memref<2000xi32, #tpu.memory_space<vmem>>, %arg15: memref<2000xi32, #tpu.memory_space<vmem>>, %arg16: memref<2000x16xf32, #tpu.memory_space<vmem>>, %arg17: memref<2000x16xf32, #tpu.memory_space<vmem>>, %arg18: memref<10000x16xf32, #tpu.memory_space<vmem_shared>>, %arg19: memref<!tpu.dma_semaphore, #tpu.memory_space<semaphore_mem>>, %arg20: memref<!tpu.dma_semaphore, #tpu.memory_space<semaphore_mem>>) attributes {dimension_semantics = [#tpu.dimension_semantics<core_parallel>, #tpu.dimension_semantics<subcore_parallel>], iteration_bounds = array<i64: 2, 16>, scalar_prefetch = 0 : i64, scratch_operands = 15 : i64, tpu.core_type = #tpu.core_type<sc_vector_subcore>, window_params = [{transform_indices = #map}, {transform_indices = #map1}, {transform_indices = #map1}, {transform_indices = #map2}]} {
    %mul3A = arith.constant 16 : i32
    %mul3A_0 = arith.muli %arg0, %mul3A : i32
    %add3A = arith.addi %mul3A_0, %arg1 : i32
    %mul3A_1 = arith.constant 10000 : i32
    %mul3A_2 = arith.muli %add3A, %mul3A_1 : i32
    %add3A_3 = arith.constant 0 : i32
    %add3A_4 = arith.addi %mul3A_2, %add3A_3 : i32
    "tpu.region"() ({
      %run_scoped3A = tpu.sem_alloc : memref<!tpu.dma_semaphore, #tpu.memory_space<semaphore_mem>>
      %dma_start3A_69 = tpu.memref_slice %arg2[%add3A_4] : memref<640000xi32, #tpu.memory_space<hbm>> -> memref<2000xi32, #tpu.memory_space<hbm>>
      %dma_start3A_70 = tpu.memref_slice %arg2[%add3A_4] : memref<640000xi32, #tpu.memory_space<hbm>> -> memref<2000xi32, #tpu.memory_space<hbm>>
      tpu.enqueue_dma source(%dma_start3A_70 : memref<2000xi32, #tpu.memory_space<hbm>>) target(%arg6 : memref<2000xi32, #tpu.memory_space<vmem>>) target_semaphore(%run_scoped3A : memref<!tpu.dma_semaphore, #tpu.memory_space<semaphore_mem>>)
      %dma_wait3A_71 = tpu.memref_slice %arg2[%add3A_4] : memref<640000xi32, #tpu.memory_space<hbm>> -> memref<2000xi32, #tpu.memory_space<hbm>>
      %dma_wait3A_72 = tpu.memref_slice %arg2[%add3A_4] : memref<640000xi32, #tpu.memory_space<hbm>> -> memref<2000xi32, #tpu.memory_space<hbm>>
      tpu.wait_dma2 semaphore(%run_scoped3A : memref<!tpu.dma_semaphore, #tpu.memory_space<semaphore_mem>>) src(%dma_wait3A_72 : memref<2000xi32, #tpu.memory_space<hbm>>) dst(%arg6 : memref<2000xi32, #tpu.memory_space<vmem>>)
      tpu.yield
    }) : () -> ()
    %add3A_5 = arith.constant 320000 : i32
    %add3A_6 = arith.addi %add3A_5, %mul3A_2 : i32
    %add3A_7 = arith.constant 0 : i32
    %add3A_8 = arith.addi %add3A_6, %add3A_7 : i32
    "tpu.region"() ({
      %run_scoped3A = tpu.sem_alloc : memref<!tpu.dma_semaphore, #tpu.memory_space<semaphore_mem>>
      %dma_start3A_69 = tpu.memref_slice %arg2[%add3A_8] : memref<640000xi32, #tpu.memory_space<hbm>> -> memref<2000xi32, #tpu.memory_space<hbm>>
      %dma_start3A_70 = tpu.memref_slice %arg2[%add3A_8] : memref<640000xi32, #tpu.memory_space<hbm>> -> memref<2000xi32, #tpu.memory_space<hbm>>
      tpu.enqueue_dma source(%dma_start3A_70 : memref<2000xi32, #tpu.memory_space<hbm>>) target(%arg11 : memref<2000xi32, #tpu.memory_space<vmem>>) target_semaphore(%run_scoped3A : memref<!tpu.dma_semaphore, #tpu.memory_space<semaphore_mem>>)
      %dma_wait3A_71 = tpu.memref_slice %arg2[%add3A_8] : memref<640000xi32, #tpu.memory_space<hbm>> -> memref<2000xi32, #tpu.memory_space<hbm>>
      %dma_wait3A_72 = tpu.memref_slice %arg2[%add3A_8] : memref<640000xi32, #tpu.memory_space<hbm>> -> memref<2000xi32, #tpu.memory_space<hbm>>
      tpu.wait_dma2 semaphore(%run_scoped3A : memref<!tpu.dma_semaphore, #tpu.memory_space<semaphore_mem>>) src(%dma_wait3A_72 : memref<2000xi32, #tpu.memory_space<hbm>>) dst(%arg11 : memref<2000xi32, #tpu.memory_space<vmem>>)
      tpu.yield
    }) : () -> ()
    %add3A_9 = arith.constant 2000 : i32
    %add3A_10 = arith.addi %mul3A_2, %add3A_9 : i32
    "tpu.region"() ({
      %run_scoped3A = tpu.sem_alloc : memref<!tpu.dma_semaphore, #tpu.memory_space<semaphore_mem>>
      %dma_start3A_69 = tpu.memref_slice %arg2[%add3A_10] : memref<640000xi32, #tpu.memory_space<hbm>> -> memref<2000xi32, #tpu.memory_space<hbm>>
      %dma_start3A_70 = tpu.memref_slice %arg2[%add3A_10] : memref<640000xi32, #tpu.memory_space<hbm>> -> memref<2000xi32, #tpu.memory_space<hbm>>
      tpu.enqueue_dma source(%dma_start3A_70 : memref<2000xi32, #tpu.memory_space<hbm>>) target(%arg7 : memref<2000xi32, #tpu.memory_space<vmem>>) target_semaphore(%run_scoped3A : memref<!tpu.dma_semaphore, #tpu.memory_space<semaphore_mem>>)
      %dma_wait3A_71 = tpu.memref_slice %arg2[%add3A_10] : memref<640000xi32, #tpu.memory_space<hbm>> -> memref<2000xi32, #tpu.memory_space<hbm>>
      %dma_wait3A_72 = tpu.memref_slice %arg2[%add3A_10] : memref<640000xi32, #tpu.memory_space<hbm>> -> memref<2000xi32, #tpu.memory_space<hbm>>
      tpu.wait_dma2 semaphore(%run_scoped3A : memref<!tpu.dma_semaphore, #tpu.memory_space<semaphore_mem>>) src(%dma_wait3A_72 : memref<2000xi32, #tpu.memory_space<hbm>>) dst(%arg7 : memref<2000xi32, #tpu.memory_space<vmem>>)
      tpu.yield
    }) : () -> ()
    %add3A_11 = arith.constant 320000 : i32
    %add3A_12 = arith.addi %add3A_11, %mul3A_2 : i32
    %add3A_13 = arith.constant 2000 : i32
    %add3A_14 = arith.addi %add3A_12, %add3A_13 : i32
    "tpu.region"() ({
      %run_scoped3A = tpu.sem_alloc : memref<!tpu.dma_semaphore, #tpu.memory_space<semaphore_mem>>
      %dma_start3A_69 = tpu.memref_slice %arg2[%add3A_14] : memref<640000xi32, #tpu.memory_space<hbm>> -> memref<2000xi32, #tpu.memory_space<hbm>>
      %dma_start3A_70 = tpu.memref_slice %arg2[%add3A_14] : memref<640000xi32, #tpu.memory_space<hbm>> -> memref<2000xi32, #tpu.memory_space<hbm>>
      tpu.enqueue_dma source(%dma_start3A_70 : memref<2000xi32, #tpu.memory_space<hbm>>) target(%arg12 : memref<2000xi32, #tpu.memory_space<vmem>>) target_semaphore(%run_scoped3A : memref<!tpu.dma_semaphore, #tpu.memory_space<semaphore_mem>>)
      %dma_wait3A_71 = tpu.memref_slice %arg2[%add3A_14] : memref<640000xi32, #tpu.memory_space<hbm>> -> memref<2000xi32, #tpu.memory_space<hbm>>
      %dma_wait3A_72 = tpu.memref_slice %arg2[%add3A_14] : memref<640000xi32, #tpu.memory_space<hbm>> -> memref<2000xi32, #tpu.memory_space<hbm>>
      tpu.wait_dma2 semaphore(%run_scoped3A : memref<!tpu.dma_semaphore, #tpu.memory_space<semaphore_mem>>) src(%dma_wait3A_72 : memref<2000xi32, #tpu.memory_space<hbm>>) dst(%arg12 : memref<2000xi32, #tpu.memory_space<vmem>>)
      tpu.yield
    }) : () -> ()
    %add3A_15 = arith.constant 4000 : i32
    %add3A_16 = arith.addi %mul3A_2, %add3A_15 : i32
    "tpu.region"() ({
      %run_scoped3A = tpu.sem_alloc : memref<!tpu.dma_semaphore, #tpu.memory_space<semaphore_mem>>
      %dma_start3A_69 = tpu.memref_slice %arg2[%add3A_16] : memref<640000xi32, #tpu.memory_space<hbm>> -> memref<2000xi32, #tpu.memory_space<hbm>>
      %dma_start3A_70 = tpu.memref_slice %arg2[%add3A_16] : memref<640000xi32, #tpu.memory_space<hbm>> -> memref<2000xi32, #tpu.memory_space<hbm>>
      tpu.enqueue_dma source(%dma_start3A_70 : memref<2000xi32, #tpu.memory_space<hbm>>) target(%arg8 : memref<2000xi32, #tpu.memory_space<vmem>>) target_semaphore(%run_scoped3A : memref<!tpu.dma_semaphore, #tpu.memory_space<semaphore_mem>>)
      %dma_wait3A_71 = tpu.memref_slice %arg2[%add3A_16] : memref<640000xi32, #tpu.memory_space<hbm>> -> memref<2000xi32, #tpu.memory_space<hbm>>
      %dma_wait3A_72 = tpu.memref_slice %arg2[%add3A_16] : memref<640000xi32, #tpu.memory_space<hbm>> -> memref<2000xi32, #tpu.memory_space<hbm>>
      tpu.wait_dma2 semaphore(%run_scoped3A : memref<!tpu.dma_semaphore, #tpu.memory_space<semaphore_mem>>) src(%dma_wait3A_72 : memref<2000xi32, #tpu.memory_space<hbm>>) dst(%arg8 : memref<2000xi32, #tpu.memory_space<vmem>>)
      tpu.yield
    }) : () -> ()
    %add3A_17 = arith.constant 320000 : i32
    %add3A_18 = arith.addi %add3A_17, %mul3A_2 : i32
    %add3A_19 = arith.constant 4000 : i32
    %add3A_20 = arith.addi %add3A_18, %add3A_19 : i32
    "tpu.region"() ({
      %run_scoped3A = tpu.sem_alloc : memref<!tpu.dma_semaphore, #tpu.memory_space<semaphore_mem>>
      %dma_start3A_69 = tpu.memref_slice %arg2[%add3A_20] : memref<640000xi32, #tpu.memory_space<hbm>> -> memref<2000xi32, #tpu.memory_space<hbm>>
      %dma_start3A_70 = tpu.memref_slice %arg2[%add3A_20] : memref<640000xi32, #tpu.memory_space<hbm>> -> memref<2000xi32, #tpu.memory_space<hbm>>
      tpu.enqueue_dma source(%dma_start3A_70 : memref<2000xi32, #tpu.memory_space<hbm>>) target(%arg13 : memref<2000xi32, #tpu.memory_space<vmem>>) target_semaphore(%run_scoped3A : memref<!tpu.dma_semaphore, #tpu.memory_space<semaphore_mem>>)
      %dma_wait3A_71 = tpu.memref_slice %arg2[%add3A_20] : memref<640000xi32, #tpu.memory_space<hbm>> -> memref<2000xi32, #tpu.memory_space<hbm>>
      %dma_wait3A_72 = tpu.memref_slice %arg2[%add3A_20] : memref<640000xi32, #tpu.memory_space<hbm>> -> memref<2000xi32, #tpu.memory_space<hbm>>
      tpu.wait_dma2 semaphore(%run_scoped3A : memref<!tpu.dma_semaphore, #tpu.memory_space<semaphore_mem>>) src(%dma_wait3A_72 : memref<2000xi32, #tpu.memory_space<hbm>>) dst(%arg13 : memref<2000xi32, #tpu.memory_space<vmem>>)
      tpu.yield
    }) : () -> ()
    %add3A_21 = arith.constant 6000 : i32
    %add3A_22 = arith.addi %mul3A_2, %add3A_21 : i32
    "tpu.region"() ({
      %run_scoped3A = tpu.sem_alloc : memref<!tpu.dma_semaphore, #tpu.memory_space<semaphore_mem>>
      %dma_start3A_69 = tpu.memref_slice %arg2[%add3A_22] : memref<640000xi32, #tpu.memory_space<hbm>> -> memref<2000xi32, #tpu.memory_space<hbm>>
      %dma_start3A_70 = tpu.memref_slice %arg2[%add3A_22] : memref<640000xi32, #tpu.memory_space<hbm>> -> memref<2000xi32, #tpu.memory_space<hbm>>
      tpu.enqueue_dma source(%dma_start3A_70 : memref<2000xi32, #tpu.memory_space<hbm>>) target(%arg9 : memref<2000xi32, #tpu.memory_space<vmem>>) target_semaphore(%run_scoped3A : memref<!tpu.dma_semaphore, #tpu.memory_space<semaphore_mem>>)
      %dma_wait3A_71 = tpu.memref_slice %arg2[%add3A_22] : memref<640000xi32, #tpu.memory_space<hbm>> -> memref<2000xi32, #tpu.memory_space<hbm>>
      %dma_wait3A_72 = tpu.memref_slice %arg2[%add3A_22] : memref<640000xi32, #tpu.memory_space<hbm>> -> memref<2000xi32, #tpu.memory_space<hbm>>
      tpu.wait_dma2 semaphore(%run_scoped3A : memref<!tpu.dma_semaphore, #tpu.memory_space<semaphore_mem>>) src(%dma_wait3A_72 : memref<2000xi32, #tpu.memory_space<hbm>>) dst(%arg9 : memref<2000xi32, #tpu.memory_space<vmem>>)
      tpu.yield
    }) : () -> ()
    %add3A_23 = arith.constant 320000 : i32
    %add3A_24 = arith.addi %add3A_23, %mul3A_2 : i32
    %add3A_25 = arith.constant 6000 : i32
    %add3A_26 = arith.addi %add3A_24, %add3A_25 : i32
    "tpu.region"() ({
      %run_scoped3A = tpu.sem_alloc : memref<!tpu.dma_semaphore, #tpu.memory_space<semaphore_mem>>
      %dma_start3A_69 = tpu.memref_slice %arg2[%add3A_26] : memref<640000xi32, #tpu.memory_space<hbm>> -> memref<2000xi32, #tpu.memory_space<hbm>>
      %dma_start3A_70 = tpu.memref_slice %arg2[%add3A_26] : memref<640000xi32, #tpu.memory_space<hbm>> -> memref<2000xi32, #tpu.memory_space<hbm>>
      tpu.enqueue_dma source(%dma_start3A_70 : memref<2000xi32, #tpu.memory_space<hbm>>) target(%arg14 : memref<2000xi32, #tpu.memory_space<vmem>>) target_semaphore(%run_scoped3A : memref<!tpu.dma_semaphore, #tpu.memory_space<semaphore_mem>>)
      %dma_wait3A_71 = tpu.memref_slice %arg2[%add3A_26] : memref<640000xi32, #tpu.memory_space<hbm>> -> memref<2000xi32, #tpu.memory_space<hbm>>
      %dma_wait3A_72 = tpu.memref_slice %arg2[%add3A_26] : memref<640000xi32, #tpu.memory_space<hbm>> -> memref<2000xi32, #tpu.memory_space<hbm>>
      tpu.wait_dma2 semaphore(%run_scoped3A : memref<!tpu.dma_semaphore, #tpu.memory_space<semaphore_mem>>) src(%dma_wait3A_72 : memref<2000xi32, #tpu.memory_space<hbm>>) dst(%arg14 : memref<2000xi32, #tpu.memory_space<vmem>>)
      tpu.yield
    }) : () -> ()
    %add3A_27 = arith.constant 8000 : i32
    %add3A_28 = arith.addi %mul3A_2, %add3A_27 : i32
    "tpu.region"() ({
      %run_scoped3A = tpu.sem_alloc : memref<!tpu.dma_semaphore, #tpu.memory_space<semaphore_mem>>
      %dma_start3A_69 = tpu.memref_slice %arg2[%add3A_28] : memref<640000xi32, #tpu.memory_space<hbm>> -> memref<2000xi32, #tpu.memory_space<hbm>>
      %dma_start3A_70 = tpu.memref_slice %arg2[%add3A_28] : memref<640000xi32, #tpu.memory_space<hbm>> -> memref<2000xi32, #tpu.memory_space<hbm>>
      tpu.enqueue_dma source(%dma_start3A_70 : memref<2000xi32, #tpu.memory_space<hbm>>) target(%arg10 : memref<2000xi32, #tpu.memory_space<vmem>>) target_semaphore(%run_scoped3A : memref<!tpu.dma_semaphore, #tpu.memory_space<semaphore_mem>>)
      %dma_wait3A_71 = tpu.memref_slice %arg2[%add3A_28] : memref<640000xi32, #tpu.memory_space<hbm>> -> memref<2000xi32, #tpu.memory_space<hbm>>
      %dma_wait3A_72 = tpu.memref_slice %arg2[%add3A_28] : memref<640000xi32, #tpu.memory_space<hbm>> -> memref<2000xi32, #tpu.memory_space<hbm>>
      tpu.wait_dma2 semaphore(%run_scoped3A : memref<!tpu.dma_semaphore, #tpu.memory_space<semaphore_mem>>) src(%dma_wait3A_72 : memref<2000xi32, #tpu.memory_space<hbm>>) dst(%arg10 : memref<2000xi32, #tpu.memory_space<vmem>>)
      tpu.yield
    }) : () -> ()
    %add3A_29 = arith.constant 320000 : i32
    %add3A_30 = arith.addi %add3A_29, %mul3A_2 : i32
    %add3A_31 = arith.constant 8000 : i32
    %add3A_32 = arith.addi %add3A_30, %add3A_31 : i32
    "tpu.region"() ({
      %run_scoped3A = tpu.sem_alloc : memref<!tpu.dma_semaphore, #tpu.memory_space<semaphore_mem>>
      %dma_start3A_69 = tpu.memref_slice %arg2[%add3A_32] : memref<640000xi32, #tpu.memory_space<hbm>> -> memref<2000xi32, #tpu.memory_space<hbm>>
      %dma_start3A_70 = tpu.memref_slice %arg2[%add3A_32] : memref<640000xi32, #tpu.memory_space<hbm>> -> memref<2000xi32, #tpu.memory_space<hbm>>
      tpu.enqueue_dma source(%dma_start3A_70 : memref<2000xi32, #tpu.memory_space<hbm>>) target(%arg15 : memref<2000xi32, #tpu.memory_space<vmem>>) target_semaphore(%run_scoped3A : memref<!tpu.dma_semaphore, #tpu.memory_space<semaphore_mem>>)
      %dma_wait3A_71 = tpu.memref_slice %arg2[%add3A_32] : memref<640000xi32, #tpu.memory_space<hbm>> -> memref<2000xi32, #tpu.memory_space<hbm>>
      %dma_wait3A_72 = tpu.memref_slice %arg2[%add3A_32] : memref<640000xi32, #tpu.memory_space<hbm>> -> memref<2000xi32, #tpu.memory_space<hbm>>
      tpu.wait_dma2 semaphore(%run_scoped3A : memref<!tpu.dma_semaphore, #tpu.memory_space<semaphore_mem>>) src(%dma_wait3A_72 : memref<2000xi32, #tpu.memory_space<hbm>>) dst(%arg15 : memref<2000xi32, #tpu.memory_space<vmem>>)
      tpu.yield
    }) : () -> ()
    %lt3A = arith.constant 10 : i32
    %lt3A_33 = arith.cmpi slt, %arg1, %lt3A : i32
    %convert_element_type3A = arith.extui %lt3A_33 : i1 to i32
    %cond3A = arith.constant 0 : i32
    %cond3A_34 = arith.cmpi ne, %convert_element_type3A, %cond3A : i32
    scf.if %cond3A_34 {
      %mul3A_69 = arith.constant 1000 : i32
      %mul3A_70 = arith.muli %arg1, %mul3A_69 : i32
      "tpu.region"() ({
        %run_scoped3A = tpu.sem_alloc : memref<!tpu.dma_semaphore, #tpu.memory_space<semaphore_mem>>
        %dma_start3A_73 = arith.constant 0 : i32
        %dma_start3A_74 = arith.constant 0 : i32
        %dma_start3A_75 = tpu.memref_slice %arg16[%dma_start3A_73, %dma_start3A_74] : memref<2000x16xf32, #tpu.memory_space<vmem>> -> memref<1000x16xf32, #tpu.memory_space<vmem>>
        %dma_start3A_76 = arith.constant 0 : i32
        %dma_start3A_77 = tpu.memref_slice %arg4[%mul3A_70, %dma_start3A_76] : memref<10000x16xf32, #tpu.memory_space<hbm>> -> memref<1000x16xf32, #tpu.memory_space<hbm>>
        %dma_start3A_78 = arith.constant 0 : i32
        %dma_start3A_79 = arith.constant 0 : i32
        %dma_start3A_80 = tpu.memref_slice %arg16[%dma_start3A_78, %dma_start3A_79] : memref<2000x16xf32, #tpu.memory_space<vmem>> -> memref<1000x16xf32, #tpu.memory_space<vmem>>
        %dma_start3A_81 = arith.constant 0 : i32
        %dma_start3A_82 = tpu.memref_slice %arg4[%mul3A_70, %dma_start3A_81] : memref<10000x16xf32, #tpu.memory_space<hbm>> -> memref<1000x16xf32, #tpu.memory_space<hbm>>
        tpu.enqueue_dma source(%dma_start3A_82 : memref<1000x16xf32, #tpu.memory_space<hbm>>) target(%dma_start3A_80 : memref<1000x16xf32, #tpu.memory_space<vmem>>) target_semaphore(%run_scoped3A : memref<!tpu.dma_semaphore, #tpu.memory_space<semaphore_mem>>)
        %dma_wait3A_83 = arith.constant 0 : i32
        %dma_wait3A_84 = arith.constant 0 : i32
        %dma_wait3A_85 = tpu.memref_slice %arg16[%dma_wait3A_83, %dma_wait3A_84] : memref<2000x16xf32, #tpu.memory_space<vmem>> -> memref<1000x16xf32, #tpu.memory_space<vmem>>
        %dma_wait3A_86 = arith.constant 0 : i32
        %dma_wait3A_87 = tpu.memref_slice %arg4[%mul3A_70, %dma_wait3A_86] : memref<10000x16xf32, #tpu.memory_space<hbm>> -> memref<1000x16xf32, #tpu.memory_space<hbm>>
        %dma_wait3A_88 = arith.constant 0 : i32
        %dma_wait3A_89 = arith.constant 0 : i32
        %dma_wait3A_90 = tpu.memref_slice %arg16[%dma_wait3A_88, %dma_wait3A_89] : memref<2000x16xf32, #tpu.memory_space<vmem>> -> memref<1000x16xf32, #tpu.memory_space<vmem>>
        %dma_wait3A_91 = arith.constant 0 : i32
        %dma_wait3A_92 = tpu.memref_slice %arg4[%mul3A_70, %dma_wait3A_91] : memref<10000x16xf32, #tpu.memory_space<hbm>> -> memref<1000x16xf32, #tpu.memory_space<hbm>>
        tpu.wait_dma2 semaphore(%run_scoped3A : memref<!tpu.dma_semaphore, #tpu.memory_space<semaphore_mem>>) src(%dma_wait3A_92 : memref<1000x16xf32, #tpu.memory_space<hbm>>) dst(%dma_wait3A_90 : memref<1000x16xf32, #tpu.memory_space<vmem>>)
        tpu.yield
      }) : () -> ()
      %mul3A_71 = arith.constant 1000 : i32
      %mul3A_72 = arith.muli %arg1, %mul3A_71 : i32
      "tpu.region"() ({
        %run_scoped3A = tpu.sem_alloc : memref<!tpu.dma_semaphore, #tpu.memory_space<semaphore_mem>>
        %dma_start3A_73 = arith.constant 0 : i32
        %dma_start3A_74 = arith.constant 0 : i32
        %dma_start3A_75 = tpu.memref_slice %arg16[%dma_start3A_73, %dma_start3A_74] : memref<2000x16xf32, #tpu.memory_space<vmem>> -> memref<1000x16xf32, #tpu.memory_space<vmem>>
        %dma_start3A_76 = arith.constant 0 : i32
        %dma_start3A_77 = tpu.memref_slice %arg18[%mul3A_72, %dma_start3A_76] : memref<10000x16xf32, #tpu.memory_space<vmem_shared>> -> memref<1000x16xf32, #tpu.memory_space<vmem_shared>>
        %dma_start3A_78 = arith.constant 0 : i32
        %dma_start3A_79 = tpu.memref_slice %arg18[%mul3A_72, %dma_start3A_78] : memref<10000x16xf32, #tpu.memory_space<vmem_shared>> -> memref<1000x16xf32, #tpu.memory_space<vmem_shared>>
        %dma_start3A_80 = arith.constant 0 : i32
        %dma_start3A_81 = arith.constant 0 : i32
        %dma_start3A_82 = tpu.memref_slice %arg16[%dma_start3A_80, %dma_start3A_81] : memref<2000x16xf32, #tpu.memory_space<vmem>> -> memref<1000x16xf32, #tpu.memory_space<vmem>>
        tpu.enqueue_dma source(%dma_start3A_82 : memref<1000x16xf32, #tpu.memory_space<vmem>>) target(%dma_start3A_79 : memref<1000x16xf32, #tpu.memory_space<vmem_shared>>) target_semaphore(%run_scoped3A : memref<!tpu.dma_semaphore, #tpu.memory_space<semaphore_mem>>)
        %dma_wait3A_83 = arith.constant 0 : i32
        %dma_wait3A_84 = arith.constant 0 : i32
        %dma_wait3A_85 = tpu.memref_slice %arg16[%dma_wait3A_83, %dma_wait3A_84] : memref<2000x16xf32, #tpu.memory_space<vmem>> -> memref<1000x16xf32, #tpu.memory_space<vmem>>
        %dma_wait3A_86 = arith.constant 0 : i32
        %dma_wait3A_87 = tpu.memref_slice %arg18[%mul3A_72, %dma_wait3A_86] : memref<10000x16xf32, #tpu.memory_space<vmem_shared>> -> memref<1000x16xf32, #tpu.memory_space<vmem_shared>>
        %dma_wait3A_88 = arith.constant 0 : i32
        %dma_wait3A_89 = tpu.memref_slice %arg18[%mul3A_72, %dma_wait3A_88] : memref<10000x16xf32, #tpu.memory_space<vmem_shared>> -> memref<1000x16xf32, #tpu.memory_space<vmem_shared>>
        %dma_wait3A_90 = arith.constant 0 : i32
        %dma_wait3A_91 = arith.constant 0 : i32
        %dma_wait3A_92 = tpu.memref_slice %arg16[%dma_wait3A_90, %dma_wait3A_91] : memref<2000x16xf32, #tpu.memory_space<vmem>> -> memref<1000x16xf32, #tpu.memory_space<vmem>>
        tpu.wait_dma2 semaphore(%run_scoped3A : memref<!tpu.dma_semaphore, #tpu.memory_space<semaphore_mem>>) src(%dma_wait3A_92 : memref<1000x16xf32, #tpu.memory_space<vmem>>) dst(%dma_wait3A_89 : memref<1000x16xf32, #tpu.memory_space<vmem_shared>>)
        tpu.yield
      }) : () -> ()
    } else {
    }
    %barrier3A = arith.constant 0 : index
    tpu.barrier barrier_id(%barrier3A)
    %dma_start3A = arith.constant 0 : i32
    %dma_start3A_35 = arith.constant 0 : i32
    %dma_start3A_36 = tpu.memref_slice %arg3[%dma_start3A, %dma_start3A_35] : memref<10000x16xf32, #tpu.memory_space<hbm>> -> memref<10000x16xf32, #tpu.memory_space<hbm>>
    tpu.enqueue_indirect_dma source(%dma_start3A_36 : memref<10000x16xf32, #tpu.memory_space<hbm>>) target(%arg16 : memref<2000x16xf32, #tpu.memory_space<vmem>>) offsets(%arg6 : memref<2000xi32, #tpu.memory_space<vmem>>) semaphore(%arg19 : memref<!tpu.dma_semaphore, #tpu.memory_space<semaphore_mem>>)
    %dma_wait3A = arith.constant 0 : i32
    %dma_wait3A_37 = arith.constant 0 : i32
    %dma_wait3A_38 = tpu.memref_slice %arg3[%dma_wait3A, %dma_wait3A_37] : memref<10000x16xf32, #tpu.memory_space<hbm>> -> memref<10000x16xf32, #tpu.memory_space<hbm>>
    tpu.wait_indirect_dma semaphore(%arg19 : memref<!tpu.dma_semaphore, #tpu.memory_space<semaphore_mem>>) src(%dma_wait3A_38 : memref<10000x16xf32, #tpu.memory_space<hbm>>) dst(%arg16 : memref<2000x16xf32, #tpu.memory_space<vmem>>)
    %dma_start3A_39 = arith.constant 0 : i32
    %dma_start3A_40 = arith.constant 0 : i32
    %dma_start3A_41 = tpu.memref_slice %arg3[%dma_start3A_39, %dma_start3A_40] : memref<10000x16xf32, #tpu.memory_space<hbm>> -> memref<10000x16xf32, #tpu.memory_space<hbm>>
    tpu.enqueue_indirect_dma source(%dma_start3A_41 : memref<10000x16xf32, #tpu.memory_space<hbm>>) target(%arg17 : memref<2000x16xf32, #tpu.memory_space<vmem>>) offsets(%arg7 : memref<2000xi32, #tpu.memory_space<vmem>>) semaphore(%arg20 : memref<!tpu.dma_semaphore, #tpu.memory_space<semaphore_mem>>)
    "tpu.region"() ({
      %run_scoped3A = tpu.sem_alloc : memref<!tpu.dma_semaphore, #tpu.memory_space<semaphore_mem>>
      %dma_start3A_69 = arith.constant 0 : i32
      %dma_start3A_70 = arith.constant 0 : i32
      %dma_start3A_71 = tpu.memref_slice %arg18[%dma_start3A_69, %dma_start3A_70] : memref<10000x16xf32, #tpu.memory_space<vmem_shared>> -> memref<10000x16xf32, #tpu.memory_space<vmem_shared>>
      tpu.enqueue_indirect_dma source(%arg16 : memref<2000x16xf32, #tpu.memory_space<vmem>>) target(%dma_start3A_71 : memref<10000x16xf32, #tpu.memory_space<vmem_shared>>) offsets(%arg11 : memref<2000xi32, #tpu.memory_space<vmem>>) semaphore(%run_scoped3A : memref<!tpu.dma_semaphore, #tpu.memory_space<semaphore_mem>>) {add = true}
      %dma_wait3A_72 = arith.constant 0 : i32
      %dma_wait3A_73 = arith.constant 0 : i32
      %dma_wait3A_74 = tpu.memref_slice %arg18[%dma_wait3A_72, %dma_wait3A_73] : memref<10000x16xf32, #tpu.memory_space<vmem_shared>> -> memref<10000x16xf32, #tpu.memory_space<vmem_shared>>
      tpu.wait_indirect_dma semaphore(%run_scoped3A : memref<!tpu.dma_semaphore, #tpu.memory_space<semaphore_mem>>) src(%arg16 : memref<2000x16xf32, #tpu.memory_space<vmem>>) dst(%dma_wait3A_74 : memref<10000x16xf32, #tpu.memory_space<vmem_shared>>)
      tpu.yield
    }) : () -> ()
    %dma_wait3A_42 = arith.constant 0 : i32
    %dma_wait3A_43 = arith.constant 0 : i32
    %dma_wait3A_44 = tpu.memref_slice %arg3[%dma_wait3A_42, %dma_wait3A_43] : memref<10000x16xf32, #tpu.memory_space<hbm>> -> memref<10000x16xf32, #tpu.memory_space<hbm>>
    tpu.wait_indirect_dma semaphore(%arg20 : memref<!tpu.dma_semaphore, #tpu.memory_space<semaphore_mem>>) src(%dma_wait3A_44 : memref<10000x16xf32, #tpu.memory_space<hbm>>) dst(%arg17 : memref<2000x16xf32, #tpu.memory_space<vmem>>)
    %dma_start3A_45 = arith.constant 0 : i32
    %dma_start3A_46 = arith.constant 0 : i32
    %dma_start3A_47 = tpu.memref_slice %arg3[%dma_start3A_45, %dma_start3A_46] : memref<10000x16xf32, #tpu.memory_space<hbm>> -> memref<10000x16xf32, #tpu.memory_space<hbm>>
    tpu.enqueue_indirect_dma source(%dma_start3A_47 : memref<10000x16xf32, #tpu.memory_space<hbm>>) target(%arg16 : memref<2000x16xf32, #tpu.memory_space<vmem>>) offsets(%arg8 : memref<2000xi32, #tpu.memory_space<vmem>>) semaphore(%arg19 : memref<!tpu.dma_semaphore, #tpu.memory_space<semaphore_mem>>)
    "tpu.region"() ({
      %run_scoped3A = tpu.sem_alloc : memref<!tpu.dma_semaphore, #tpu.memory_space<semaphore_mem>>
      %dma_start3A_69 = arith.constant 0 : i32
      %dma_start3A_70 = arith.constant 0 : i32
      %dma_start3A_71 = tpu.memref_slice %arg18[%dma_start3A_69, %dma_start3A_70] : memref<10000x16xf32, #tpu.memory_space<vmem_shared>> -> memref<10000x16xf32, #tpu.memory_space<vmem_shared>>
      tpu.enqueue_indirect_dma source(%arg17 : memref<2000x16xf32, #tpu.memory_space<vmem>>) target(%dma_start3A_71 : memref<10000x16xf32, #tpu.memory_space<vmem_shared>>) offsets(%arg12 : memref<2000xi32, #tpu.memory_space<vmem>>) semaphore(%run_scoped3A : memref<!tpu.dma_semaphore, #tpu.memory_space<semaphore_mem>>) {add = true}
      %dma_wait3A_72 = arith.constant 0 : i32
      %dma_wait3A_73 = arith.constant 0 : i32
      %dma_wait3A_74 = tpu.memref_slice %arg18[%dma_wait3A_72, %dma_wait3A_73] : memref<10000x16xf32, #tpu.memory_space<vmem_shared>> -> memref<10000x16xf32, #tpu.memory_space<vmem_shared>>
      tpu.wait_indirect_dma semaphore(%run_scoped3A : memref<!tpu.dma_semaphore, #tpu.memory_space<semaphore_mem>>) src(%arg17 : memref<2000x16xf32, #tpu.memory_space<vmem>>) dst(%dma_wait3A_74 : memref<10000x16xf32, #tpu.memory_space<vmem_shared>>)
      tpu.yield
    }) : () -> ()
    %dma_wait3A_48 = arith.constant 0 : i32
    %dma_wait3A_49 = arith.constant 0 : i32
    %dma_wait3A_50 = tpu.memref_slice %arg3[%dma_wait3A_48, %dma_wait3A_49] : memref<10000x16xf32, #tpu.memory_space<hbm>> -> memref<10000x16xf32, #tpu.memory_space<hbm>>
    tpu.wait_indirect_dma semaphore(%arg19 : memref<!tpu.dma_semaphore, #tpu.memory_space<semaphore_mem>>) src(%dma_wait3A_50 : memref<10000x16xf32, #tpu.memory_space<hbm>>) dst(%arg16 : memref<2000x16xf32, #tpu.memory_space<vmem>>)
    %dma_start3A_51 = arith.constant 0 : i32
    %dma_start3A_52 = arith.constant 0 : i32
    %dma_start3A_53 = tpu.memref_slice %arg3[%dma_start3A_51, %dma_start3A_52] : memref<10000x16xf32, #tpu.memory_space<hbm>> -> memref<10000x16xf32, #tpu.memory_space<hbm>>
    tpu.enqueue_indirect_dma source(%dma_start3A_53 : memref<10000x16xf32, #tpu.memory_space<hbm>>) target(%arg17 : memref<2000x16xf32, #tpu.memory_space<vmem>>) offsets(%arg9 : memref<2000xi32, #tpu.memory_space<vmem>>) semaphore(%arg20 : memref<!tpu.dma_semaphore, #tpu.memory_space<semaphore_mem>>)
    "tpu.region"() ({
      %run_scoped3A = tpu.sem_alloc : memref<!tpu.dma_semaphore, #tpu.memory_space<semaphore_mem>>
      %dma_start3A_69 = arith.constant 0 : i32
      %dma_start3A_70 = arith.constant 0 : i32
      %dma_start3A_71 = tpu.memref_slice %arg18[%dma_start3A_69, %dma_start3A_70] : memref<10000x16xf32, #tpu.memory_space<vmem_shared>> -> memref<10000x16xf32, #tpu.memory_space<vmem_shared>>
      tpu.enqueue_indirect_dma source(%arg16 : memref<2000x16xf32, #tpu.memory_space<vmem>>) target(%dma_start3A_71 : memref<10000x16xf32, #tpu.memory_space<vmem_shared>>) offsets(%arg13 : memref<2000xi32, #tpu.memory_space<vmem>>) semaphore(%run_scoped3A : memref<!tpu.dma_semaphore, #tpu.memory_space<semaphore_mem>>) {add = true}
      %dma_wait3A_72 = arith.constant 0 : i32
      %dma_wait3A_73 = arith.constant 0 : i32
      %dma_wait3A_74 = tpu.memref_slice %arg18[%dma_wait3A_72, %dma_wait3A_73] : memref<10000x16xf32, #tpu.memory_space<vmem_shared>> -> memref<10000x16xf32, #tpu.memory_space<vmem_shared>>
      tpu.wait_indirect_dma semaphore(%run_scoped3A : memref<!tpu.dma_semaphore, #tpu.memory_space<semaphore_mem>>) src(%arg16 : memref<2000x16xf32, #tpu.memory_space<vmem>>) dst(%dma_wait3A_74 : memref<10000x16xf32, #tpu.memory_space<vmem_shared>>)
      tpu.yield
    }) : () -> ()
    %dma_wait3A_54 = arith.constant 0 : i32
    %dma_wait3A_55 = arith.constant 0 : i32
    %dma_wait3A_56 = tpu.memref_slice %arg3[%dma_wait3A_54, %dma_wait3A_55] : memref<10000x16xf32, #tpu.memory_space<hbm>> -> memref<10000x16xf32, #tpu.memory_space<hbm>>
    tpu.wait_indirect_dma semaphore(%arg20 : memref<!tpu.dma_semaphore, #tpu.memory_space<semaphore_mem>>) src(%dma_wait3A_56 : memref<10000x16xf32, #tpu.memory_space<hbm>>) dst(%arg17 : memref<2000x16xf32, #tpu.memory_space<vmem>>)
    %dma_start3A_57 = arith.constant 0 : i32
    %dma_start3A_58 = arith.constant 0 : i32
    %dma_start3A_59 = tpu.memref_slice %arg3[%dma_start3A_57, %dma_start3A_58] : memref<10000x16xf32, #tpu.memory_space<hbm>> -> memref<10000x16xf32, #tpu.memory_space<hbm>>
    tpu.enqueue_indirect_dma source(%dma_start3A_59 : memref<10000x16xf32, #tpu.memory_space<hbm>>) target(%arg16 : memref<2000x16xf32, #tpu.memory_space<vmem>>) offsets(%arg10 : memref<2000xi32, #tpu.memory_space<vmem>>) semaphore(%arg19 : memref<!tpu.dma_semaphore, #tpu.memory_space<semaphore_mem>>)
    "tpu.region"() ({
      %run_scoped3A = tpu.sem_alloc : memref<!tpu.dma_semaphore, #tpu.memory_space<semaphore_mem>>
      %dma_start3A_69 = arith.constant 0 : i32
      %dma_start3A_70 = arith.constant 0 : i32
      %dma_start3A_71 = tpu.memref_slice %arg18[%dma_start3A_69, %dma_start3A_70] : memref<10000x16xf32, #tpu.memory_space<vmem_shared>> -> memref<10000x16xf32, #tpu.memory_space<vmem_shared>>
      tpu.enqueue_indirect_dma source(%arg17 : memref<2000x16xf32, #tpu.memory_space<vmem>>) target(%dma_start3A_71 : memref<10000x16xf32, #tpu.memory_space<vmem_shared>>) offsets(%arg14 : memref<2000xi32, #tpu.memory_space<vmem>>) semaphore(%run_scoped3A : memref<!tpu.dma_semaphore, #tpu.memory_space<semaphore_mem>>) {add = true}
      %dma_wait3A_72 = arith.constant 0 : i32
      %dma_wait3A_73 = arith.constant 0 : i32
      %dma_wait3A_74 = tpu.memref_slice %arg18[%dma_wait3A_72, %dma_wait3A_73] : memref<10000x16xf32, #tpu.memory_space<vmem_shared>> -> memref<10000x16xf32, #tpu.memory_space<vmem_shared>>
      tpu.wait_indirect_dma semaphore(%run_scoped3A : memref<!tpu.dma_semaphore, #tpu.memory_space<semaphore_mem>>) src(%arg17 : memref<2000x16xf32, #tpu.memory_space<vmem>>) dst(%dma_wait3A_74 : memref<10000x16xf32, #tpu.memory_space<vmem_shared>>)
      tpu.yield
    }) : () -> ()
    %dma_wait3A_60 = arith.constant 0 : i32
    %dma_wait3A_61 = arith.constant 0 : i32
    %dma_wait3A_62 = tpu.memref_slice %arg3[%dma_wait3A_60, %dma_wait3A_61] : memref<10000x16xf32, #tpu.memory_space<hbm>> -> memref<10000x16xf32, #tpu.memory_space<hbm>>
    tpu.wait_indirect_dma semaphore(%arg19 : memref<!tpu.dma_semaphore, #tpu.memory_space<semaphore_mem>>) src(%dma_wait3A_62 : memref<10000x16xf32, #tpu.memory_space<hbm>>) dst(%arg16 : memref<2000x16xf32, #tpu.memory_space<vmem>>)
    "tpu.region"() ({
      %run_scoped3A = tpu.sem_alloc : memref<!tpu.dma_semaphore, #tpu.memory_space<semaphore_mem>>
      %dma_start3A_69 = arith.constant 0 : i32
      %dma_start3A_70 = arith.constant 0 : i32
      %dma_start3A_71 = tpu.memref_slice %arg18[%dma_start3A_69, %dma_start3A_70] : memref<10000x16xf32, #tpu.memory_space<vmem_shared>> -> memref<10000x16xf32, #tpu.memory_space<vmem_shared>>
      tpu.enqueue_indirect_dma source(%arg16 : memref<2000x16xf32, #tpu.memory_space<vmem>>) target(%dma_start3A_71 : memref<10000x16xf32, #tpu.memory_space<vmem_shared>>) offsets(%arg15 : memref<2000xi32, #tpu.memory_space<vmem>>) semaphore(%run_scoped3A : memref<!tpu.dma_semaphore, #tpu.memory_space<semaphore_mem>>) {add = true}
      %dma_wait3A_72 = arith.constant 0 : i32
      %dma_wait3A_73 = arith.constant 0 : i32
      %dma_wait3A_74 = tpu.memref_slice %arg18[%dma_wait3A_72, %dma_wait3A_73] : memref<10000x16xf32, #tpu.memory_space<vmem_shared>> -> memref<10000x16xf32, #tpu.memory_space<vmem_shared>>
      tpu.wait_indirect_dma semaphore(%run_scoped3A : memref<!tpu.dma_semaphore, #tpu.memory_space<semaphore_mem>>) src(%arg16 : memref<2000x16xf32, #tpu.memory_space<vmem>>) dst(%dma_wait3A_74 : memref<10000x16xf32, #tpu.memory_space<vmem_shared>>)
      tpu.yield
    }) : () -> ()
    %barrier3A_63 = arith.constant 0 : index
    tpu.barrier barrier_id(%barrier3A_63)
    %lt3A_64 = arith.constant 10 : i32
    %lt3A_65 = arith.cmpi slt, %arg1, %lt3A_64 : i32
    %convert_element_type3A_66 = arith.extui %lt3A_65 : i1 to i32
    %cond3A_67 = arith.constant 0 : i32
    %cond3A_68 = arith.cmpi ne, %convert_element_type3A_66, %cond3A_67 : i32
    scf.if %cond3A_68 {
      %mul3A_69 = arith.constant 1000 : i32
      %mul3A_70 = arith.muli %arg1, %mul3A_69 : i32
      "tpu.region"() ({
        %run_scoped3A = tpu.sem_alloc : memref<!tpu.dma_semaphore, #tpu.memory_space<semaphore_mem>>
        %dma_start3A_73 = arith.constant 0 : i32
        %dma_start3A_74 = arith.constant 0 : i32
        %dma_start3A_75 = tpu.memref_slice %arg16[%dma_start3A_73, %dma_start3A_74] : memref<2000x16xf32, #tpu.memory_space<vmem>> -> memref<1000x16xf32, #tpu.memory_space<vmem>>
        %dma_start3A_76 = arith.constant 0 : i32
        %dma_start3A_77 = tpu.memref_slice %arg18[%mul3A_70, %dma_start3A_76] : memref<10000x16xf32, #tpu.memory_space<vmem_shared>> -> memref<1000x16xf32, #tpu.memory_space<vmem_shared>>
        %dma_start3A_78 = arith.constant 0 : i32
        %dma_start3A_79 = arith.constant 0 : i32
        %dma_start3A_80 = tpu.memref_slice %arg16[%dma_start3A_78, %dma_start3A_79] : memref<2000x16xf32, #tpu.memory_space<vmem>> -> memref<1000x16xf32, #tpu.memory_space<vmem>>
        %dma_start3A_81 = arith.constant 0 : i32
        %dma_start3A_82 = tpu.memref_slice %arg18[%mul3A_70, %dma_start3A_81] : memref<10000x16xf32, #tpu.memory_space<vmem_shared>> -> memref<1000x16xf32, #tpu.memory_space<vmem_shared>>
        tpu.enqueue_dma source(%dma_start3A_82 : memref<1000x16xf32, #tpu.memory_space<vmem_shared>>) target(%dma_start3A_80 : memref<1000x16xf32, #tpu.memory_space<vmem>>) target_semaphore(%run_scoped3A : memref<!tpu.dma_semaphore, #tpu.memory_space<semaphore_mem>>)
        %dma_wait3A_83 = arith.constant 0 : i32
        %dma_wait3A_84 = arith.constant 0 : i32
        %dma_wait3A_85 = tpu.memref_slice %arg16[%dma_wait3A_83, %dma_wait3A_84] : memref<2000x16xf32, #tpu.memory_space<vmem>> -> memref<1000x16xf32, #tpu.memory_space<vmem>>
        %dma_wait3A_86 = arith.constant 0 : i32
        %dma_wait3A_87 = tpu.memref_slice %arg18[%mul3A_70, %dma_wait3A_86] : memref<10000x16xf32, #tpu.memory_space<vmem_shared>> -> memref<1000x16xf32, #tpu.memory_space<vmem_shared>>
        %dma_wait3A_88 = arith.constant 0 : i32
        %dma_wait3A_89 = arith.constant 0 : i32
        %dma_wait3A_90 = tpu.memref_slice %arg16[%dma_wait3A_88, %dma_wait3A_89] : memref<2000x16xf32, #tpu.memory_space<vmem>> -> memref<1000x16xf32, #tpu.memory_space<vmem>>
        %dma_wait3A_91 = arith.constant 0 : i32
        %dma_wait3A_92 = tpu.memref_slice %arg18[%mul3A_70, %dma_wait3A_91] : memref<10000x16xf32, #tpu.memory_space<vmem_shared>> -> memref<1000x16xf32, #tpu.memory_space<vmem_shared>>
        tpu.wait_dma2 semaphore(%run_scoped3A : memref<!tpu.dma_semaphore, #tpu.memory_space<semaphore_mem>>) src(%dma_wait3A_92 : memref<1000x16xf32, #tpu.memory_space<vmem_shared>>) dst(%dma_wait3A_90 : memref<1000x16xf32, #tpu.memory_space<vmem>>)
        tpu.yield
      }) : () -> ()
      %mul3A_71 = arith.constant 1000 : i32
      %mul3A_72 = arith.muli %arg1, %mul3A_71 : i32
      "tpu.region"() ({
        %run_scoped3A = tpu.sem_alloc : memref<!tpu.dma_semaphore, #tpu.memory_space<semaphore_mem>>
        %dma_start3A_73 = arith.constant 0 : i32
        %dma_start3A_74 = arith.constant 0 : i32
        %dma_start3A_75 = tpu.memref_slice %arg16[%dma_start3A_73, %dma_start3A_74] : memref<2000x16xf32, #tpu.memory_space<vmem>> -> memref<1000x16xf32, #tpu.memory_space<vmem>>
        %dma_start3A_76 = arith.constant 0 : i32
        %dma_start3A_77 = tpu.memref_slice %arg5[%arg0, %mul3A_72, %dma_start3A_76] : memref<2x10000x16xf32, #tpu.memory_space<hbm>> -> memref<1x1000x16xf32, #tpu.memory_space<hbm>>
        %dma_start3A_78 = tpu.memref_squeeze %dma_start3A_77 : memref<1x1000x16xf32, #tpu.memory_space<hbm>> -> memref<1000x16xf32, #tpu.memory_space<hbm>>
        %dma_start3A_79 = arith.constant 0 : i32
        %dma_start3A_80 = tpu.memref_slice %arg5[%arg0, %mul3A_72, %dma_start3A_79] : memref<2x10000x16xf32, #tpu.memory_space<hbm>> -> memref<1x1000x16xf32, #tpu.memory_space<hbm>>
        %dma_start3A_81 = tpu.memref_squeeze %dma_start3A_80 : memref<1x1000x16xf32, #tpu.memory_space<hbm>> -> memref<1000x16xf32, #tpu.memory_space<hbm>>
        %dma_start3A_82 = arith.constant 0 : i32
        %dma_start3A_83 = arith.constant 0 : i32
        %dma_start3A_84 = tpu.memref_slice %arg16[%dma_start3A_82, %dma_start3A_83] : memref<2000x16xf32, #tpu.memory_space<vmem>> -> memref<1000x16xf32, #tpu.memory_space<vmem>>
        tpu.enqueue_dma source(%dma_start3A_84 : memref<1000x16xf32, #tpu.memory_space<vmem>>) target(%dma_start3A_81 : memref<1000x16xf32, #tpu.memory_space<hbm>>) target_semaphore(%run_scoped3A : memref<!tpu.dma_semaphore, #tpu.memory_space<semaphore_mem>>)
        %dma_wait3A_85 = arith.constant 0 : i32
        %dma_wait3A_86 = arith.constant 0 : i32
        %dma_wait3A_87 = tpu.memref_slice %arg16[%dma_wait3A_85, %dma_wait3A_86] : memref<2000x16xf32, #tpu.memory_space<vmem>> -> memref<1000x16xf32, #tpu.memory_space<vmem>>
        %dma_wait3A_88 = arith.constant 0 : i32
        %dma_wait3A_89 = tpu.memref_slice %arg5[%arg0, %mul3A_72, %dma_wait3A_88] : memref<2x10000x16xf32, #tpu.memory_space<hbm>> -> memref<1x1000x16xf32, #tpu.memory_space<hbm>>
        %dma_wait3A_90 = tpu.memref_squeeze %dma_wait3A_89 : memref<1x1000x16xf32, #tpu.memory_space<hbm>> -> memref<1000x16xf32, #tpu.memory_space<hbm>>
        %dma_wait3A_91 = arith.constant 0 : i32
        %dma_wait3A_92 = tpu.memref_slice %arg5[%arg0, %mul3A_72, %dma_wait3A_91] : memref<2x10000x16xf32, #tpu.memory_space<hbm>> -> memref<1x1000x16xf32, #tpu.memory_space<hbm>>
        %dma_wait3A_93 = tpu.memref_squeeze %dma_wait3A_92 : memref<1x1000x16xf32, #tpu.memory_space<hbm>> -> memref<1000x16xf32, #tpu.memory_space<hbm>>
        %dma_wait3A_94 = arith.constant 0 : i32
        %dma_wait3A_95 = arith.constant 0 : i32
        %dma_wait3A_96 = tpu.memref_slice %arg16[%dma_wait3A_94, %dma_wait3A_95] : memref<2000x16xf32, #tpu.memory_space<vmem>> -> memref<1000x16xf32, #tpu.memory_space<vmem>>
        tpu.wait_dma2 semaphore(%run_scoped3A : memref<!tpu.dma_semaphore, #tpu.memory_space<semaphore_mem>>) src(%dma_wait3A_96 : memref<1000x16xf32, #tpu.memory_space<vmem>>) dst(%dma_wait3A_93 : memref<1000x16xf32, #tpu.memory_space<hbm>>)
        tpu.yield
      }) : () -> ()
    } else {
    }
    return
  }
}

#map = affine_map<(d0, d1) -> (0)>
#map1 = affine_map<(d0, d1) -> (0, 0)>
module attributes {stable_mosaic.version = 14 : i64} {
  func.func @_deg_kernel(%arg0: i32, %arg1: i32, %arg2: memref<640000xi32, #tpu.memory_space<hbm>>, %arg3: memref<5120xf32, #tpu.memory_space<hbm>>, %arg4: memref<10000x16xf32, #tpu.memory_space<hbm>>, %arg5: memref<20000xi32, #tpu.memory_space<vmem>>, %arg6: memref<20000xi32, #tpu.memory_space<vmem>>, %arg7: memref<20000xf32, #tpu.memory_space<vmem>>, %arg8: memref<1000xf32, #tpu.memory_space<vmem>>, %arg9: memref<1000x16xf32, #tpu.memory_space<vmem>>, %arg10: memref<5120xf32, #tpu.memory_space<vmem_shared>>) attributes {dimension_semantics = [#tpu.dimension_semantics<core_parallel>, #tpu.dimension_semantics<subcore_parallel>], iteration_bounds = array<i64: 2, 16>, scalar_prefetch = 0 : i64, scratch_operands = 6 : i64, tpu.core_type = #tpu.core_type<sc_vector_subcore>, window_params = [{transform_indices = #map}, {transform_indices = #map}, {transform_indices = #map1}]} {
    %mul3A = arith.constant 5000 : i32
    %mul3A_0 = arith.muli %arg0, %mul3A : i32
    %mul3A_1 = arith.constant 20000 : i32
    %mul3A_2 = arith.muli %arg1, %mul3A_1 : i32
    %add3A = arith.constant 320000 : i32
    %add3A_3 = arith.addi %add3A, %mul3A_2 : i32
    "tpu.region"() ({
      %run_scoped3A = tpu.sem_alloc : memref<!tpu.dma_semaphore, #tpu.memory_space<semaphore_mem>>
      %dma_start3A = tpu.memref_slice %arg2[%add3A_3] : memref<640000xi32, #tpu.memory_space<hbm>> -> memref<20000xi32, #tpu.memory_space<hbm>>
      %dma_start3A_17 = tpu.memref_slice %arg2[%add3A_3] : memref<640000xi32, #tpu.memory_space<hbm>> -> memref<20000xi32, #tpu.memory_space<hbm>>
      tpu.enqueue_dma source(%dma_start3A_17 : memref<20000xi32, #tpu.memory_space<hbm>>) target(%arg5 : memref<20000xi32, #tpu.memory_space<vmem>>) target_semaphore(%run_scoped3A : memref<!tpu.dma_semaphore, #tpu.memory_space<semaphore_mem>>)
      %dma_wait3A = tpu.memref_slice %arg2[%add3A_3] : memref<640000xi32, #tpu.memory_space<hbm>> -> memref<20000xi32, #tpu.memory_space<hbm>>
      %dma_wait3A_18 = tpu.memref_slice %arg2[%add3A_3] : memref<640000xi32, #tpu.memory_space<hbm>> -> memref<20000xi32, #tpu.memory_space<hbm>>
      tpu.wait_dma2 semaphore(%run_scoped3A : memref<!tpu.dma_semaphore, #tpu.memory_space<semaphore_mem>>) src(%dma_wait3A_18 : memref<20000xi32, #tpu.memory_space<hbm>>) dst(%arg5 : memref<20000xi32, #tpu.memory_space<vmem>>)
      tpu.yield
    }) : () -> ()
    %eq3A = arith.constant 0 : i32
    %eq3A_4 = arith.cmpi eq, %arg1, %eq3A : i32
    %convert_element_type3A = arith.extui %eq3A_4 : i1 to i32
    %cond3A = arith.constant 0 : i32
    %cond3A_5 = arith.cmpi ne, %convert_element_type3A, %cond3A : i32
    scf.if %cond3A_5 {
      "tpu.region"() ({
        %run_scoped3A = tpu.sem_alloc : memref<!tpu.dma_semaphore, #tpu.memory_space<semaphore_mem>>
        %dma_start3A = arith.constant 0 : i32
        %dma_start3A_17 = tpu.memref_slice %arg7[%dma_start3A] : memref<20000xf32, #tpu.memory_space<vmem>> -> memref<5120xf32, #tpu.memory_space<vmem>>
        %dma_start3A_18 = arith.constant 0 : i32
        %dma_start3A_19 = tpu.memref_slice %arg7[%dma_start3A_18] : memref<20000xf32, #tpu.memory_space<vmem>> -> memref<5120xf32, #tpu.memory_space<vmem>>
        tpu.enqueue_dma source(%arg3 : memref<5120xf32, #tpu.memory_space<hbm>>) target(%dma_start3A_19 : memref<5120xf32, #tpu.memory_space<vmem>>) target_semaphore(%run_scoped3A : memref<!tpu.dma_semaphore, #tpu.memory_space<semaphore_mem>>)
        %dma_wait3A = arith.constant 0 : i32
        %dma_wait3A_20 = tpu.memref_slice %arg7[%dma_wait3A] : memref<20000xf32, #tpu.memory_space<vmem>> -> memref<5120xf32, #tpu.memory_space<vmem>>
        %dma_wait3A_21 = arith.constant 0 : i32
        %dma_wait3A_22 = tpu.memref_slice %arg7[%dma_wait3A_21] : memref<20000xf32, #tpu.memory_space<vmem>> -> memref<5120xf32, #tpu.memory_space<vmem>>
        tpu.wait_dma2 semaphore(%run_scoped3A : memref<!tpu.dma_semaphore, #tpu.memory_space<semaphore_mem>>) src(%arg3 : memref<5120xf32, #tpu.memory_space<hbm>>) dst(%dma_wait3A_22 : memref<5120xf32, #tpu.memory_space<vmem>>)
        tpu.yield
      }) : () -> ()
      "tpu.region"() ({
        %run_scoped3A = tpu.sem_alloc : memref<!tpu.dma_semaphore, #tpu.memory_space<semaphore_mem>>
        %dma_start3A = arith.constant 0 : i32
        %dma_start3A_17 = tpu.memref_slice %arg7[%dma_start3A] : memref<20000xf32, #tpu.memory_space<vmem>> -> memref<5120xf32, #tpu.memory_space<vmem>>
        %dma_start3A_18 = arith.constant 0 : i32
        %dma_start3A_19 = tpu.memref_slice %arg7[%dma_start3A_18] : memref<20000xf32, #tpu.memory_space<vmem>> -> memref<5120xf32, #tpu.memory_space<vmem>>
        tpu.enqueue_dma source(%dma_start3A_19 : memref<5120xf32, #tpu.memory_space<vmem>>) target(%arg10 : memref<5120xf32, #tpu.memory_space<vmem_shared>>) target_semaphore(%run_scoped3A : memref<!tpu.dma_semaphore, #tpu.memory_space<semaphore_mem>>)
        %dma_wait3A = arith.constant 0 : i32
        %dma_wait3A_20 = tpu.memref_slice %arg7[%dma_wait3A] : memref<20000xf32, #tpu.memory_space<vmem>> -> memref<5120xf32, #tpu.memory_space<vmem>>
        %dma_wait3A_21 = arith.constant 0 : i32
        %dma_wait3A_22 = tpu.memref_slice %arg7[%dma_wait3A_21] : memref<20000xf32, #tpu.memory_space<vmem>> -> memref<5120xf32, #tpu.memory_space<vmem>>
        tpu.wait_dma2 semaphore(%run_scoped3A : memref<!tpu.dma_semaphore, #tpu.memory_space<semaphore_mem>>) src(%dma_wait3A_22 : memref<5120xf32, #tpu.memory_space<vmem>>) dst(%arg10 : memref<5120xf32, #tpu.memory_space<vmem_shared>>)
        tpu.yield
      }) : () -> ()
    } else {
    }
    %scan3A = arith.constant 0 : i32
    %scan3A_6 = arith.constant 0 : i32
    %scan3A_7 = arith.constant 1250 : i32
    %scan3A_8 = arith.addi %scan3A_6, %scan3A_7 : i32
    %scan3A_9 = arith.constant 1 : i32
    %scan3A_10 = scf.for %scan3A_17 = %scan3A_6 to %scan3A_8 step %scan3A_9 iter_args(%scan3A_18 = %scan3A) -> (i32)  : i32 {
      %mul3A_19 = arith.constant 16 : i32
      %mul3A_20 = arith.muli %scan3A_17, %mul3A_19 : i32
      %get3A = arith.index_cast %mul3A_20 : i32 to index
      %get3A_21 = tpu.vector_load %arg5[%get3A] {strides = array<i32>} : memref<20000xi32, #tpu.memory_space<vmem>>, vector<16xi32>,
      %get3A_22 = vector.shape_cast %get3A_21 : vector<16xi32> to vector<16xi32>
      %ge3A = vector.broadcast %mul3A_0 : i32 to vector<16xi32>
      %ge3A_23 = arith.cmpi sge, %get3A_22, %ge3A : vector<16xi32>
      %add3A_24 = arith.constant 5000 : i32
      %add3A_25 = arith.addi %mul3A_0, %add3A_24 : i32
      %lt3A_26 = vector.broadcast %add3A_25 : i32 to vector<16xi32>
      %lt3A_27 = arith.cmpi slt, %get3A_22, %lt3A_26 : vector<16xi32>
      %and3A = arith.andi %ge3A_23, %lt3A_27 : vector<16xi1>
      %sub3A = vector.broadcast %mul3A_0 : i32 to vector<16xi32>
      %sub3A_28 = arith.subi %get3A_22, %sub3A : vector<16xi32>
      %and3A_29 = arith.constant 4095 : i32
      %and3A_30 = vector.broadcast %and3A_29 : i32 to vector<16xi32>
      %and3A_31 = arith.andi %get3A_22, %and3A_30 : vector<16xi32>
      %select_n3A = arith.select %and3A, %sub3A_28, %and3A_31 : vector<16xi1>, vector<16xi32>
      %mul3A_32 = arith.constant 16 : i32
      %mul3A_33 = arith.muli %scan3A_17, %mul3A_32 : i32
      %swap3A = arith.index_cast %mul3A_33 : i32 to index
      %swap3A_34 = tpu.vector_load %arg6[%swap3A] {strides = array<i32>} : memref<20000xi32, #tpu.memory_space<vmem>>, vector<16xi32>,
      %swap3A_35 = vector.shape_cast %swap3A_34 : vector<16xi32> to vector<16xi32>
      %swap3A_36 = vector.shape_cast %select_n3A : vector<16xi32> to vector<16xi32>
      tpu.vector_store %arg6[%swap3A], %swap3A_36 {strides = array<i32>} : memref<20000xi32, #tpu.memory_space<vmem>>, vector<16xi32>,
      %jit3A = arith.constant 1.000000e+00 : f32
      %jit3A_37 = arith.constant 0.000000e+00 : f32
      %broadcast_in_dim3A = vector.broadcast %jit3A : f32 to vector<16xf32>
      %broadcast_in_dim3A_38 = vector.broadcast %jit3A_37 : f32 to vector<16xf32>
      %select_n3A_39 = arith.select %and3A, %broadcast_in_dim3A, %broadcast_in_dim3A_38 : vector<16xi1>, vector<16xf32>
      %mul3A_40 = arith.constant 16 : i32
      %mul3A_41 = arith.muli %scan3A_17, %mul3A_40 : i32
      %swap3A_42 = arith.index_cast %mul3A_41 : i32 to index
      %swap3A_43 = tpu.vector_load %arg7[%swap3A_42] {strides = array<i32>} : memref<20000xf32, #tpu.memory_space<vmem>>, vector<16xf32>,
      %swap3A_44 = vector.shape_cast %swap3A_43 : vector<16xf32> to vector<16xf32>
      %swap3A_45 = vector.shape_cast %select_n3A_39 : vector<16xf32> to vector<16xf32>
      tpu.vector_store %arg7[%swap3A_42], %swap3A_45 {strides = array<i32>} : memref<20000xf32, #tpu.memory_space<vmem>>, vector<16xf32>,
      %scan3A_46 = arith.constant 0 : i32
      scf.yield %scan3A_46 : i32
    }
    %scan3A_11 = arith.constant 1250 : i32
    %barrier3A = arith.constant 0 : index
    tpu.barrier barrier_id(%barrier3A)
    "tpu.region"() ({
      %run_scoped3A = tpu.sem_alloc : memref<!tpu.dma_semaphore, #tpu.memory_space<semaphore_mem>>
      %dma_start3A = arith.constant 0 : i32
      %dma_start3A_17 = tpu.memref_slice %arg10[%dma_start3A] : memref<5120xf32, #tpu.memory_space<vmem_shared>> -> memref<5120xf32, #tpu.memory_space<vmem_shared>>
      tpu.enqueue_indirect_dma source(%arg7 : memref<20000xf32, #tpu.memory_space<vmem>>) target(%dma_start3A_17 : memref<5120xf32, #tpu.memory_space<vmem_shared>>) offsets(%arg6 : memref<20000xi32, #tpu.memory_space<vmem>>) semaphore(%run_scoped3A : memref<!tpu.dma_semaphore, #tpu.memory_space<semaphore_mem>>) {add = true}
      %dma_wait3A = arith.constant 0 : i32
      %dma_wait3A_18 = tpu.memref_slice %arg10[%dma_wait3A] : memref<5120xf32, #tpu.memory_space<vmem_shared>> -> memref<5120xf32, #tpu.memory_space<vmem_shared>>
      tpu.wait_indirect_dma semaphore(%run_scoped3A : memref<!tpu.dma_semaphore, #tpu.memory_space<semaphore_mem>>) src(%arg7 : memref<20000xf32, #tpu.memory_space<vmem>>) dst(%dma_wait3A_18 : memref<5120xf32, #tpu.memory_space<vmem_shared>>)
      tpu.yield
    }) : () -> ()
    %barrier3A_12 = arith.constant 0 : index
    tpu.barrier barrier_id(%barrier3A_12)
    %lt3A = arith.constant 5 : i32
    %lt3A_13 = arith.cmpi slt, %arg1, %lt3A : i32
    %convert_element_type3A_14 = arith.extui %lt3A_13 : i1 to i32
    %cond3A_15 = arith.constant 0 : i32
    %cond3A_16 = arith.cmpi ne, %convert_element_type3A_14, %cond3A_15 : i32
    scf.if %cond3A_16 {
      %mul3A_17 = arith.constant 1000 : i32
      %mul3A_18 = arith.muli %arg1, %mul3A_17 : i32
      "tpu.region"() ({
        %run_scoped3A = tpu.sem_alloc : memref<!tpu.dma_semaphore, #tpu.memory_space<semaphore_mem>>
        %dma_start3A = tpu.memref_slice %arg10[%mul3A_18] : memref<5120xf32, #tpu.memory_space<vmem_shared>> -> memref<1000xf32, #tpu.memory_space<vmem_shared>>
        %dma_start3A_100 = tpu.memref_slice %arg10[%mul3A_18] : memref<5120xf32, #tpu.memory_space<vmem_shared>> -> memref<1000xf32, #tpu.memory_space<vmem_shared>>
        tpu.enqueue_dma source(%dma_start3A_100 : memref<1000xf32, #tpu.memory_space<vmem_shared>>) target(%arg8 : memref<1000xf32, #tpu.memory_space<vmem>>) target_semaphore(%run_scoped3A : memref<!tpu.dma_semaphore, #tpu.memory_space<semaphore_mem>>)
        %dma_wait3A = tpu.memref_slice %arg10[%mul3A_18] : memref<5120xf32, #tpu.memory_space<vmem_shared>> -> memref<1000xf32, #tpu.memory_space<vmem_shared>>
        %dma_wait3A_101 = tpu.memref_slice %arg10[%mul3A_18] : memref<5120xf32, #tpu.memory_space<vmem_shared>> -> memref<1000xf32, #tpu.memory_space<vmem_shared>>
        tpu.wait_dma2 semaphore(%run_scoped3A : memref<!tpu.dma_semaphore, #tpu.memory_space<semaphore_mem>>) src(%dma_wait3A_101 : memref<1000xf32, #tpu.memory_space<vmem_shared>>) dst(%arg8 : memref<1000xf32, #tpu.memory_space<vmem>>)
        tpu.yield
      }) : () -> ()
      %scan3A_19 = arith.constant 0 : i32
      %scan3A_20 = arith.constant 0 : i32
      %scan3A_21 = arith.constant 62 : i32
      %scan3A_22 = arith.addi %scan3A_20, %scan3A_21 : i32
      %scan3A_23 = arith.constant 1 : i32
      %scan3A_24 = scf.for %scan3A_100 = %scan3A_20 to %scan3A_22 step %scan3A_23 iter_args(%scan3A_101 = %scan3A_19) -> (i32)  : i32 {
        %mul3A_102 = arith.constant 16 : i32
        %mul3A_103 = arith.muli %scan3A_100, %mul3A_102 : i32
        %get3A_104 = arith.index_cast %mul3A_103 : i32 to index
        %get3A_105 = tpu.vector_load %arg8[%get3A_104] {strides = array<i32>} : memref<1000xf32, #tpu.memory_space<vmem>>, vector<16xf32>,
        %get3A_106 = vector.shape_cast %get3A_105 : vector<16xf32> to vector<16xf32>
        %slice3A_107 = vector.extract_strided_slice %get3A_106 {offsets = [0], sizes = [1], strides = [1]} : vector<16xf32> to vector<1xf32>
        %broadcast_in_dim3A_108 = vector.shape_cast %slice3A_107 : vector<1xf32> to vector<1xf32>
        %broadcast_in_dim3A_109 = vector.broadcast %broadcast_in_dim3A_108 : vector<1xf32> to vector<16xf32>
        %mul3A_110 = arith.constant 16 : i32
        %mul3A_111 = arith.muli %scan3A_100, %mul3A_110 : i32
        %add3A_112 = arith.constant 0 : i32
        %add3A_113 = arith.addi %mul3A_111, %add3A_112 : i32
        %swap3A_114 = arith.index_cast %add3A_113 : i32 to index
        %swap3A_115 = arith.constant 0 : index
        %swap3A_116 = tpu.vector_load %arg9[%swap3A_114, %swap3A_115] {strides = array<i32>} : memref<1000x16xf32, #tpu.memory_space<vmem>>, vector<1x16xf32>,
        %swap3A_117 = vector.shape_cast %swap3A_116 : vector<1x16xf32> to vector<16xf32>
        %swap3A_118 = vector.shape_cast %broadcast_in_dim3A_109 : vector<16xf32> to vector<1x16xf32>
        tpu.vector_store %arg9[%swap3A_114, %swap3A_115], %swap3A_118 {strides = array<i32>} : memref<1000x16xf32, #tpu.memory_space<vmem>>, vector<1x16xf32>,
        %slice3A_119 = vector.extract_strided_slice %get3A_106 {offsets = [1], sizes = [1], strides = [1]} : vector<16xf32> to vector<1xf32>
        %broadcast_in_dim3A_120 = vector.shape_cast %slice3A_119 : vector<1xf32> to vector<1xf32>
        %broadcast_in_dim3A_121 = vector.broadcast %broadcast_in_dim3A_120 : vector<1xf32> to vector<16xf32>
        %mul3A_122 = arith.constant 16 : i32
        %mul3A_123 = arith.muli %scan3A_100, %mul3A_122 : i32
        %add3A_124 = arith.constant 1 : i32
        %add3A_125 = arith.addi %mul3A_123, %add3A_124 : i32
        %swap3A_126 = arith.index_cast %add3A_125 : i32 to index
        %swap3A_127 = arith.constant 0 : index
        %swap3A_128 = tpu.vector_load %arg9[%swap3A_126, %swap3A_127] {strides = array<i32>} : memref<1000x16xf32, #tpu.memory_space<vmem>>, vector<1x16xf32>,
        %swap3A_129 = vector.shape_cast %swap3A_128 : vector<1x16xf32> to vector<16xf32>
        %swap3A_130 = vector.shape_cast %broadcast_in_dim3A_121 : vector<16xf32> to vector<1x16xf32>
        tpu.vector_store %arg9[%swap3A_126, %swap3A_127], %swap3A_130 {strides = array<i32>} : memref<1000x16xf32, #tpu.memory_space<vmem>>, vector<1x16xf32>,
        %slice3A_131 = vector.extract_strided_slice %get3A_106 {offsets = [2], sizes = [1], strides = [1]} : vector<16xf32> to vector<1xf32>
        %broadcast_in_dim3A_132 = vector.shape_cast %slice3A_131 : vector<1xf32> to vector<1xf32>
        %broadcast_in_dim3A_133 = vector.broadcast %broadcast_in_dim3A_132 : vector<1xf32> to vector<16xf32>
        %mul3A_134 = arith.constant 16 : i32
        %mul3A_135 = arith.muli %scan3A_100, %mul3A_134 : i32
        %add3A_136 = arith.constant 2 : i32
        %add3A_137 = arith.addi %mul3A_135, %add3A_136 : i32
        %swap3A_138 = arith.index_cast %add3A_137 : i32 to index
        %swap3A_139 = arith.constant 0 : index
        %swap3A_140 = tpu.vector_load %arg9[%swap3A_138, %swap3A_139] {strides = array<i32>} : memref<1000x16xf32, #tpu.memory_space<vmem>>, vector<1x16xf32>,
        %swap3A_141 = vector.shape_cast %swap3A_140 : vector<1x16xf32> to vector<16xf32>
        %swap3A_142 = vector.shape_cast %broadcast_in_dim3A_133 : vector<16xf32> to vector<1x16xf32>
        tpu.vector_store %arg9[%swap3A_138, %swap3A_139], %swap3A_142 {strides = array<i32>} : memref<1000x16xf32, #tpu.memory_space<vmem>>, vector<1x16xf32>,
        %slice3A_143 = vector.extract_strided_slice %get3A_106 {offsets = [3], sizes = [1], strides = [1]} : vector<16xf32> to vector<1xf32>
        %broadcast_in_dim3A_144 = vector.shape_cast %slice3A_143 : vector<1xf32> to vector<1xf32>
        %broadcast_in_dim3A_145 = vector.broadcast %broadcast_in_dim3A_144 : vector<1xf32> to vector<16xf32>
        %mul3A_146 = arith.constant 16 : i32
        %mul3A_147 = arith.muli %scan3A_100, %mul3A_146 : i32
        %add3A_148 = arith.constant 3 : i32
        %add3A_149 = arith.addi %mul3A_147, %add3A_148 : i32
        %swap3A_150 = arith.index_cast %add3A_149 : i32 to index
        %swap3A_151 = arith.constant 0 : index
        %swap3A_152 = tpu.vector_load %arg9[%swap3A_150, %swap3A_151] {strides = array<i32>} : memref<1000x16xf32, #tpu.memory_space<vmem>>, vector<1x16xf32>,
        %swap3A_153 = vector.shape_cast %swap3A_152 : vector<1x16xf32> to vector<16xf32>
        %swap3A_154 = vector.shape_cast %broadcast_in_dim3A_145 : vector<16xf32> to vector<1x16xf32>
        tpu.vector_store %arg9[%swap3A_150, %swap3A_151], %swap3A_154 {strides = array<i32>} : memref<1000x16xf32, #tpu.memory_space<vmem>>, vector<1x16xf32>,
        %slice3A_155 = vector.extract_strided_slice %get3A_106 {offsets = [4], sizes = [1], strides = [1]} : vector<16xf32> to vector<1xf32>
        %broadcast_in_dim3A_156 = vector.shape_cast %slice3A_155 : vector<1xf32> to vector<1xf32>
        %broadcast_in_dim3A_157 = vector.broadcast %broadcast_in_dim3A_156 : vector<1xf32> to vector<16xf32>
        %mul3A_158 = arith.constant 16 : i32
        %mul3A_159 = arith.muli %scan3A_100, %mul3A_158 : i32
        %add3A_160 = arith.constant 4 : i32
        %add3A_161 = arith.addi %mul3A_159, %add3A_160 : i32
        %swap3A_162 = arith.index_cast %add3A_161 : i32 to index
        %swap3A_163 = arith.constant 0 : index
        %swap3A_164 = tpu.vector_load %arg9[%swap3A_162, %swap3A_163] {strides = array<i32>} : memref<1000x16xf32, #tpu.memory_space<vmem>>, vector<1x16xf32>,
        %swap3A_165 = vector.shape_cast %swap3A_164 : vector<1x16xf32> to vector<16xf32>
        %swap3A_166 = vector.shape_cast %broadcast_in_dim3A_157 : vector<16xf32> to vector<1x16xf32>
        tpu.vector_store %arg9[%swap3A_162, %swap3A_163], %swap3A_166 {strides = array<i32>} : memref<1000x16xf32, #tpu.memory_space<vmem>>, vector<1x16xf32>,
        %slice3A_167 = vector.extract_strided_slice %get3A_106 {offsets = [5], sizes = [1], strides = [1]} : vector<16xf32> to vector<1xf32>
        %broadcast_in_dim3A_168 = vector.shape_cast %slice3A_167 : vector<1xf32> to vector<1xf32>
        %broadcast_in_dim3A_169 = vector.broadcast %broadcast_in_dim3A_168 : vector<1xf32> to vector<16xf32>
        %mul3A_170 = arith.constant 16 : i32
        %mul3A_171 = arith.muli %scan3A_100, %mul3A_170 : i32
        %add3A_172 = arith.constant 5 : i32
        %add3A_173 = arith.addi %mul3A_171, %add3A_172 : i32
        %swap3A_174 = arith.index_cast %add3A_173 : i32 to index
        %swap3A_175 = arith.constant 0 : index
        %swap3A_176 = tpu.vector_load %arg9[%swap3A_174, %swap3A_175] {strides = array<i32>} : memref<1000x16xf32, #tpu.memory_space<vmem>>, vector<1x16xf32>,
        %swap3A_177 = vector.shape_cast %swap3A_176 : vector<1x16xf32> to vector<16xf32>
        %swap3A_178 = vector.shape_cast %broadcast_in_dim3A_169 : vector<16xf32> to vector<1x16xf32>
        tpu.vector_store %arg9[%swap3A_174, %swap3A_175], %swap3A_178 {strides = array<i32>} : memref<1000x16xf32, #tpu.memory_space<vmem>>, vector<1x16xf32>,
        %slice3A_179 = vector.extract_strided_slice %get3A_106 {offsets = [6], sizes = [1], strides = [1]} : vector<16xf32> to vector<1xf32>
        %broadcast_in_dim3A_180 = vector.shape_cast %slice3A_179 : vector<1xf32> to vector<1xf32>
        %broadcast_in_dim3A_181 = vector.broadcast %broadcast_in_dim3A_180 : vector<1xf32> to vector<16xf32>
        %mul3A_182 = arith.constant 16 : i32
        %mul3A_183 = arith.muli %scan3A_100, %mul3A_182 : i32
        %add3A_184 = arith.constant 6 : i32
        %add3A_185 = arith.addi %mul3A_183, %add3A_184 : i32
        %swap3A_186 = arith.index_cast %add3A_185 : i32 to index
        %swap3A_187 = arith.constant 0 : index
        %swap3A_188 = tpu.vector_load %arg9[%swap3A_186, %swap3A_187] {strides = array<i32>} : memref<1000x16xf32, #tpu.memory_space<vmem>>, vector<1x16xf32>,
        %swap3A_189 = vector.shape_cast %swap3A_188 : vector<1x16xf32> to vector<16xf32>
        %swap3A_190 = vector.shape_cast %broadcast_in_dim3A_181 : vector<16xf32> to vector<1x16xf32>
        tpu.vector_store %arg9[%swap3A_186, %swap3A_187], %swap3A_190 {strides = array<i32>} : memref<1000x16xf32, #tpu.memory_space<vmem>>, vector<1x16xf32>,
        %slice3A_191 = vector.extract_strided_slice %get3A_106 {offsets = [7], sizes = [1], strides = [1]} : vector<16xf32> to vector<1xf32>
        %broadcast_in_dim3A_192 = vector.shape_cast %slice3A_191 : vector<1xf32> to vector<1xf32>
        %broadcast_in_dim3A_193 = vector.broadcast %broadcast_in_dim3A_192 : vector<1xf32> to vector<16xf32>
        %mul3A_194 = arith.constant 16 : i32
        %mul3A_195 = arith.muli %scan3A_100, %mul3A_194 : i32
        %add3A_196 = arith.constant 7 : i32
        %add3A_197 = arith.addi %mul3A_195, %add3A_196 : i32
        %swap3A_198 = arith.index_cast %add3A_197 : i32 to index
        %swap3A_199 = arith.constant 0 : index
        %swap3A_200 = tpu.vector_load %arg9[%swap3A_198, %swap3A_199] {strides = array<i32>} : memref<1000x16xf32, #tpu.memory_space<vmem>>, vector<1x16xf32>,
        %swap3A_201 = vector.shape_cast %swap3A_200 : vector<1x16xf32> to vector<16xf32>
        %swap3A_202 = vector.shape_cast %broadcast_in_dim3A_193 : vector<16xf32> to vector<1x16xf32>
        tpu.vector_store %arg9[%swap3A_198, %swap3A_199], %swap3A_202 {strides = array<i32>} : memref<1000x16xf32, #tpu.memory_space<vmem>>, vector<1x16xf32>,
        %slice3A_203 = vector.extract_strided_slice %get3A_106 {offsets = [8], sizes = [1], strides = [1]} : vector<16xf32> to vector<1xf32>
        %broadcast_in_dim3A_204 = vector.shape_cast %slice3A_203 : vector<1xf32> to vector<1xf32>
        %broadcast_in_dim3A_205 = vector.broadcast %broadcast_in_dim3A_204 : vector<1xf32> to vector<16xf32>
        %mul3A_206 = arith.constant 16 : i32
        %mul3A_207 = arith.muli %scan3A_100, %mul3A_206 : i32
        %add3A_208 = arith.constant 8 : i32
        %add3A_209 = arith.addi %mul3A_207, %add3A_208 : i32
        %swap3A_210 = arith.index_cast %add3A_209 : i32 to index
        %swap3A_211 = arith.constant 0 : index
        %swap3A_212 = tpu.vector_load %arg9[%swap3A_210, %swap3A_211] {strides = array<i32>} : memref<1000x16xf32, #tpu.memory_space<vmem>>, vector<1x16xf32>,
        %swap3A_213 = vector.shape_cast %swap3A_212 : vector<1x16xf32> to vector<16xf32>
        %swap3A_214 = vector.shape_cast %broadcast_in_dim3A_205 : vector<16xf32> to vector<1x16xf32>
        tpu.vector_store %arg9[%swap3A_210, %swap3A_211], %swap3A_214 {strides = array<i32>} : memref<1000x16xf32, #tpu.memory_space<vmem>>, vector<1x16xf32>,
        %slice3A_215 = vector.extract_strided_slice %get3A_106 {offsets = [9], sizes = [1], strides = [1]} : vector<16xf32> to vector<1xf32>
        %broadcast_in_dim3A_216 = vector.shape_cast %slice3A_215 : vector<1xf32> to vector<1xf32>
        %broadcast_in_dim3A_217 = vector.broadcast %broadcast_in_dim3A_216 : vector<1xf32> to vector<16xf32>
        %mul3A_218 = arith.constant 16 : i32
        %mul3A_219 = arith.muli %scan3A_100, %mul3A_218 : i32
        %add3A_220 = arith.constant 9 : i32
        %add3A_221 = arith.addi %mul3A_219, %add3A_220 : i32
        %swap3A_222 = arith.index_cast %add3A_221 : i32 to index
        %swap3A_223 = arith.constant 0 : index
        %swap3A_224 = tpu.vector_load %arg9[%swap3A_222, %swap3A_223] {strides = array<i32>} : memref<1000x16xf32, #tpu.memory_space<vmem>>, vector<1x16xf32>,
        %swap3A_225 = vector.shape_cast %swap3A_224 : vector<1x16xf32> to vector<16xf32>
        %swap3A_226 = vector.shape_cast %broadcast_in_dim3A_217 : vector<16xf32> to vector<1x16xf32>
        tpu.vector_store %arg9[%swap3A_222, %swap3A_223], %swap3A_226 {strides = array<i32>} : memref<1000x16xf32, #tpu.memory_space<vmem>>, vector<1x16xf32>,
        %slice3A_227 = vector.extract_strided_slice %get3A_106 {offsets = [10], sizes = [1], strides = [1]} : vector<16xf32> to vector<1xf32>
        %broadcast_in_dim3A_228 = vector.shape_cast %slice3A_227 : vector<1xf32> to vector<1xf32>
        %broadcast_in_dim3A_229 = vector.broadcast %broadcast_in_dim3A_228 : vector<1xf32> to vector<16xf32>
        %mul3A_230 = arith.constant 16 : i32
        %mul3A_231 = arith.muli %scan3A_100, %mul3A_230 : i32
        %add3A_232 = arith.constant 10 : i32
        %add3A_233 = arith.addi %mul3A_231, %add3A_232 : i32
        %swap3A_234 = arith.index_cast %add3A_233 : i32 to index
        %swap3A_235 = arith.constant 0 : index
        %swap3A_236 = tpu.vector_load %arg9[%swap3A_234, %swap3A_235] {strides = array<i32>} : memref<1000x16xf32, #tpu.memory_space<vmem>>, vector<1x16xf32>,
        %swap3A_237 = vector.shape_cast %swap3A_236 : vector<1x16xf32> to vector<16xf32>
        %swap3A_238 = vector.shape_cast %broadcast_in_dim3A_229 : vector<16xf32> to vector<1x16xf32>
        tpu.vector_store %arg9[%swap3A_234, %swap3A_235], %swap3A_238 {strides = array<i32>} : memref<1000x16xf32, #tpu.memory_space<vmem>>, vector<1x16xf32>,
        %slice3A_239 = vector.extract_strided_slice %get3A_106 {offsets = [11], sizes = [1], strides = [1]} : vector<16xf32> to vector<1xf32>
        %broadcast_in_dim3A_240 = vector.shape_cast %slice3A_239 : vector<1xf32> to vector<1xf32>
        %broadcast_in_dim3A_241 = vector.broadcast %broadcast_in_dim3A_240 : vector<1xf32> to vector<16xf32>
        %mul3A_242 = arith.constant 16 : i32
        %mul3A_243 = arith.muli %scan3A_100, %mul3A_242 : i32
        %add3A_244 = arith.constant 11 : i32
        %add3A_245 = arith.addi %mul3A_243, %add3A_244 : i32
        %swap3A_246 = arith.index_cast %add3A_245 : i32 to index
        %swap3A_247 = arith.constant 0 : index
        %swap3A_248 = tpu.vector_load %arg9[%swap3A_246, %swap3A_247] {strides = array<i32>} : memref<1000x16xf32, #tpu.memory_space<vmem>>, vector<1x16xf32>,
        %swap3A_249 = vector.shape_cast %swap3A_248 : vector<1x16xf32> to vector<16xf32>
        %swap3A_250 = vector.shape_cast %broadcast_in_dim3A_241 : vector<16xf32> to vector<1x16xf32>
        tpu.vector_store %arg9[%swap3A_246, %swap3A_247], %swap3A_250 {strides = array<i32>} : memref<1000x16xf32, #tpu.memory_space<vmem>>, vector<1x16xf32>,
        %slice3A_251 = vector.extract_strided_slice %get3A_106 {offsets = [12], sizes = [1], strides = [1]} : vector<16xf32> to vector<1xf32>
        %broadcast_in_dim3A_252 = vector.shape_cast %slice3A_251 : vector<1xf32> to vector<1xf32>
        %broadcast_in_dim3A_253 = vector.broadcast %broadcast_in_dim3A_252 : vector<1xf32> to vector<16xf32>
        %mul3A_254 = arith.constant 16 : i32
        %mul3A_255 = arith.muli %scan3A_100, %mul3A_254 : i32
        %add3A_256 = arith.constant 12 : i32
        %add3A_257 = arith.addi %mul3A_255, %add3A_256 : i32
        %swap3A_258 = arith.index_cast %add3A_257 : i32 to index
        %swap3A_259 = arith.constant 0 : index
        %swap3A_260 = tpu.vector_load %arg9[%swap3A_258, %swap3A_259] {strides = array<i32>} : memref<1000x16xf32, #tpu.memory_space<vmem>>, vector<1x16xf32>,
        %swap3A_261 = vector.shape_cast %swap3A_260 : vector<1x16xf32> to vector<16xf32>
        %swap3A_262 = vector.shape_cast %broadcast_in_dim3A_253 : vector<16xf32> to vector<1x16xf32>
        tpu.vector_store %arg9[%swap3A_258, %swap3A_259], %swap3A_262 {strides = array<i32>} : memref<1000x16xf32, #tpu.memory_space<vmem>>, vector<1x16xf32>,
        %slice3A_263 = vector.extract_strided_slice %get3A_106 {offsets = [13], sizes = [1], strides = [1]} : vector<16xf32> to vector<1xf32>
        %broadcast_in_dim3A_264 = vector.shape_cast %slice3A_263 : vector<1xf32> to vector<1xf32>
        %broadcast_in_dim3A_265 = vector.broadcast %broadcast_in_dim3A_264 : vector<1xf32> to vector<16xf32>
        %mul3A_266 = arith.constant 16 : i32
        %mul3A_267 = arith.muli %scan3A_100, %mul3A_266 : i32
        %add3A_268 = arith.constant 13 : i32
        %add3A_269 = arith.addi %mul3A_267, %add3A_268 : i32
        %swap3A_270 = arith.index_cast %add3A_269 : i32 to index
        %swap3A_271 = arith.constant 0 : index
        %swap3A_272 = tpu.vector_load %arg9[%swap3A_270, %swap3A_271] {strides = array<i32>} : memref<1000x16xf32, #tpu.memory_space<vmem>>, vector<1x16xf32>,
        %swap3A_273 = vector.shape_cast %swap3A_272 : vector<1x16xf32> to vector<16xf32>
        %swap3A_274 = vector.shape_cast %broadcast_in_dim3A_265 : vector<16xf32> to vector<1x16xf32>
        tpu.vector_store %arg9[%swap3A_270, %swap3A_271], %swap3A_274 {strides = array<i32>} : memref<1000x16xf32, #tpu.memory_space<vmem>>, vector<1x16xf32>,
        %slice3A_275 = vector.extract_strided_slice %get3A_106 {offsets = [14], sizes = [1], strides = [1]} : vector<16xf32> to vector<1xf32>
        %broadcast_in_dim3A_276 = vector.shape_cast %slice3A_275 : vector<1xf32> to vector<1xf32>
        %broadcast_in_dim3A_277 = vector.broadcast %broadcast_in_dim3A_276 : vector<1xf32> to vector<16xf32>
        %mul3A_278 = arith.constant 16 : i32
        %mul3A_279 = arith.muli %scan3A_100, %mul3A_278 : i32
        %add3A_280 = arith.constant 14 : i32
        %add3A_281 = arith.addi %mul3A_279, %add3A_280 : i32
        %swap3A_282 = arith.index_cast %add3A_281 : i32 to index
        %swap3A_283 = arith.constant 0 : index
        %swap3A_284 = tpu.vector_load %arg9[%swap3A_282, %swap3A_283] {strides = array<i32>} : memref<1000x16xf32, #tpu.memory_space<vmem>>, vector<1x16xf32>,
        %swap3A_285 = vector.shape_cast %swap3A_284 : vector<1x16xf32> to vector<16xf32>
        %swap3A_286 = vector.shape_cast %broadcast_in_dim3A_277 : vector<16xf32> to vector<1x16xf32>
        tpu.vector_store %arg9[%swap3A_282, %swap3A_283], %swap3A_286 {strides = array<i32>} : memref<1000x16xf32, #tpu.memory_space<vmem>>, vector<1x16xf32>,
        %slice3A_287 = vector.extract_strided_slice %get3A_106 {offsets = [15], sizes = [1], strides = [1]} : vector<16xf32> to vector<1xf32>
        %broadcast_in_dim3A_288 = vector.shape_cast %slice3A_287 : vector<1xf32> to vector<1xf32>
        %broadcast_in_dim3A_289 = vector.broadcast %broadcast_in_dim3A_288 : vector<1xf32> to vector<16xf32>
        %mul3A_290 = arith.constant 16 : i32
        %mul3A_291 = arith.muli %scan3A_100, %mul3A_290 : i32
        %add3A_292 = arith.constant 15 : i32
        %add3A_293 = arith.addi %mul3A_291, %add3A_292 : i32
        %swap3A_294 = arith.index_cast %add3A_293 : i32 to index
        %swap3A_295 = arith.constant 0 : index
        %swap3A_296 = tpu.vector_load %arg9[%swap3A_294, %swap3A_295] {strides = array<i32>} : memref<1000x16xf32, #tpu.memory_space<vmem>>, vector<1x16xf32>,
        %swap3A_297 = vector.shape_cast %swap3A_296 : vector<1x16xf32> to vector<16xf32>
        %swap3A_298 = vector.shape_cast %broadcast_in_dim3A_289 : vector<16xf32> to vector<1x16xf32>
        tpu.vector_store %arg9[%swap3A_294, %swap3A_295], %swap3A_298 {strides = array<i32>} : memref<1000x16xf32, #tpu.memory_space<vmem>>, vector<1x16xf32>,
        %scan3A_299 = arith.constant 0 : i32
        scf.yield %scan3A_299 : i32
      }
      %scan3A_25 = arith.constant 62 : i32
      %get3A = arith.constant 984 : index
      %get3A_26 = tpu.vector_load %arg8[%get3A] {strides = array<i32>} : memref<1000xf32, #tpu.memory_space<vmem>>, vector<16xf32>,
      %get3A_27 = vector.shape_cast %get3A_26 : vector<16xf32> to vector<16xf32>
      %slice3A = vector.extract_strided_slice %get3A_27 {offsets = [8], sizes = [1], strides = [1]} : vector<16xf32> to vector<1xf32>
      %broadcast_in_dim3A = vector.shape_cast %slice3A : vector<1xf32> to vector<1xf32>
      %broadcast_in_dim3A_28 = vector.broadcast %broadcast_in_dim3A : vector<1xf32> to vector<16xf32>
      %swap3A = arith.constant 992 : i32
      %swap3A_29 = arith.index_cast %swap3A : i32 to index
      %swap3A_30 = arith.constant 0 : index
      %swap3A_31 = tpu.vector_load %arg9[%swap3A_29, %swap3A_30] {strides = array<i32>} : memref<1000x16xf32, #tpu.memory_space<vmem>>, vector<1x16xf32>,
      %swap3A_32 = vector.shape_cast %swap3A_31 : vector<1x16xf32> to vector<16xf32>
      %swap3A_33 = vector.shape_cast %broadcast_in_dim3A_28 : vector<16xf32> to vector<1x16xf32>
      tpu.vector_store %arg9[%swap3A_29, %swap3A_30], %swap3A_33 {strides = array<i32>} : memref<1000x16xf32, #tpu.memory_space<vmem>>, vector<1x16xf32>,
      %slice3A_34 = vector.extract_strided_slice %get3A_27 {offsets = [9], sizes = [1], strides = [1]} : vector<16xf32> to vector<1xf32>
      %broadcast_in_dim3A_35 = vector.shape_cast %slice3A_34 : vector<1xf32> to vector<1xf32>
      %broadcast_in_dim3A_36 = vector.broadcast %broadcast_in_dim3A_35 : vector<1xf32> to vector<16xf32>
      %swap3A_37 = arith.constant 993 : i32
      %swap3A_38 = arith.index_cast %swap3A_37 : i32 to index
      %swap3A_39 = arith.constant 0 : index
      %swap3A_40 = tpu.vector_load %arg9[%swap3A_38, %swap3A_39] {strides = array<i32>} : memref<1000x16xf32, #tpu.memory_space<vmem>>, vector<1x16xf32>,
      %swap3A_41 = vector.shape_cast %swap3A_40 : vector<1x16xf32> to vector<16xf32>
      %swap3A_42 = vector.shape_cast %broadcast_in_dim3A_36 : vector<16xf32> to vector<1x16xf32>
      tpu.vector_store %arg9[%swap3A_38, %swap3A_39], %swap3A_42 {strides = array<i32>} : memref<1000x16xf32, #tpu.memory_space<vmem>>, vector<1x16xf32>,
      %slice3A_43 = vector.extract_strided_slice %get3A_27 {offsets = [10], sizes = [1], strides = [1]} : vector<16xf32> to vector<1xf32>
      %broadcast_in_dim3A_44 = vector.shape_cast %slice3A_43 : vector<1xf32> to vector<1xf32>
      %broadcast_in_dim3A_45 = vector.broadcast %broadcast_in_dim3A_44 : vector<1xf32> to vector<16xf32>
      %swap3A_46 = arith.constant 994 : i32
      %swap3A_47 = arith.index_cast %swap3A_46 : i32 to index
      %swap3A_48 = arith.constant 0 : index
      %swap3A_49 = tpu.vector_load %arg9[%swap3A_47, %swap3A_48] {strides = array<i32>} : memref<1000x16xf32, #tpu.memory_space<vmem>>, vector<1x16xf32>,
      %swap3A_50 = vector.shape_cast %swap3A_49 : vector<1x16xf32> to vector<16xf32>
      %swap3A_51 = vector.shape_cast %broadcast_in_dim3A_45 : vector<16xf32> to vector<1x16xf32>
      tpu.vector_store %arg9[%swap3A_47, %swap3A_48], %swap3A_51 {strides = array<i32>} : memref<1000x16xf32, #tpu.memory_space<vmem>>, vector<1x16xf32>,
      %slice3A_52 = vector.extract_strided_slice %get3A_27 {offsets = [11], sizes = [1], strides = [1]} : vector<16xf32> to vector<1xf32>
      %broadcast_in_dim3A_53 = vector.shape_cast %slice3A_52 : vector<1xf32> to vector<1xf32>
      %broadcast_in_dim3A_54 = vector.broadcast %broadcast_in_dim3A_53 : vector<1xf32> to vector<16xf32>
      %swap3A_55 = arith.constant 995 : i32
      %swap3A_56 = arith.index_cast %swap3A_55 : i32 to index
      %swap3A_57 = arith.constant 0 : index
      %swap3A_58 = tpu.vector_load %arg9[%swap3A_56, %swap3A_57] {strides = array<i32>} : memref<1000x16xf32, #tpu.memory_space<vmem>>, vector<1x16xf32>,
      %swap3A_59 = vector.shape_cast %swap3A_58 : vector<1x16xf32> to vector<16xf32>
      %swap3A_60 = vector.shape_cast %broadcast_in_dim3A_54 : vector<16xf32> to vector<1x16xf32>
      tpu.vector_store %arg9[%swap3A_56, %swap3A_57], %swap3A_60 {strides = array<i32>} : memref<1000x16xf32, #tpu.memory_space<vmem>>, vector<1x16xf32>,
      %slice3A_61 = vector.extract_strided_slice %get3A_27 {offsets = [12], sizes = [1], strides = [1]} : vector<16xf32> to vector<1xf32>
      %broadcast_in_dim3A_62 = vector.shape_cast %slice3A_61 : vector<1xf32> to vector<1xf32>
      %broadcast_in_dim3A_63 = vector.broadcast %broadcast_in_dim3A_62 : vector<1xf32> to vector<16xf32>
      %swap3A_64 = arith.constant 996 : i32
      %swap3A_65 = arith.index_cast %swap3A_64 : i32 to index
      %swap3A_66 = arith.constant 0 : index
      %swap3A_67 = tpu.vector_load %arg9[%swap3A_65, %swap3A_66] {strides = array<i32>} : memref<1000x16xf32, #tpu.memory_space<vmem>>, vector<1x16xf32>,
      %swap3A_68 = vector.shape_cast %swap3A_67 : vector<1x16xf32> to vector<16xf32>
      %swap3A_69 = vector.shape_cast %broadcast_in_dim3A_63 : vector<16xf32> to vector<1x16xf32>
      tpu.vector_store %arg9[%swap3A_65, %swap3A_66], %swap3A_69 {strides = array<i32>} : memref<1000x16xf32, #tpu.memory_space<vmem>>, vector<1x16xf32>,
      %slice3A_70 = vector.extract_strided_slice %get3A_27 {offsets = [13], sizes = [1], strides = [1]} : vector<16xf32> to vector<1xf32>
      %broadcast_in_dim3A_71 = vector.shape_cast %slice3A_70 : vector<1xf32> to vector<1xf32>
      %broadcast_in_dim3A_72 = vector.broadcast %broadcast_in_dim3A_71 : vector<1xf32> to vector<16xf32>
      %swap3A_73 = arith.constant 997 : i32
      %swap3A_74 = arith.index_cast %swap3A_73 : i32 to index
      %swap3A_75 = arith.constant 0 : index
      %swap3A_76 = tpu.vector_load %arg9[%swap3A_74, %swap3A_75] {strides = array<i32>} : memref<1000x16xf32, #tpu.memory_space<vmem>>, vector<1x16xf32>,
      %swap3A_77 = vector.shape_cast %swap3A_76 : vector<1x16xf32> to vector<16xf32>
      %swap3A_78 = vector.shape_cast %broadcast_in_dim3A_72 : vector<16xf32> to vector<1x16xf32>
      tpu.vector_store %arg9[%swap3A_74, %swap3A_75], %swap3A_78 {strides = array<i32>} : memref<1000x16xf32, #tpu.memory_space<vmem>>, vector<1x16xf32>,
      %slice3A_79 = vector.extract_strided_slice %get3A_27 {offsets = [14], sizes = [1], strides = [1]} : vector<16xf32> to vector<1xf32>
      %broadcast_in_dim3A_80 = vector.shape_cast %slice3A_79 : vector<1xf32> to vector<1xf32>
      %broadcast_in_dim3A_81 = vector.broadcast %broadcast_in_dim3A_80 : vector<1xf32> to vector<16xf32>
      %swap3A_82 = arith.constant 998 : i32
      %swap3A_83 = arith.index_cast %swap3A_82 : i32 to index
      %swap3A_84 = arith.constant 0 : index
      %swap3A_85 = tpu.vector_load %arg9[%swap3A_83, %swap3A_84] {strides = array<i32>} : memref<1000x16xf32, #tpu.memory_space<vmem>>, vector<1x16xf32>,
      %swap3A_86 = vector.shape_cast %swap3A_85 : vector<1x16xf32> to vector<16xf32>
      %swap3A_87 = vector.shape_cast %broadcast_in_dim3A_81 : vector<16xf32> to vector<1x16xf32>
      tpu.vector_store %arg9[%swap3A_83, %swap3A_84], %swap3A_87 {strides = array<i32>} : memref<1000x16xf32, #tpu.memory_space<vmem>>, vector<1x16xf32>,
      %slice3A_88 = vector.extract_strided_slice %get3A_27 {offsets = [15], sizes = [1], strides = [1]} : vector<16xf32> to vector<1xf32>
      %broadcast_in_dim3A_89 = vector.shape_cast %slice3A_88 : vector<1xf32> to vector<1xf32>
      %broadcast_in_dim3A_90 = vector.broadcast %broadcast_in_dim3A_89 : vector<1xf32> to vector<16xf32>
      %swap3A_91 = arith.constant 999 : i32
      %swap3A_92 = arith.index_cast %swap3A_91 : i32 to index
      %swap3A_93 = arith.constant 0 : index
      %swap3A_94 = tpu.vector_load %arg9[%swap3A_92, %swap3A_93] {strides = array<i32>} : memref<1000x16xf32, #tpu.memory_space<vmem>>, vector<1x16xf32>,
      %swap3A_95 = vector.shape_cast %swap3A_94 : vector<1x16xf32> to vector<16xf32>
      %swap3A_96 = vector.shape_cast %broadcast_in_dim3A_90 : vector<16xf32> to vector<1x16xf32>
      tpu.vector_store %arg9[%swap3A_92, %swap3A_93], %swap3A_96 {strides = array<i32>} : memref<1000x16xf32, #tpu.memory_space<vmem>>, vector<1x16xf32>,
      %mul3A_97 = arith.constant 1000 : i32
      %mul3A_98 = arith.muli %arg1, %mul3A_97 : i32
      %add3A_99 = arith.addi %mul3A_0, %mul3A_98 : i32
      "tpu.region"() ({
        %run_scoped3A = tpu.sem_alloc : memref<!tpu.dma_semaphore, #tpu.memory_space<semaphore_mem>>
        %dma_start3A = arith.constant 0 : i32
        %dma_start3A_100 = tpu.memref_slice %arg4[%add3A_99, %dma_start3A] : memref<10000x16xf32, #tpu.memory_space<hbm>> -> memref<1000x16xf32, #tpu.memory_space<hbm>>
        %dma_start3A_101 = arith.constant 0 : i32
        %dma_start3A_102 = tpu.memref_slice %arg4[%add3A_99, %dma_start3A_101] : memref<10000x16xf32, #tpu.memory_space<hbm>> -> memref<1000x16xf32, #tpu.memory_space<hbm>>
        tpu.enqueue_dma source(%arg9 : memref<1000x16xf32, #tpu.memory_space<vmem>>) target(%dma_start3A_102 : memref<1000x16xf32, #tpu.memory_space<hbm>>) target_semaphore(%run_scoped3A : memref<!tpu.dma_semaphore, #tpu.memory_space<semaphore_mem>>)
        %dma_wait3A = arith.constant 0 : i32
        %dma_wait3A_103 = tpu.memref_slice %arg4[%add3A_99, %dma_wait3A] : memref<10000x16xf32, #tpu.memory_space<hbm>> -> memref<1000x16xf32, #tpu.memory_space<hbm>>
        %dma_wait3A_104 = arith.constant 0 : i32
        %dma_wait3A_105 = tpu.memref_slice %arg4[%add3A_99, %dma_wait3A_104] : memref<10000x16xf32, #tpu.memory_space<hbm>> -> memref<1000x16xf32, #tpu.memory_space<hbm>>
        tpu.wait_dma2 semaphore(%run_scoped3A : memref<!tpu.dma_semaphore, #tpu.memory_space<semaphore_mem>>) src(%arg9 : memref<1000x16xf32, #tpu.memory_space<vmem>>) dst(%dma_wait3A_105 : memref<1000x16xf32, #tpu.memory_space<hbm>>)
        tpu.yield
      }) : () -> ()
    } else {
    }
    return
  }
}

#map = affine_map<(d0, d1) -> (0)>
#map1 = affine_map<(d0, d1) -> (0, 0)>
#map2 = affine_map<(d0, d1) -> (0, 0, 0)>
module attributes {stable_mosaic.version = 14 : i64} {
  func.func @_agg(%arg0: i32, %arg1: i32, %arg2: memref<640000xi32, #tpu.memory_space<hbm>>, %arg3: memref<10000x16xf32, #tpu.memory_space<hbm>>, %arg4: memref<10000x16xf32, #tpu.memory_space<hbm>>, %arg5: memref<2x10000x16xf32, #tpu.memory_space<hbm>>, %arg6: memref<2000xi32, #tpu.memory_space<vmem>>, %arg7: memref<2000xi32, #tpu.memory_space<vmem>>, %arg8: memref<2000xi32, #tpu.memory_space<vmem>>, %arg9: memref<2000xi32, #tpu.memory_space<vmem>>, %arg10: memref<2000xi32, #tpu.memory_space<vmem>>, %arg11: memref<2000xi32, #tpu.memory_space<vmem>>, %arg12: memref<2000xi32, #tpu.memory_space<vmem>>, %arg13: memref<2000xi32, #tpu.memory_space<vmem>>, %arg14: memref<2000xi32, #tpu.memory_space<vmem>>, %arg15: memref<2000xi32, #tpu.memory_space<vmem>>, %arg16: memref<2000x16xf32, #tpu.memory_space<vmem>>, %arg17: memref<2000x16xf32, #tpu.memory_space<vmem>>, %arg18: memref<10000x16xf32, #tpu.memory_space<vmem_shared>>, %arg19: memref<!tpu.dma_semaphore, #tpu.memory_space<semaphore_mem>>, %arg20: memref<!tpu.dma_semaphore, #tpu.memory_space<semaphore_mem>>) attributes {dimension_semantics = [#tpu.dimension_semantics<core_parallel>, #tpu.dimension_semantics<subcore_parallel>], iteration_bounds = array<i64: 2, 16>, scalar_prefetch = 0 : i64, scratch_operands = 15 : i64, tpu.core_type = #tpu.core_type<sc_vector_subcore>, window_params = [{transform_indices = #map}, {transform_indices = #map1}, {transform_indices = #map1}, {transform_indices = #map2}]} {
    %mul3A = arith.constant 16 : i32
    %mul3A_0 = arith.muli %arg0, %mul3A : i32
    %add3A = arith.addi %mul3A_0, %arg1 : i32
    %mul3A_1 = arith.constant 10000 : i32
    %mul3A_2 = arith.muli %add3A, %mul3A_1 : i32
    %add3A_3 = arith.constant 0 : i32
    %add3A_4 = arith.addi %mul3A_2, %add3A_3 : i32
    "tpu.region"() ({
      %run_scoped3A = tpu.sem_alloc : memref<!tpu.dma_semaphore, #tpu.memory_space<semaphore_mem>>
      %dma_start3A_69 = tpu.memref_slice %arg2[%add3A_4] : memref<640000xi32, #tpu.memory_space<hbm>> -> memref<2000xi32, #tpu.memory_space<hbm>>
      %dma_start3A_70 = tpu.memref_slice %arg2[%add3A_4] : memref<640000xi32, #tpu.memory_space<hbm>> -> memref<2000xi32, #tpu.memory_space<hbm>>
      tpu.enqueue_dma source(%dma_start3A_70 : memref<2000xi32, #tpu.memory_space<hbm>>) target(%arg6 : memref<2000xi32, #tpu.memory_space<vmem>>) target_semaphore(%run_scoped3A : memref<!tpu.dma_semaphore, #tpu.memory_space<semaphore_mem>>)
      %dma_wait3A_71 = tpu.memref_slice %arg2[%add3A_4] : memref<640000xi32, #tpu.memory_space<hbm>> -> memref<2000xi32, #tpu.memory_space<hbm>>
      %dma_wait3A_72 = tpu.memref_slice %arg2[%add3A_4] : memref<640000xi32, #tpu.memory_space<hbm>> -> memref<2000xi32, #tpu.memory_space<hbm>>
      tpu.wait_dma2 semaphore(%run_scoped3A : memref<!tpu.dma_semaphore, #tpu.memory_space<semaphore_mem>>) src(%dma_wait3A_72 : memref<2000xi32, #tpu.memory_space<hbm>>) dst(%arg6 : memref<2000xi32, #tpu.memory_space<vmem>>)
      tpu.yield
    }) : () -> ()
    %add3A_5 = arith.constant 320000 : i32
    %add3A_6 = arith.addi %add3A_5, %mul3A_2 : i32
    %add3A_7 = arith.constant 0 : i32
    %add3A_8 = arith.addi %add3A_6, %add3A_7 : i32
    "tpu.region"() ({
      %run_scoped3A = tpu.sem_alloc : memref<!tpu.dma_semaphore, #tpu.memory_space<semaphore_mem>>
      %dma_start3A_69 = tpu.memref_slice %arg2[%add3A_8] : memref<640000xi32, #tpu.memory_space<hbm>> -> memref<2000xi32, #tpu.memory_space<hbm>>
      %dma_start3A_70 = tpu.memref_slice %arg2[%add3A_8] : memref<640000xi32, #tpu.memory_space<hbm>> -> memref<2000xi32, #tpu.memory_space<hbm>>
      tpu.enqueue_dma source(%dma_start3A_70 : memref<2000xi32, #tpu.memory_space<hbm>>) target(%arg11 : memref<2000xi32, #tpu.memory_space<vmem>>) target_semaphore(%run_scoped3A : memref<!tpu.dma_semaphore, #tpu.memory_space<semaphore_mem>>)
      %dma_wait3A_71 = tpu.memref_slice %arg2[%add3A_8] : memref<640000xi32, #tpu.memory_space<hbm>> -> memref<2000xi32, #tpu.memory_space<hbm>>
      %dma_wait3A_72 = tpu.memref_slice %arg2[%add3A_8] : memref<640000xi32, #tpu.memory_space<hbm>> -> memref<2000xi32, #tpu.memory_space<hbm>>
      tpu.wait_dma2 semaphore(%run_scoped3A : memref<!tpu.dma_semaphore, #tpu.memory_space<semaphore_mem>>) src(%dma_wait3A_72 : memref<2000xi32, #tpu.memory_space<hbm>>) dst(%arg11 : memref<2000xi32, #tpu.memory_space<vmem>>)
      tpu.yield
    }) : () -> ()
    %add3A_9 = arith.constant 2000 : i32
    %add3A_10 = arith.addi %mul3A_2, %add3A_9 : i32
    "tpu.region"() ({
      %run_scoped3A = tpu.sem_alloc : memref<!tpu.dma_semaphore, #tpu.memory_space<semaphore_mem>>
      %dma_start3A_69 = tpu.memref_slice %arg2[%add3A_10] : memref<640000xi32, #tpu.memory_space<hbm>> -> memref<2000xi32, #tpu.memory_space<hbm>>
      %dma_start3A_70 = tpu.memref_slice %arg2[%add3A_10] : memref<640000xi32, #tpu.memory_space<hbm>> -> memref<2000xi32, #tpu.memory_space<hbm>>
      tpu.enqueue_dma source(%dma_start3A_70 : memref<2000xi32, #tpu.memory_space<hbm>>) target(%arg7 : memref<2000xi32, #tpu.memory_space<vmem>>) target_semaphore(%run_scoped3A : memref<!tpu.dma_semaphore, #tpu.memory_space<semaphore_mem>>)
      %dma_wait3A_71 = tpu.memref_slice %arg2[%add3A_10] : memref<640000xi32, #tpu.memory_space<hbm>> -> memref<2000xi32, #tpu.memory_space<hbm>>
      %dma_wait3A_72 = tpu.memref_slice %arg2[%add3A_10] : memref<640000xi32, #tpu.memory_space<hbm>> -> memref<2000xi32, #tpu.memory_space<hbm>>
      tpu.wait_dma2 semaphore(%run_scoped3A : memref<!tpu.dma_semaphore, #tpu.memory_space<semaphore_mem>>) src(%dma_wait3A_72 : memref<2000xi32, #tpu.memory_space<hbm>>) dst(%arg7 : memref<2000xi32, #tpu.memory_space<vmem>>)
      tpu.yield
    }) : () -> ()
    %add3A_11 = arith.constant 320000 : i32
    %add3A_12 = arith.addi %add3A_11, %mul3A_2 : i32
    %add3A_13 = arith.constant 2000 : i32
    %add3A_14 = arith.addi %add3A_12, %add3A_13 : i32
    "tpu.region"() ({
      %run_scoped3A = tpu.sem_alloc : memref<!tpu.dma_semaphore, #tpu.memory_space<semaphore_mem>>
      %dma_start3A_69 = tpu.memref_slice %arg2[%add3A_14] : memref<640000xi32, #tpu.memory_space<hbm>> -> memref<2000xi32, #tpu.memory_space<hbm>>
      %dma_start3A_70 = tpu.memref_slice %arg2[%add3A_14] : memref<640000xi32, #tpu.memory_space<hbm>> -> memref<2000xi32, #tpu.memory_space<hbm>>
      tpu.enqueue_dma source(%dma_start3A_70 : memref<2000xi32, #tpu.memory_space<hbm>>) target(%arg12 : memref<2000xi32, #tpu.memory_space<vmem>>) target_semaphore(%run_scoped3A : memref<!tpu.dma_semaphore, #tpu.memory_space<semaphore_mem>>)
      %dma_wait3A_71 = tpu.memref_slice %arg2[%add3A_14] : memref<640000xi32, #tpu.memory_space<hbm>> -> memref<2000xi32, #tpu.memory_space<hbm>>
      %dma_wait3A_72 = tpu.memref_slice %arg2[%add3A_14] : memref<640000xi32, #tpu.memory_space<hbm>> -> memref<2000xi32, #tpu.memory_space<hbm>>
      tpu.wait_dma2 semaphore(%run_scoped3A : memref<!tpu.dma_semaphore, #tpu.memory_space<semaphore_mem>>) src(%dma_wait3A_72 : memref<2000xi32, #tpu.memory_space<hbm>>) dst(%arg12 : memref<2000xi32, #tpu.memory_space<vmem>>)
      tpu.yield
    }) : () -> ()
    %add3A_15 = arith.constant 4000 : i32
    %add3A_16 = arith.addi %mul3A_2, %add3A_15 : i32
    "tpu.region"() ({
      %run_scoped3A = tpu.sem_alloc : memref<!tpu.dma_semaphore, #tpu.memory_space<semaphore_mem>>
      %dma_start3A_69 = tpu.memref_slice %arg2[%add3A_16] : memref<640000xi32, #tpu.memory_space<hbm>> -> memref<2000xi32, #tpu.memory_space<hbm>>
      %dma_start3A_70 = tpu.memref_slice %arg2[%add3A_16] : memref<640000xi32, #tpu.memory_space<hbm>> -> memref<2000xi32, #tpu.memory_space<hbm>>
      tpu.enqueue_dma source(%dma_start3A_70 : memref<2000xi32, #tpu.memory_space<hbm>>) target(%arg8 : memref<2000xi32, #tpu.memory_space<vmem>>) target_semaphore(%run_scoped3A : memref<!tpu.dma_semaphore, #tpu.memory_space<semaphore_mem>>)
      %dma_wait3A_71 = tpu.memref_slice %arg2[%add3A_16] : memref<640000xi32, #tpu.memory_space<hbm>> -> memref<2000xi32, #tpu.memory_space<hbm>>
      %dma_wait3A_72 = tpu.memref_slice %arg2[%add3A_16] : memref<640000xi32, #tpu.memory_space<hbm>> -> memref<2000xi32, #tpu.memory_space<hbm>>
      tpu.wait_dma2 semaphore(%run_scoped3A : memref<!tpu.dma_semaphore, #tpu.memory_space<semaphore_mem>>) src(%dma_wait3A_72 : memref<2000xi32, #tpu.memory_space<hbm>>) dst(%arg8 : memref<2000xi32, #tpu.memory_space<vmem>>)
      tpu.yield
    }) : () -> ()
    %add3A_17 = arith.constant 320000 : i32
    %add3A_18 = arith.addi %add3A_17, %mul3A_2 : i32
    %add3A_19 = arith.constant 4000 : i32
    %add3A_20 = arith.addi %add3A_18, %add3A_19 : i32
    "tpu.region"() ({
      %run_scoped3A = tpu.sem_alloc : memref<!tpu.dma_semaphore, #tpu.memory_space<semaphore_mem>>
      %dma_start3A_69 = tpu.memref_slice %arg2[%add3A_20] : memref<640000xi32, #tpu.memory_space<hbm>> -> memref<2000xi32, #tpu.memory_space<hbm>>
      %dma_start3A_70 = tpu.memref_slice %arg2[%add3A_20] : memref<640000xi32, #tpu.memory_space<hbm>> -> memref<2000xi32, #tpu.memory_space<hbm>>
      tpu.enqueue_dma source(%dma_start3A_70 : memref<2000xi32, #tpu.memory_space<hbm>>) target(%arg13 : memref<2000xi32, #tpu.memory_space<vmem>>) target_semaphore(%run_scoped3A : memref<!tpu.dma_semaphore, #tpu.memory_space<semaphore_mem>>)
      %dma_wait3A_71 = tpu.memref_slice %arg2[%add3A_20] : memref<640000xi32, #tpu.memory_space<hbm>> -> memref<2000xi32, #tpu.memory_space<hbm>>
      %dma_wait3A_72 = tpu.memref_slice %arg2[%add3A_20] : memref<640000xi32, #tpu.memory_space<hbm>> -> memref<2000xi32, #tpu.memory_space<hbm>>
      tpu.wait_dma2 semaphore(%run_scoped3A : memref<!tpu.dma_semaphore, #tpu.memory_space<semaphore_mem>>) src(%dma_wait3A_72 : memref<2000xi32, #tpu.memory_space<hbm>>) dst(%arg13 : memref<2000xi32, #tpu.memory_space<vmem>>)
      tpu.yield
    }) : () -> ()
    %add3A_21 = arith.constant 6000 : i32
    %add3A_22 = arith.addi %mul3A_2, %add3A_21 : i32
    "tpu.region"() ({
      %run_scoped3A = tpu.sem_alloc : memref<!tpu.dma_semaphore, #tpu.memory_space<semaphore_mem>>
      %dma_start3A_69 = tpu.memref_slice %arg2[%add3A_22] : memref<640000xi32, #tpu.memory_space<hbm>> -> memref<2000xi32, #tpu.memory_space<hbm>>
      %dma_start3A_70 = tpu.memref_slice %arg2[%add3A_22] : memref<640000xi32, #tpu.memory_space<hbm>> -> memref<2000xi32, #tpu.memory_space<hbm>>
      tpu.enqueue_dma source(%dma_start3A_70 : memref<2000xi32, #tpu.memory_space<hbm>>) target(%arg9 : memref<2000xi32, #tpu.memory_space<vmem>>) target_semaphore(%run_scoped3A : memref<!tpu.dma_semaphore, #tpu.memory_space<semaphore_mem>>)
      %dma_wait3A_71 = tpu.memref_slice %arg2[%add3A_22] : memref<640000xi32, #tpu.memory_space<hbm>> -> memref<2000xi32, #tpu.memory_space<hbm>>
      %dma_wait3A_72 = tpu.memref_slice %arg2[%add3A_22] : memref<640000xi32, #tpu.memory_space<hbm>> -> memref<2000xi32, #tpu.memory_space<hbm>>
      tpu.wait_dma2 semaphore(%run_scoped3A : memref<!tpu.dma_semaphore, #tpu.memory_space<semaphore_mem>>) src(%dma_wait3A_72 : memref<2000xi32, #tpu.memory_space<hbm>>) dst(%arg9 : memref<2000xi32, #tpu.memory_space<vmem>>)
      tpu.yield
    }) : () -> ()
    %add3A_23 = arith.constant 320000 : i32
    %add3A_24 = arith.addi %add3A_23, %mul3A_2 : i32
    %add3A_25 = arith.constant 6000 : i32
    %add3A_26 = arith.addi %add3A_24, %add3A_25 : i32
    "tpu.region"() ({
      %run_scoped3A = tpu.sem_alloc : memref<!tpu.dma_semaphore, #tpu.memory_space<semaphore_mem>>
      %dma_start3A_69 = tpu.memref_slice %arg2[%add3A_26] : memref<640000xi32, #tpu.memory_space<hbm>> -> memref<2000xi32, #tpu.memory_space<hbm>>
      %dma_start3A_70 = tpu.memref_slice %arg2[%add3A_26] : memref<640000xi32, #tpu.memory_space<hbm>> -> memref<2000xi32, #tpu.memory_space<hbm>>
      tpu.enqueue_dma source(%dma_start3A_70 : memref<2000xi32, #tpu.memory_space<hbm>>) target(%arg14 : memref<2000xi32, #tpu.memory_space<vmem>>) target_semaphore(%run_scoped3A : memref<!tpu.dma_semaphore, #tpu.memory_space<semaphore_mem>>)
      %dma_wait3A_71 = tpu.memref_slice %arg2[%add3A_26] : memref<640000xi32, #tpu.memory_space<hbm>> -> memref<2000xi32, #tpu.memory_space<hbm>>
      %dma_wait3A_72 = tpu.memref_slice %arg2[%add3A_26] : memref<640000xi32, #tpu.memory_space<hbm>> -> memref<2000xi32, #tpu.memory_space<hbm>>
      tpu.wait_dma2 semaphore(%run_scoped3A : memref<!tpu.dma_semaphore, #tpu.memory_space<semaphore_mem>>) src(%dma_wait3A_72 : memref<2000xi32, #tpu.memory_space<hbm>>) dst(%arg14 : memref<2000xi32, #tpu.memory_space<vmem>>)
      tpu.yield
    }) : () -> ()
    %add3A_27 = arith.constant 8000 : i32
    %add3A_28 = arith.addi %mul3A_2, %add3A_27 : i32
    "tpu.region"() ({
      %run_scoped3A = tpu.sem_alloc : memref<!tpu.dma_semaphore, #tpu.memory_space<semaphore_mem>>
      %dma_start3A_69 = tpu.memref_slice %arg2[%add3A_28] : memref<640000xi32, #tpu.memory_space<hbm>> -> memref<2000xi32, #tpu.memory_space<hbm>>
      %dma_start3A_70 = tpu.memref_slice %arg2[%add3A_28] : memref<640000xi32, #tpu.memory_space<hbm>> -> memref<2000xi32, #tpu.memory_space<hbm>>
      tpu.enqueue_dma source(%dma_start3A_70 : memref<2000xi32, #tpu.memory_space<hbm>>) target(%arg10 : memref<2000xi32, #tpu.memory_space<vmem>>) target_semaphore(%run_scoped3A : memref<!tpu.dma_semaphore, #tpu.memory_space<semaphore_mem>>)
      %dma_wait3A_71 = tpu.memref_slice %arg2[%add3A_28] : memref<640000xi32, #tpu.memory_space<hbm>> -> memref<2000xi32, #tpu.memory_space<hbm>>
      %dma_wait3A_72 = tpu.memref_slice %arg2[%add3A_28] : memref<640000xi32, #tpu.memory_space<hbm>> -> memref<2000xi32, #tpu.memory_space<hbm>>
      tpu.wait_dma2 semaphore(%run_scoped3A : memref<!tpu.dma_semaphore, #tpu.memory_space<semaphore_mem>>) src(%dma_wait3A_72 : memref<2000xi32, #tpu.memory_space<hbm>>) dst(%arg10 : memref<2000xi32, #tpu.memory_space<vmem>>)
      tpu.yield
    }) : () -> ()
    %add3A_29 = arith.constant 320000 : i32
    %add3A_30 = arith.addi %add3A_29, %mul3A_2 : i32
    %add3A_31 = arith.constant 8000 : i32
    %add3A_32 = arith.addi %add3A_30, %add3A_31 : i32
    "tpu.region"() ({
      %run_scoped3A = tpu.sem_alloc : memref<!tpu.dma_semaphore, #tpu.memory_space<semaphore_mem>>
      %dma_start3A_69 = tpu.memref_slice %arg2[%add3A_32] : memref<640000xi32, #tpu.memory_space<hbm>> -> memref<2000xi32, #tpu.memory_space<hbm>>
      %dma_start3A_70 = tpu.memref_slice %arg2[%add3A_32] : memref<640000xi32, #tpu.memory_space<hbm>> -> memref<2000xi32, #tpu.memory_space<hbm>>
      tpu.enqueue_dma source(%dma_start3A_70 : memref<2000xi32, #tpu.memory_space<hbm>>) target(%arg15 : memref<2000xi32, #tpu.memory_space<vmem>>) target_semaphore(%run_scoped3A : memref<!tpu.dma_semaphore, #tpu.memory_space<semaphore_mem>>)
      %dma_wait3A_71 = tpu.memref_slice %arg2[%add3A_32] : memref<640000xi32, #tpu.memory_space<hbm>> -> memref<2000xi32, #tpu.memory_space<hbm>>
      %dma_wait3A_72 = tpu.memref_slice %arg2[%add3A_32] : memref<640000xi32, #tpu.memory_space<hbm>> -> memref<2000xi32, #tpu.memory_space<hbm>>
      tpu.wait_dma2 semaphore(%run_scoped3A : memref<!tpu.dma_semaphore, #tpu.memory_space<semaphore_mem>>) src(%dma_wait3A_72 : memref<2000xi32, #tpu.memory_space<hbm>>) dst(%arg15 : memref<2000xi32, #tpu.memory_space<vmem>>)
      tpu.yield
    }) : () -> ()
    %lt3A = arith.constant 10 : i32
    %lt3A_33 = arith.cmpi slt, %arg1, %lt3A : i32
    %convert_element_type3A = arith.extui %lt3A_33 : i1 to i32
    %cond3A = arith.constant 0 : i32
    %cond3A_34 = arith.cmpi ne, %convert_element_type3A, %cond3A : i32
    scf.if %cond3A_34 {
      %mul3A_69 = arith.constant 1000 : i32
      %mul3A_70 = arith.muli %arg1, %mul3A_69 : i32
      "tpu.region"() ({
        %run_scoped3A = tpu.sem_alloc : memref<!tpu.dma_semaphore, #tpu.memory_space<semaphore_mem>>
        %dma_start3A_73 = arith.constant 0 : i32
        %dma_start3A_74 = arith.constant 0 : i32
        %dma_start3A_75 = tpu.memref_slice %arg16[%dma_start3A_73, %dma_start3A_74] : memref<2000x16xf32, #tpu.memory_space<vmem>> -> memref<1000x16xf32, #tpu.memory_space<vmem>>
        %dma_start3A_76 = arith.constant 0 : i32
        %dma_start3A_77 = tpu.memref_slice %arg4[%mul3A_70, %dma_start3A_76] : memref<10000x16xf32, #tpu.memory_space<hbm>> -> memref<1000x16xf32, #tpu.memory_space<hbm>>
        %dma_start3A_78 = arith.constant 0 : i32
        %dma_start3A_79 = arith.constant 0 : i32
        %dma_start3A_80 = tpu.memref_slice %arg16[%dma_start3A_78, %dma_start3A_79] : memref<2000x16xf32, #tpu.memory_space<vmem>> -> memref<1000x16xf32, #tpu.memory_space<vmem>>
        %dma_start3A_81 = arith.constant 0 : i32
        %dma_start3A_82 = tpu.memref_slice %arg4[%mul3A_70, %dma_start3A_81] : memref<10000x16xf32, #tpu.memory_space<hbm>> -> memref<1000x16xf32, #tpu.memory_space<hbm>>
        tpu.enqueue_dma source(%dma_start3A_82 : memref<1000x16xf32, #tpu.memory_space<hbm>>) target(%dma_start3A_80 : memref<1000x16xf32, #tpu.memory_space<vmem>>) target_semaphore(%run_scoped3A : memref<!tpu.dma_semaphore, #tpu.memory_space<semaphore_mem>>)
        %dma_wait3A_83 = arith.constant 0 : i32
        %dma_wait3A_84 = arith.constant 0 : i32
        %dma_wait3A_85 = tpu.memref_slice %arg16[%dma_wait3A_83, %dma_wait3A_84] : memref<2000x16xf32, #tpu.memory_space<vmem>> -> memref<1000x16xf32, #tpu.memory_space<vmem>>
        %dma_wait3A_86 = arith.constant 0 : i32
        %dma_wait3A_87 = tpu.memref_slice %arg4[%mul3A_70, %dma_wait3A_86] : memref<10000x16xf32, #tpu.memory_space<hbm>> -> memref<1000x16xf32, #tpu.memory_space<hbm>>
        %dma_wait3A_88 = arith.constant 0 : i32
        %dma_wait3A_89 = arith.constant 0 : i32
        %dma_wait3A_90 = tpu.memref_slice %arg16[%dma_wait3A_88, %dma_wait3A_89] : memref<2000x16xf32, #tpu.memory_space<vmem>> -> memref<1000x16xf32, #tpu.memory_space<vmem>>
        %dma_wait3A_91 = arith.constant 0 : i32
        %dma_wait3A_92 = tpu.memref_slice %arg4[%mul3A_70, %dma_wait3A_91] : memref<10000x16xf32, #tpu.memory_space<hbm>> -> memref<1000x16xf32, #tpu.memory_space<hbm>>
        tpu.wait_dma2 semaphore(%run_scoped3A : memref<!tpu.dma_semaphore, #tpu.memory_space<semaphore_mem>>) src(%dma_wait3A_92 : memref<1000x16xf32, #tpu.memory_space<hbm>>) dst(%dma_wait3A_90 : memref<1000x16xf32, #tpu.memory_space<vmem>>)
        tpu.yield
      }) : () -> ()
      %mul3A_71 = arith.constant 1000 : i32
      %mul3A_72 = arith.muli %arg1, %mul3A_71 : i32
      "tpu.region"() ({
        %run_scoped3A = tpu.sem_alloc : memref<!tpu.dma_semaphore, #tpu.memory_space<semaphore_mem>>
        %dma_start3A_73 = arith.constant 0 : i32
        %dma_start3A_74 = arith.constant 0 : i32
        %dma_start3A_75 = tpu.memref_slice %arg16[%dma_start3A_73, %dma_start3A_74] : memref<2000x16xf32, #tpu.memory_space<vmem>> -> memref<1000x16xf32, #tpu.memory_space<vmem>>
        %dma_start3A_76 = arith.constant 0 : i32
        %dma_start3A_77 = tpu.memref_slice %arg18[%mul3A_72, %dma_start3A_76] : memref<10000x16xf32, #tpu.memory_space<vmem_shared>> -> memref<1000x16xf32, #tpu.memory_space<vmem_shared>>
        %dma_start3A_78 = arith.constant 0 : i32
        %dma_start3A_79 = tpu.memref_slice %arg18[%mul3A_72, %dma_start3A_78] : memref<10000x16xf32, #tpu.memory_space<vmem_shared>> -> memref<1000x16xf32, #tpu.memory_space<vmem_shared>>
        %dma_start3A_80 = arith.constant 0 : i32
        %dma_start3A_81 = arith.constant 0 : i32
        %dma_start3A_82 = tpu.memref_slice %arg16[%dma_start3A_80, %dma_start3A_81] : memref<2000x16xf32, #tpu.memory_space<vmem>> -> memref<1000x16xf32, #tpu.memory_space<vmem>>
        tpu.enqueue_dma source(%dma_start3A_82 : memref<1000x16xf32, #tpu.memory_space<vmem>>) target(%dma_start3A_79 : memref<1000x16xf32, #tpu.memory_space<vmem_shared>>) target_semaphore(%run_scoped3A : memref<!tpu.dma_semaphore, #tpu.memory_space<semaphore_mem>>)
        %dma_wait3A_83 = arith.constant 0 : i32
        %dma_wait3A_84 = arith.constant 0 : i32
        %dma_wait3A_85 = tpu.memref_slice %arg16[%dma_wait3A_83, %dma_wait3A_84] : memref<2000x16xf32, #tpu.memory_space<vmem>> -> memref<1000x16xf32, #tpu.memory_space<vmem>>
        %dma_wait3A_86 = arith.constant 0 : i32
        %dma_wait3A_87 = tpu.memref_slice %arg18[%mul3A_72, %dma_wait3A_86] : memref<10000x16xf32, #tpu.memory_space<vmem_shared>> -> memref<1000x16xf32, #tpu.memory_space<vmem_shared>>
        %dma_wait3A_88 = arith.constant 0 : i32
        %dma_wait3A_89 = tpu.memref_slice %arg18[%mul3A_72, %dma_wait3A_88] : memref<10000x16xf32, #tpu.memory_space<vmem_shared>> -> memref<1000x16xf32, #tpu.memory_space<vmem_shared>>
        %dma_wait3A_90 = arith.constant 0 : i32
        %dma_wait3A_91 = arith.constant 0 : i32
        %dma_wait3A_92 = tpu.memref_slice %arg16[%dma_wait3A_90, %dma_wait3A_91] : memref<2000x16xf32, #tpu.memory_space<vmem>> -> memref<1000x16xf32, #tpu.memory_space<vmem>>
        tpu.wait_dma2 semaphore(%run_scoped3A : memref<!tpu.dma_semaphore, #tpu.memory_space<semaphore_mem>>) src(%dma_wait3A_92 : memref<1000x16xf32, #tpu.memory_space<vmem>>) dst(%dma_wait3A_89 : memref<1000x16xf32, #tpu.memory_space<vmem_shared>>)
        tpu.yield
      }) : () -> ()
    } else {
    }
    %barrier3A = arith.constant 0 : index
    tpu.barrier barrier_id(%barrier3A)
    %dma_start3A = arith.constant 0 : i32
    %dma_start3A_35 = arith.constant 0 : i32
    %dma_start3A_36 = tpu.memref_slice %arg3[%dma_start3A, %dma_start3A_35] : memref<10000x16xf32, #tpu.memory_space<hbm>> -> memref<10000x16xf32, #tpu.memory_space<hbm>>
    tpu.enqueue_indirect_dma source(%dma_start3A_36 : memref<10000x16xf32, #tpu.memory_space<hbm>>) target(%arg16 : memref<2000x16xf32, #tpu.memory_space<vmem>>) offsets(%arg6 : memref<2000xi32, #tpu.memory_space<vmem>>) semaphore(%arg19 : memref<!tpu.dma_semaphore, #tpu.memory_space<semaphore_mem>>)
    %dma_wait3A = arith.constant 0 : i32
    %dma_wait3A_37 = arith.constant 0 : i32
    %dma_wait3A_38 = tpu.memref_slice %arg3[%dma_wait3A, %dma_wait3A_37] : memref<10000x16xf32, #tpu.memory_space<hbm>> -> memref<10000x16xf32, #tpu.memory_space<hbm>>
    tpu.wait_indirect_dma semaphore(%arg19 : memref<!tpu.dma_semaphore, #tpu.memory_space<semaphore_mem>>) src(%dma_wait3A_38 : memref<10000x16xf32, #tpu.memory_space<hbm>>) dst(%arg16 : memref<2000x16xf32, #tpu.memory_space<vmem>>)
    %dma_start3A_39 = arith.constant 0 : i32
    %dma_start3A_40 = arith.constant 0 : i32
    %dma_start3A_41 = tpu.memref_slice %arg3[%dma_start3A_39, %dma_start3A_40] : memref<10000x16xf32, #tpu.memory_space<hbm>> -> memref<10000x16xf32, #tpu.memory_space<hbm>>
    tpu.enqueue_indirect_dma source(%dma_start3A_41 : memref<10000x16xf32, #tpu.memory_space<hbm>>) target(%arg17 : memref<2000x16xf32, #tpu.memory_space<vmem>>) offsets(%arg7 : memref<2000xi32, #tpu.memory_space<vmem>>) semaphore(%arg20 : memref<!tpu.dma_semaphore, #tpu.memory_space<semaphore_mem>>)
    "tpu.region"() ({
      %run_scoped3A = tpu.sem_alloc : memref<!tpu.dma_semaphore, #tpu.memory_space<semaphore_mem>>
      %dma_start3A_69 = arith.constant 0 : i32
      %dma_start3A_70 = arith.constant 0 : i32
      %dma_start3A_71 = tpu.memref_slice %arg18[%dma_start3A_69, %dma_start3A_70] : memref<10000x16xf32, #tpu.memory_space<vmem_shared>> -> memref<10000x16xf32, #tpu.memory_space<vmem_shared>>
      tpu.enqueue_indirect_dma source(%arg16 : memref<2000x16xf32, #tpu.memory_space<vmem>>) target(%dma_start3A_71 : memref<10000x16xf32, #tpu.memory_space<vmem_shared>>) offsets(%arg11 : memref<2000xi32, #tpu.memory_space<vmem>>) semaphore(%run_scoped3A : memref<!tpu.dma_semaphore, #tpu.memory_space<semaphore_mem>>) {add = true}
      %dma_wait3A_72 = arith.constant 0 : i32
      %dma_wait3A_73 = arith.constant 0 : i32
      %dma_wait3A_74 = tpu.memref_slice %arg18[%dma_wait3A_72, %dma_wait3A_73] : memref<10000x16xf32, #tpu.memory_space<vmem_shared>> -> memref<10000x16xf32, #tpu.memory_space<vmem_shared>>
      tpu.wait_indirect_dma semaphore(%run_scoped3A : memref<!tpu.dma_semaphore, #tpu.memory_space<semaphore_mem>>) src(%arg16 : memref<2000x16xf32, #tpu.memory_space<vmem>>) dst(%dma_wait3A_74 : memref<10000x16xf32, #tpu.memory_space<vmem_shared>>)
      tpu.yield
    }) : () -> ()
    %dma_wait3A_42 = arith.constant 0 : i32
    %dma_wait3A_43 = arith.constant 0 : i32
    %dma_wait3A_44 = tpu.memref_slice %arg3[%dma_wait3A_42, %dma_wait3A_43] : memref<10000x16xf32, #tpu.memory_space<hbm>> -> memref<10000x16xf32, #tpu.memory_space<hbm>>
    tpu.wait_indirect_dma semaphore(%arg20 : memref<!tpu.dma_semaphore, #tpu.memory_space<semaphore_mem>>) src(%dma_wait3A_44 : memref<10000x16xf32, #tpu.memory_space<hbm>>) dst(%arg17 : memref<2000x16xf32, #tpu.memory_space<vmem>>)
    %dma_start3A_45 = arith.constant 0 : i32
    %dma_start3A_46 = arith.constant 0 : i32
    %dma_start3A_47 = tpu.memref_slice %arg3[%dma_start3A_45, %dma_start3A_46] : memref<10000x16xf32, #tpu.memory_space<hbm>> -> memref<10000x16xf32, #tpu.memory_space<hbm>>
    tpu.enqueue_indirect_dma source(%dma_start3A_47 : memref<10000x16xf32, #tpu.memory_space<hbm>>) target(%arg16 : memref<2000x16xf32, #tpu.memory_space<vmem>>) offsets(%arg8 : memref<2000xi32, #tpu.memory_space<vmem>>) semaphore(%arg19 : memref<!tpu.dma_semaphore, #tpu.memory_space<semaphore_mem>>)
    "tpu.region"() ({
      %run_scoped3A = tpu.sem_alloc : memref<!tpu.dma_semaphore, #tpu.memory_space<semaphore_mem>>
      %dma_start3A_69 = arith.constant 0 : i32
      %dma_start3A_70 = arith.constant 0 : i32
      %dma_start3A_71 = tpu.memref_slice %arg18[%dma_start3A_69, %dma_start3A_70] : memref<10000x16xf32, #tpu.memory_space<vmem_shared>> -> memref<10000x16xf32, #tpu.memory_space<vmem_shared>>
      tpu.enqueue_indirect_dma source(%arg17 : memref<2000x16xf32, #tpu.memory_space<vmem>>) target(%dma_start3A_71 : memref<10000x16xf32, #tpu.memory_space<vmem_shared>>) offsets(%arg12 : memref<2000xi32, #tpu.memory_space<vmem>>) semaphore(%run_scoped3A : memref<!tpu.dma_semaphore, #tpu.memory_space<semaphore_mem>>) {add = true}
      %dma_wait3A_72 = arith.constant 0 : i32
      %dma_wait3A_73 = arith.constant 0 : i32
      %dma_wait3A_74 = tpu.memref_slice %arg18[%dma_wait3A_72, %dma_wait3A_73] : memref<10000x16xf32, #tpu.memory_space<vmem_shared>> -> memref<10000x16xf32, #tpu.memory_space<vmem_shared>>
      tpu.wait_indirect_dma semaphore(%run_scoped3A : memref<!tpu.dma_semaphore, #tpu.memory_space<semaphore_mem>>) src(%arg17 : memref<2000x16xf32, #tpu.memory_space<vmem>>) dst(%dma_wait3A_74 : memref<10000x16xf32, #tpu.memory_space<vmem_shared>>)
      tpu.yield
    }) : () -> ()
    %dma_wait3A_48 = arith.constant 0 : i32
    %dma_wait3A_49 = arith.constant 0 : i32
    %dma_wait3A_50 = tpu.memref_slice %arg3[%dma_wait3A_48, %dma_wait3A_49] : memref<10000x16xf32, #tpu.memory_space<hbm>> -> memref<10000x16xf32, #tpu.memory_space<hbm>>
    tpu.wait_indirect_dma semaphore(%arg19 : memref<!tpu.dma_semaphore, #tpu.memory_space<semaphore_mem>>) src(%dma_wait3A_50 : memref<10000x16xf32, #tpu.memory_space<hbm>>) dst(%arg16 : memref<2000x16xf32, #tpu.memory_space<vmem>>)
    %dma_start3A_51 = arith.constant 0 : i32
    %dma_start3A_52 = arith.constant 0 : i32
    %dma_start3A_53 = tpu.memref_slice %arg3[%dma_start3A_51, %dma_start3A_52] : memref<10000x16xf32, #tpu.memory_space<hbm>> -> memref<10000x16xf32, #tpu.memory_space<hbm>>
    tpu.enqueue_indirect_dma source(%dma_start3A_53 : memref<10000x16xf32, #tpu.memory_space<hbm>>) target(%arg17 : memref<2000x16xf32, #tpu.memory_space<vmem>>) offsets(%arg9 : memref<2000xi32, #tpu.memory_space<vmem>>) semaphore(%arg20 : memref<!tpu.dma_semaphore, #tpu.memory_space<semaphore_mem>>)
    "tpu.region"() ({
      %run_scoped3A = tpu.sem_alloc : memref<!tpu.dma_semaphore, #tpu.memory_space<semaphore_mem>>
      %dma_start3A_69 = arith.constant 0 : i32
      %dma_start3A_70 = arith.constant 0 : i32
      %dma_start3A_71 = tpu.memref_slice %arg18[%dma_start3A_69, %dma_start3A_70] : memref<10000x16xf32, #tpu.memory_space<vmem_shared>> -> memref<10000x16xf32, #tpu.memory_space<vmem_shared>>
      tpu.enqueue_indirect_dma source(%arg16 : memref<2000x16xf32, #tpu.memory_space<vmem>>) target(%dma_start3A_71 : memref<10000x16xf32, #tpu.memory_space<vmem_shared>>) offsets(%arg13 : memref<2000xi32, #tpu.memory_space<vmem>>) semaphore(%run_scoped3A : memref<!tpu.dma_semaphore, #tpu.memory_space<semaphore_mem>>) {add = true}
      %dma_wait3A_72 = arith.constant 0 : i32
      %dma_wait3A_73 = arith.constant 0 : i32
      %dma_wait3A_74 = tpu.memref_slice %arg18[%dma_wait3A_72, %dma_wait3A_73] : memref<10000x16xf32, #tpu.memory_space<vmem_shared>> -> memref<10000x16xf32, #tpu.memory_space<vmem_shared>>
      tpu.wait_indirect_dma semaphore(%run_scoped3A : memref<!tpu.dma_semaphore, #tpu.memory_space<semaphore_mem>>) src(%arg16 : memref<2000x16xf32, #tpu.memory_space<vmem>>) dst(%dma_wait3A_74 : memref<10000x16xf32, #tpu.memory_space<vmem_shared>>)
      tpu.yield
    }) : () -> ()
    %dma_wait3A_54 = arith.constant 0 : i32
    %dma_wait3A_55 = arith.constant 0 : i32
    %dma_wait3A_56 = tpu.memref_slice %arg3[%dma_wait3A_54, %dma_wait3A_55] : memref<10000x16xf32, #tpu.memory_space<hbm>> -> memref<10000x16xf32, #tpu.memory_space<hbm>>
    tpu.wait_indirect_dma semaphore(%arg20 : memref<!tpu.dma_semaphore, #tpu.memory_space<semaphore_mem>>) src(%dma_wait3A_56 : memref<10000x16xf32, #tpu.memory_space<hbm>>) dst(%arg17 : memref<2000x16xf32, #tpu.memory_space<vmem>>)
    %dma_start3A_57 = arith.constant 0 : i32
    %dma_start3A_58 = arith.constant 0 : i32
    %dma_start3A_59 = tpu.memref_slice %arg3[%dma_start3A_57, %dma_start3A_58] : memref<10000x16xf32, #tpu.memory_space<hbm>> -> memref<10000x16xf32, #tpu.memory_space<hbm>>
    tpu.enqueue_indirect_dma source(%dma_start3A_59 : memref<10000x16xf32, #tpu.memory_space<hbm>>) target(%arg16 : memref<2000x16xf32, #tpu.memory_space<vmem>>) offsets(%arg10 : memref<2000xi32, #tpu.memory_space<vmem>>) semaphore(%arg19 : memref<!tpu.dma_semaphore, #tpu.memory_space<semaphore_mem>>)
    "tpu.region"() ({
      %run_scoped3A = tpu.sem_alloc : memref<!tpu.dma_semaphore, #tpu.memory_space<semaphore_mem>>
      %dma_start3A_69 = arith.constant 0 : i32
      %dma_start3A_70 = arith.constant 0 : i32
      %dma_start3A_71 = tpu.memref_slice %arg18[%dma_start3A_69, %dma_start3A_70] : memref<10000x16xf32, #tpu.memory_space<vmem_shared>> -> memref<10000x16xf32, #tpu.memory_space<vmem_shared>>
      tpu.enqueue_indirect_dma source(%arg17 : memref<2000x16xf32, #tpu.memory_space<vmem>>) target(%dma_start3A_71 : memref<10000x16xf32, #tpu.memory_space<vmem_shared>>) offsets(%arg14 : memref<2000xi32, #tpu.memory_space<vmem>>) semaphore(%run_scoped3A : memref<!tpu.dma_semaphore, #tpu.memory_space<semaphore_mem>>) {add = true}
      %dma_wait3A_72 = arith.constant 0 : i32
      %dma_wait3A_73 = arith.constant 0 : i32
      %dma_wait3A_74 = tpu.memref_slice %arg18[%dma_wait3A_72, %dma_wait3A_73] : memref<10000x16xf32, #tpu.memory_space<vmem_shared>> -> memref<10000x16xf32, #tpu.memory_space<vmem_shared>>
      tpu.wait_indirect_dma semaphore(%run_scoped3A : memref<!tpu.dma_semaphore, #tpu.memory_space<semaphore_mem>>) src(%arg17 : memref<2000x16xf32, #tpu.memory_space<vmem>>) dst(%dma_wait3A_74 : memref<10000x16xf32, #tpu.memory_space<vmem_shared>>)
      tpu.yield
    }) : () -> ()
    %dma_wait3A_60 = arith.constant 0 : i32
    %dma_wait3A_61 = arith.constant 0 : i32
    %dma_wait3A_62 = tpu.memref_slice %arg3[%dma_wait3A_60, %dma_wait3A_61] : memref<10000x16xf32, #tpu.memory_space<hbm>> -> memref<10000x16xf32, #tpu.memory_space<hbm>>
    tpu.wait_indirect_dma semaphore(%arg19 : memref<!tpu.dma_semaphore, #tpu.memory_space<semaphore_mem>>) src(%dma_wait3A_62 : memref<10000x16xf32, #tpu.memory_space<hbm>>) dst(%arg16 : memref<2000x16xf32, #tpu.memory_space<vmem>>)
    "tpu.region"() ({
      %run_scoped3A = tpu.sem_alloc : memref<!tpu.dma_semaphore, #tpu.memory_space<semaphore_mem>>
      %dma_start3A_69 = arith.constant 0 : i32
      %dma_start3A_70 = arith.constant 0 : i32
      %dma_start3A_71 = tpu.memref_slice %arg18[%dma_start3A_69, %dma_start3A_70] : memref<10000x16xf32, #tpu.memory_space<vmem_shared>> -> memref<10000x16xf32, #tpu.memory_space<vmem_shared>>
      tpu.enqueue_indirect_dma source(%arg16 : memref<2000x16xf32, #tpu.memory_space<vmem>>) target(%dma_start3A_71 : memref<10000x16xf32, #tpu.memory_space<vmem_shared>>) offsets(%arg15 : memref<2000xi32, #tpu.memory_space<vmem>>) semaphore(%run_scoped3A : memref<!tpu.dma_semaphore, #tpu.memory_space<semaphore_mem>>) {add = true}
      %dma_wait3A_72 = arith.constant 0 : i32
      %dma_wait3A_73 = arith.constant 0 : i32
      %dma_wait3A_74 = tpu.memref_slice %arg18[%dma_wait3A_72, %dma_wait3A_73] : memref<10000x16xf32, #tpu.memory_space<vmem_shared>> -> memref<10000x16xf32, #tpu.memory_space<vmem_shared>>
      tpu.wait_indirect_dma semaphore(%run_scoped3A : memref<!tpu.dma_semaphore, #tpu.memory_space<semaphore_mem>>) src(%arg16 : memref<2000x16xf32, #tpu.memory_space<vmem>>) dst(%dma_wait3A_74 : memref<10000x16xf32, #tpu.memory_space<vmem_shared>>)
      tpu.yield
    }) : () -> ()
    %barrier3A_63 = arith.constant 0 : index
    tpu.barrier barrier_id(%barrier3A_63)
    %lt3A_64 = arith.constant 10 : i32
    %lt3A_65 = arith.cmpi slt, %arg1, %lt3A_64 : i32
    %convert_element_type3A_66 = arith.extui %lt3A_65 : i1 to i32
    %cond3A_67 = arith.constant 0 : i32
    %cond3A_68 = arith.cmpi ne, %convert_element_type3A_66, %cond3A_67 : i32
    scf.if %cond3A_68 {
      %mul3A_69 = arith.constant 1000 : i32
      %mul3A_70 = arith.muli %arg1, %mul3A_69 : i32
      "tpu.region"() ({
        %run_scoped3A = tpu.sem_alloc : memref<!tpu.dma_semaphore, #tpu.memory_space<semaphore_mem>>
        %dma_start3A_73 = arith.constant 0 : i32
        %dma_start3A_74 = arith.constant 0 : i32
        %dma_start3A_75 = tpu.memref_slice %arg16[%dma_start3A_73, %dma_start3A_74] : memref<2000x16xf32, #tpu.memory_space<vmem>> -> memref<1000x16xf32, #tpu.memory_space<vmem>>
        %dma_start3A_76 = arith.constant 0 : i32
        %dma_start3A_77 = tpu.memref_slice %arg18[%mul3A_70, %dma_start3A_76] : memref<10000x16xf32, #tpu.memory_space<vmem_shared>> -> memref<1000x16xf32, #tpu.memory_space<vmem_shared>>
        %dma_start3A_78 = arith.constant 0 : i32
        %dma_start3A_79 = arith.constant 0 : i32
        %dma_start3A_80 = tpu.memref_slice %arg16[%dma_start3A_78, %dma_start3A_79] : memref<2000x16xf32, #tpu.memory_space<vmem>> -> memref<1000x16xf32, #tpu.memory_space<vmem>>
        %dma_start3A_81 = arith.constant 0 : i32
        %dma_start3A_82 = tpu.memref_slice %arg18[%mul3A_70, %dma_start3A_81] : memref<10000x16xf32, #tpu.memory_space<vmem_shared>> -> memref<1000x16xf32, #tpu.memory_space<vmem_shared>>
        tpu.enqueue_dma source(%dma_start3A_82 : memref<1000x16xf32, #tpu.memory_space<vmem_shared>>) target(%dma_start3A_80 : memref<1000x16xf32, #tpu.memory_space<vmem>>) target_semaphore(%run_scoped3A : memref<!tpu.dma_semaphore, #tpu.memory_space<semaphore_mem>>)
        %dma_wait3A_83 = arith.constant 0 : i32
        %dma_wait3A_84 = arith.constant 0 : i32
        %dma_wait3A_85 = tpu.memref_slice %arg16[%dma_wait3A_83, %dma_wait3A_84] : memref<2000x16xf32, #tpu.memory_space<vmem>> -> memref<1000x16xf32, #tpu.memory_space<vmem>>
        %dma_wait3A_86 = arith.constant 0 : i32
        %dma_wait3A_87 = tpu.memref_slice %arg18[%mul3A_70, %dma_wait3A_86] : memref<10000x16xf32, #tpu.memory_space<vmem_shared>> -> memref<1000x16xf32, #tpu.memory_space<vmem_shared>>
        %dma_wait3A_88 = arith.constant 0 : i32
        %dma_wait3A_89 = arith.constant 0 : i32
        %dma_wait3A_90 = tpu.memref_slice %arg16[%dma_wait3A_88, %dma_wait3A_89] : memref<2000x16xf32, #tpu.memory_space<vmem>> -> memref<1000x16xf32, #tpu.memory_space<vmem>>
        %dma_wait3A_91 = arith.constant 0 : i32
        %dma_wait3A_92 = tpu.memref_slice %arg18[%mul3A_70, %dma_wait3A_91] : memref<10000x16xf32, #tpu.memory_space<vmem_shared>> -> memref<1000x16xf32, #tpu.memory_space<vmem_shared>>
        tpu.wait_dma2 semaphore(%run_scoped3A : memref<!tpu.dma_semaphore, #tpu.memory_space<semaphore_mem>>) src(%dma_wait3A_92 : memref<1000x16xf32, #tpu.memory_space<vmem_shared>>) dst(%dma_wait3A_90 : memref<1000x16xf32, #tpu.memory_space<vmem>>)
        tpu.yield
      }) : () -> ()
      %mul3A_71 = arith.constant 1000 : i32
      %mul3A_72 = arith.muli %arg1, %mul3A_71 : i32
      "tpu.region"() ({
        %run_scoped3A = tpu.sem_alloc : memref<!tpu.dma_semaphore, #tpu.memory_space<semaphore_mem>>
        %dma_start3A_73 = arith.constant 0 : i32
        %dma_start3A_74 = arith.constant 0 : i32
        %dma_start3A_75 = tpu.memref_slice %arg16[%dma_start3A_73, %dma_start3A_74] : memref<2000x16xf32, #tpu.memory_space<vmem>> -> memref<1000x16xf32, #tpu.memory_space<vmem>>
        %dma_start3A_76 = arith.constant 0 : i32
        %dma_start3A_77 = tpu.memref_slice %arg5[%arg0, %mul3A_72, %dma_start3A_76] : memref<2x10000x16xf32, #tpu.memory_space<hbm>> -> memref<1x1000x16xf32, #tpu.memory_space<hbm>>
        %dma_start3A_78 = tpu.memref_squeeze %dma_start3A_77 : memref<1x1000x16xf32, #tpu.memory_space<hbm>> -> memref<1000x16xf32, #tpu.memory_space<hbm>>
        %dma_start3A_79 = arith.constant 0 : i32
        %dma_start3A_80 = tpu.memref_slice %arg5[%arg0, %mul3A_72, %dma_start3A_79] : memref<2x10000x16xf32, #tpu.memory_space<hbm>> -> memref<1x1000x16xf32, #tpu.memory_space<hbm>>
        %dma_start3A_81 = tpu.memref_squeeze %dma_start3A_80 : memref<1x1000x16xf32, #tpu.memory_space<hbm>> -> memref<1000x16xf32, #tpu.memory_space<hbm>>
        %dma_start3A_82 = arith.constant 0 : i32
        %dma_start3A_83 = arith.constant 0 : i32
        %dma_start3A_84 = tpu.memref_slice %arg16[%dma_start3A_82, %dma_start3A_83] : memref<2000x16xf32, #tpu.memory_space<vmem>> -> memref<1000x16xf32, #tpu.memory_space<vmem>>
        tpu.enqueue_dma source(%dma_start3A_84 : memref<1000x16xf32, #tpu.memory_space<vmem>>) target(%dma_start3A_81 : memref<1000x16xf32, #tpu.memory_space<hbm>>) target_semaphore(%run_scoped3A : memref<!tpu.dma_semaphore, #tpu.memory_space<semaphore_mem>>)
        %dma_wait3A_85 = arith.constant 0 : i32
        %dma_wait3A_86 = arith.constant 0 : i32
        %dma_wait3A_87 = tpu.memref_slice %arg16[%dma_wait3A_85, %dma_wait3A_86] : memref<2000x16xf32, #tpu.memory_space<vmem>> -> memref<1000x16xf32, #tpu.memory_space<vmem>>
        %dma_wait3A_88 = arith.constant 0 : i32
        %dma_wait3A_89 = tpu.memref_slice %arg5[%arg0, %mul3A_72, %dma_wait3A_88] : memref<2x10000x16xf32, #tpu.memory_space<hbm>> -> memref<1x1000x16xf32, #tpu.memory_space<hbm>>
        %dma_wait3A_90 = tpu.memref_squeeze %dma_wait3A_89 : memref<1x1000x16xf32, #tpu.memory_space<hbm>> -> memref<1000x16xf32, #tpu.memory_space<hbm>>
        %dma_wait3A_91 = arith.constant 0 : i32
        %dma_wait3A_92 = tpu.memref_slice %arg5[%arg0, %mul3A_72, %dma_wait3A_91] : memref<2x10000x16xf32, #tpu.memory_space<hbm>> -> memref<1x1000x16xf32, #tpu.memory_space<hbm>>
        %dma_wait3A_93 = tpu.memref_squeeze %dma_wait3A_92 : memref<1x1000x16xf32, #tpu.memory_space<hbm>> -> memref<1000x16xf32, #tpu.memory_space<hbm>>
        %dma_wait3A_94 = arith.constant 0 : i32
        %dma_wait3A_95 = arith.constant 0 : i32
        %dma_wait3A_96 = tpu.memref_slice %arg16[%dma_wait3A_94, %dma_wait3A_95] : memref<2000x16xf32, #tpu.memory_space<vmem>> -> memref<1000x16xf32, #tpu.memory_space<vmem>>
        tpu.wait_dma2 semaphore(%run_scoped3A : memref<!tpu.dma_semaphore, #tpu.memory_space<semaphore_mem>>) src(%dma_wait3A_96 : memref<1000x16xf32, #tpu.memory_space<vmem>>) dst(%dma_wait3A_93 : memref<1000x16xf32, #tpu.memory_space<hbm>>)
        tpu.yield
      }) : () -> ()
    } else {
    }
    return
  }
}

module attributes {stable_mosaic.version = 14 : i64} {
  func.func @_mm1_body(%arg0: memref<1250x1024xf32, #tpu.memory_space<vmem>>, %arg1: memref<1024x128xf32, #tpu.memory_space<vmem>>, %arg2: memref<1250x128xf32, #tpu.memory_space<vmem>>) attributes {dimension_semantics = [], scalar_prefetch = 0 : i64, scratch_operands = 0 : i64, tpu.core_type = #tpu.core_type<tc>} {
    %get3A = arith.constant 0 : index
    %get3A_0 = arith.constant 0 : index
    %get3A_1 = vector.load %arg0[%get3A, %get3A_0] : memref<1250x1024xf32, #tpu.memory_space<vmem>>, vector<1250x1024xf32>
    %get3A_2 = arith.constant 0 : index
    %get3A_3 = arith.constant 0 : index
    %get3A_4 = vector.load %arg1[%get3A_2, %get3A_3] : memref<1024x128xf32, #tpu.memory_space<vmem>>, vector<1024x128xf32>
    %dot_general3A = arith.constant dense<0.000000e+00> : vector<1250x128xf32>
    %dot_general3A_5 = tpu.matmul %get3A_1, %get3A_4, %dot_general3A {dimension_numbers = #tpu.dot_dimension_numbers<[1], [0], [0], [1], [0, 0, 1, 1], [], []>, transpose_lhs_hint = false} : vector<1250x1024xf32>, vector<1024x128xf32>, vector<1250x128xf32> -> vector<1250x128xf32>
    %swap3A = arith.constant 0 : index
    %swap3A_6 = arith.constant 0 : index
    %swap3A_7 = vector.load %arg2[%swap3A, %swap3A_6] : memref<1250x128xf32, #tpu.memory_space<vmem>>, vector<1250x128xf32>
    tpu.vector_store %arg2[%swap3A, %swap3A_6], %dot_general3A_5 {strides = array<i32>} : memref<1250x128xf32, #tpu.memory_space<vmem>>, vector<1250x128xf32>,
    return
  }
}

module attributes {stable_mosaic.version = 14 : i64} {
  func.func @_scale_body(%arg0: memref<1250x128xf32, #tpu.memory_space<vmem>>, %arg1: memref<1250x128xf32, #tpu.memory_space<vmem>>, %arg2: memref<1250x128xf32, #tpu.memory_space<vmem>>) attributes {dimension_semantics = [], scalar_prefetch = 0 : i64, scratch_operands = 0 : i64, tpu.core_type = #tpu.core_type<tc>} {
    %get3A = arith.constant 0 : index
    %get3A_0 = arith.constant 0 : index
    %get3A_1 = vector.load %arg0[%get3A, %get3A_0] : memref<1250x128xf32, #tpu.memory_space<vmem>>, vector<1250x128xf32>
    %get3A_2 = arith.constant 0 : index
    %get3A_3 = arith.constant 0 : index
    %get3A_4 = vector.load %arg1[%get3A_2, %get3A_3] : memref<1250x128xf32, #tpu.memory_space<vmem>>, vector<1250x128xf32>
    %add3A = arith.constant 1.000000e+00 : f32
    %add3A_5 = vector.broadcast %add3A : f32 to vector<1250x128xf32>
    %add3A_6 = arith.addf %get3A_4, %add3A_5 : vector<1250x128xf32>
    %rsqrt3A = math.rsqrt %add3A_6 : vector<1250x128xf32>
    %mul3A = arith.mulf %get3A_1, %rsqrt3A : vector<1250x128xf32>
    %swap3A = arith.constant 0 : index
    %swap3A_7 = arith.constant 0 : index
    %swap3A_8 = vector.load %arg2[%swap3A, %swap3A_7] : memref<1250x128xf32, #tpu.memory_space<vmem>>, vector<1250x128xf32>
    tpu.vector_store %arg2[%swap3A, %swap3A_7], %mul3A {strides = array<i32>} : memref<1250x128xf32, #tpu.memory_space<vmem>>, vector<1250x128xf32>,
    return
  }
}

module attributes {stable_mosaic.version = 14 : i64} {
  func.func @_mm2_body(%arg0: memref<2x1250x128xf32, #tpu.memory_space<vmem>>, %arg1: memref<1250x128xf32, #tpu.memory_space<vmem>>, %arg2: memref<1250x128xf32, #tpu.memory_space<vmem>>, %arg3: memref<1x128xf32, #tpu.memory_space<vmem>>, %arg4: memref<128x128xf32, #tpu.memory_space<vmem>>, %arg5: memref<1250x128xf32, #tpu.memory_space<vmem>>) attributes {dimension_semantics = [], scalar_prefetch = 0 : i64, scratch_operands = 0 : i64, tpu.core_type = #tpu.core_type<tc>} {
    %get3A = arith.constant 0 : index
    %get3A_0 = arith.constant 0 : index
    %get3A_1 = vector.load %arg2[%get3A, %get3A_0] : memref<1250x128xf32, #tpu.memory_space<vmem>>, vector<1250x128xf32>
    %add3A = arith.constant 1.000000e+00 : f32
    %add3A_2 = vector.broadcast %add3A : f32 to vector<1250x128xf32>
    %add3A_3 = arith.addf %get3A_1, %add3A_2 : vector<1250x128xf32>
    %rsqrt3A = math.rsqrt %add3A_3 : vector<1250x128xf32>
    %get3A_4 = arith.constant 0 : index
    %get3A_5 = arith.constant 0 : index
    %get3A_6 = arith.constant 0 : index
    %get3A_7 = vector.load %arg0[%get3A_4, %get3A_5, %get3A_6] : memref<2x1250x128xf32, #tpu.memory_space<vmem>>, vector<1x1250x128xf32>
    %get3A_8 = vector.shape_cast %get3A_7 : vector<1x1250x128xf32> to vector<1250x128xf32>
    %get3A_9 = arith.constant 1 : index
    %get3A_10 = arith.constant 0 : index
    %get3A_11 = arith.constant 0 : index
    %get3A_12 = vector.load %arg0[%get3A_9, %get3A_10, %get3A_11] : memref<2x1250x128xf32, #tpu.memory_space<vmem>>, vector<1x1250x128xf32>
    %get3A_13 = vector.shape_cast %get3A_12 : vector<1x1250x128xf32> to vector<1250x128xf32>
    %add3A_14 = arith.addf %get3A_8, %get3A_13 : vector<1250x128xf32>
    %get3A_15 = arith.constant 0 : index
    %get3A_16 = arith.constant 0 : index
    %get3A_17 = vector.load %arg1[%get3A_15, %get3A_16] : memref<1250x128xf32, #tpu.memory_space<vmem>>, vector<1250x128xf32>
    %add3A_18 = arith.addf %add3A_14, %get3A_17 : vector<1250x128xf32>
    %mul3A = arith.mulf %add3A_18, %rsqrt3A : vector<1250x128xf32>
    %get3A_19 = arith.constant 0 : index
    %get3A_20 = arith.constant 0 : index
    %get3A_21 = vector.load %arg3[%get3A_19, %get3A_20] : memref<1x128xf32, #tpu.memory_space<vmem>>, vector<1x128xf32>
    %add3A_22 = vector.broadcast %get3A_21 : vector<1x128xf32> to vector<1250x128xf32>
    %add3A_23 = arith.addf %mul3A, %add3A_22 : vector<1250x128xf32>
    %max3A = arith.constant 0.000000e+00 : f32
    %max3A_24 = vector.broadcast %max3A : f32 to vector<1250x128xf32>
    %max3A_25 = arith.maximumf %add3A_23, %max3A_24 : vector<1250x128xf32>
    %get3A_26 = arith.constant 0 : index
    %get3A_27 = arith.constant 0 : index
    %get3A_28 = vector.load %arg4[%get3A_26, %get3A_27] : memref<128x128xf32, #tpu.memory_space<vmem>>, vector<128x128xf32>
    %dot_general3A = arith.constant dense<0.000000e+00> : vector<1250x128xf32>
    %dot_general3A_29 = tpu.matmul %max3A_25, %get3A_28, %dot_general3A {dimension_numbers = #tpu.dot_dimension_numbers<[1], [0], [0], [1], [0, 0, 1, 1], [], []>, transpose_lhs_hint = false} : vector<1250x128xf32>, vector<128x128xf32>, vector<1250x128xf32> -> vector<1250x128xf32>
    %mul3A_30 = arith.mulf %dot_general3A_29, %rsqrt3A : vector<1250x128xf32>
    %swap3A = arith.constant 0 : index
    %swap3A_31 = arith.constant 0 : index
    %swap3A_32 = vector.load %arg5[%swap3A, %swap3A_31] : memref<1250x128xf32, #tpu.memory_space<vmem>>, vector<1250x128xf32>
    tpu.vector_store %arg5[%swap3A, %swap3A_31], %mul3A_30 {strides = array<i32>} : memref<1250x128xf32, #tpu.memory_space<vmem>>, vector<1250x128xf32>,
    return
  }
}

module attributes {stable_mosaic.version = 14 : i64} {
  func.func @_out_body(%arg0: memref<2x1250x128xf32, #tpu.memory_space<vmem>>, %arg1: memref<1250x128xf32, #tpu.memory_space<vmem>>, %arg2: memref<1250x128xf32, #tpu.memory_space<vmem>>, %arg3: memref<1x128xf32, #tpu.memory_space<vmem>>, %arg4: memref<128x128xf32, #tpu.memory_space<vmem>>, %arg5: memref<128x16xf32, #tpu.memory_space<vmem>>, %arg6: memref<1250x16xf32, #tpu.memory_space<vmem>>) attributes {dimension_semantics = [], scalar_prefetch = 0 : i64, scratch_operands = 0 : i64, tpu.core_type = #tpu.core_type<tc>} {
    %get3A = arith.constant 0 : index
    %get3A_0 = arith.constant 0 : index
    %get3A_1 = vector.load %arg2[%get3A, %get3A_0] : memref<1250x128xf32, #tpu.memory_space<vmem>>, vector<1250x128xf32>
    %add3A = arith.constant 1.000000e+00 : f32
    %add3A_2 = vector.broadcast %add3A : f32 to vector<1250x128xf32>
    %add3A_3 = arith.addf %get3A_1, %add3A_2 : vector<1250x128xf32>
    %rsqrt3A = math.rsqrt %add3A_3 : vector<1250x128xf32>
    %get3A_4 = arith.constant 0 : index
    %get3A_5 = arith.constant 0 : index
    %get3A_6 = arith.constant 0 : index
    %get3A_7 = vector.load %arg0[%get3A_4, %get3A_5, %get3A_6] : memref<2x1250x128xf32, #tpu.memory_space<vmem>>, vector<1x1250x128xf32>
    %get3A_8 = vector.shape_cast %get3A_7 : vector<1x1250x128xf32> to vector<1250x128xf32>
    %get3A_9 = arith.constant 1 : index
    %get3A_10 = arith.constant 0 : index
    %get3A_11 = arith.constant 0 : index
    %get3A_12 = vector.load %arg0[%get3A_9, %get3A_10, %get3A_11] : memref<2x1250x128xf32, #tpu.memory_space<vmem>>, vector<1x1250x128xf32>
    %get3A_13 = vector.shape_cast %get3A_12 : vector<1x1250x128xf32> to vector<1250x128xf32>
    %add3A_14 = arith.addf %get3A_8, %get3A_13 : vector<1250x128xf32>
    %get3A_15 = arith.constant 0 : index
    %get3A_16 = arith.constant 0 : index
    %get3A_17 = vector.load %arg1[%get3A_15, %get3A_16] : memref<1250x128xf32, #tpu.memory_space<vmem>>, vector<1250x128xf32>
    %add3A_18 = arith.addf %add3A_14, %get3A_17 : vector<1250x128xf32>
    %mul3A = arith.mulf %add3A_18, %rsqrt3A : vector<1250x128xf32>
    %get3A_19 = arith.constant 0 : index
    %get3A_20 = arith.constant 0 : index
    %get3A_21 = vector.load %arg3[%get3A_19, %get3A_20] : memref<1x128xf32, #tpu.memory_space<vmem>>, vector<1x128xf32>
    %add3A_22 = vector.broadcast %get3A_21 : vector<1x128xf32> to vector<1250x128xf32>
    %add3A_23 = arith.addf %mul3A, %add3A_22 : vector<1250x128xf32>
    %get3A_24 = arith.constant 0 : index
    %get3A_25 = arith.constant 0 : index
    %get3A_26 = vector.load %arg4[%get3A_24, %get3A_25] : memref<128x128xf32, #tpu.memory_space<vmem>>, vector<128x128xf32>
    %dot_general3A = arith.constant dense<0.000000e+00> : vector<1250x128xf32>
    %dot_general3A_27 = tpu.matmul %add3A_23, %get3A_26, %dot_general3A {dimension_numbers = #tpu.dot_dimension_numbers<[1], [0], [0], [1], [0, 0, 1, 1], [], []>, transpose_lhs_hint = false} : vector<1250x128xf32>, vector<128x128xf32>, vector<1250x128xf32> -> vector<1250x128xf32>
    %max3A = arith.maximumf %add3A_23, %dot_general3A_27 : vector<1250x128xf32>
    %sub3A = arith.subf %add3A_23, %max3A : vector<1250x128xf32>
    %exp3A = math.exp %sub3A : vector<1250x128xf32>
    %sub3A_28 = arith.subf %dot_general3A_27, %max3A : vector<1250x128xf32>
    %exp3A_29 = math.exp %sub3A_28 : vector<1250x128xf32>
    %add3A_30 = arith.addf %exp3A, %exp3A_29 : vector<1250x128xf32>
    %sub3A_31 = arith.subf %add3A_23, %max3A : vector<1250x128xf32>
    %log3A = math.log %add3A_30 : vector<1250x128xf32>
    %sub3A_32 = arith.subf %sub3A_31, %log3A : vector<1250x128xf32>
    %get3A_33 = arith.constant 0 : index
    %get3A_34 = arith.constant 0 : index
    %get3A_35 = vector.load %arg5[%get3A_33, %get3A_34] : memref<128x16xf32, #tpu.memory_space<vmem>>, vector<128x16xf32>
    %dot_general3A_36 = arith.constant dense<0.000000e+00> : vector<1250x16xf32>
    %dot_general3A_37 = tpu.matmul %sub3A_32, %get3A_35, %dot_general3A_36 {dimension_numbers = #tpu.dot_dimension_numbers<[1], [0], [0], [1], [0, 0, 1, 1], [], []>, transpose_lhs_hint = false} : vector<1250x128xf32>, vector<128x16xf32>, vector<1250x16xf32> -> vector<1250x16xf32>
    %swap3A = arith.constant 0 : index
    %swap3A_38 = arith.constant 0 : index
    %swap3A_39 = vector.load %arg6[%swap3A, %swap3A_38] : memref<1250x16xf32, #tpu.memory_space<vmem>>, vector<1250x16xf32>
    tpu.vector_store %arg6[%swap3A, %swap3A_38], %dot_general3A_37 {strides = array<i32>} : memref<1250x16xf32, #tpu.memory_space<vmem>>, vector<1250x16xf32>,
    return
  }
}

</mosaic_0001>

<sc_bundles>
// kernel: kernel.12.cloned.1.call-start
scs
__scs_entry_jumppad:
0x0: {  	(pc) =	sbr.rel $0x88, $3  }
0x1: {  	(tag) =	ssettag $0x0;
	lr =	simm.s32 $0x1  }
0x2: {  	[smem:$0x3F9B] =	sst lr;
	_ =	strace $0xD0000000  }
0x3: {  	_ = 	snop  }
0x4: {  	_ = 	snop  }
0x5: {  	_ = 	snop  }
0x6: {  	_ = 	snop  }
0x7: {  	_ = 	snop  }
__scs_overlays_trampoline_lowered:
0x8: {  	[smem:$0x3FAA] =	sst s0  }
0x9: {  	[smem:$0x3FAB] =	sst s1  }
0xa: {  	[smem:$0x3FAC] =	sst s2  }
0xb: {  	[smem:$0x3FAD] =	sst s3  }
0xc: {  	[smem:$0x3FAE] =	sst s4  }
0xd: {  	[smem:$0x3FAF] =	sst s5  }
0xe: {  	[smem:$0x3FB0] =	sst s6  }
0xf: {  	[smem:$0x3FB1] =	sst s7  }
0x10: {  	[smem:$0x3FB2] =	sst s8  }
0x11: {  	[smem:$0x3FB3] =	sst s9;
	s0 =	simm.s32 @!p0 $0x0  }
0x12: {  	s1 =	sld [smem:$0x3F99];
	s0 =	simm.s32 @p0 $0x1  }
0x13: {  	[smem:$0x3FB4] =	sst s0;
	s0 =	simm.s32 @!p1 $0x0  }
0x14: {  	s2 =	sld [smem:$0x3F98];
	s0 =	simm.s32 @p1 $0x1  }
0x15: {  	[smem:$0x3FB5] =	sst s0;
	s0 =	simm.s32 @!p2 $0x0  }
0x16: {  	s3 =	sld [smem:$0x3FDB];
	s0 =	simm.s32 @p2 $0x1  }
0x17: {  	s4 =	simm.s32 $0x1BF5;
	[smem:$0x3FB7] =	sst s0  }
0x18: {  	s0 =	sld [smem:$0x3F9A];
	_ =	swait.ge [sflag:s4], $0x0  }
0x19: {  	s7 =	sld [smem:$0x3F9B]  }
0x1a: {  	s8 =	sadd.s32 $0xFFFFE003, lr  }
0x1b: {  	s9 =	sadd.s32 $0xFFFFFEF7, lr;
	s5 =	simm.s32 $0xFFFFFFFF;
	p2 =	slt.u32 s8, $0xFFFFF086  }
0x1c: {  	p1 =	slt.u32 s9, $0xF7A;
	s5 =	simm.s32 @!p2 $0x0  }
0x1d: {  	s5 =	simm.s32 @p1 $0x1;
	p0 =	seq.s32 s7, s2  }
0x1e: {  	s7 =	smul.u32 @!p0 $0xF7A, s2;
	p2 =	seq.s32 @!p0 s5, $0x0  }
0x1f: {  	s9 =	smul.u32 $0xF7A, s1;
	s8 =	simm.s32 @!p0 $0x1BF5;
	p2 =	por !p2, p0  }
0x20: {  	[sflag:s8] =	ssyncset.s32 @!p0 $0xFFFFF086;
	s6 =	sadd.s32 @!p0 s3, s7;
	s7 =	simm.s32 @!p0 $0x108  }
0x21: {  	s3 =	sadd.s32 s3, s9;
	s6 =	sadd.s32 @!p0 $0x88, s6;
	s7 =	simm.s32 @p2 $0x1082  }
0x22: {  	[simem:s7], [sflag:s8] =	dma.local @!p0 [hbm:s6], $0xF7A  }
0x23: {  	s9 =	sor.u32 $0xD0000000, s2;
	s6 =	simm.s32 $0x108;
	_ =	swait.ge @!p0 [sflag:s8], $0x0  }
0x24: {  	s3 =	sadd.s32 $0x88, s3;
	s6 =	simm.s32 @!p1 $0x1082;
	[sflag:s4] =	ssyncset.s32 $0xFFFFF086  }
0x25: {  	[simem:s6], [sflag:s4] =	dma.local [hbm:s3], $0xF7A  }
0x26: {  	[smem:$0x3F9B] =	sst s1;
	(tag) =	ssettag s2;
	_ =	strace s9  }
0x27: {  	s1 =	sld [smem:$0x3FAB]  }
0x28: {  	s2 =	sld [smem:$0x3FAC]  }
0x29: {  	s4 =	sld [smem:$0x3FAE]  }
0x2a: {  	p0 =	seq.s32 s5, $0x0;
	s5 =	sld [smem:$0x3FAF]  }
0x2b: {  	s6 =	sld [smem:$0x3FB0]  }
0x2c: {  	s7 =	sld [smem:$0x3FB1]  }
0x2d: {  	s3 =	simm.s32 $0x108;
	s8 =	sld [smem:$0x3FB2]  }
0x2e: {  	s3 =	simm.s32 @!p0 $0x1082;
	s9 =	sld [smem:$0x3FB3]  }
0x2f: {  	lr =	sadd.s32 s0, s3;
	s0 =	sld [smem:$0x3FAA]  }
0x30: {  	s3 =	sld [smem:$0x3FAD]  }
0x31: {  	[smem:$0x3FB6] =	sst s10  }
0x32: {  	s10 =	sld [smem:$0x3FB4];
	_ =	sdelay $0x3  }
0x33: {  	p0 =	seq.s32 s10, $0x1;
	s10 =	sld [smem:$0x3FB6];
	_ =	sdelay $0x3  }
0x34: {  	[smem:$0x3FB6] =	sst s10  }
0x35: {  	s10 =	sld [smem:$0x3FB5];
	_ =	sdelay $0x3  }
0x36: {  	p1 =	seq.s32 s10, $0x1;
	s10 =	sld [smem:$0x3FB6];
	_ =	sdelay $0x3  }
0x37: {  	[smem:$0x3FB6] =	sst s10  }
0x38: {  	s10 =	sld [smem:$0x3FB7]  }
0x39: {  	_ = 	snop;
	(pc) =	sbr.ind lr, $3  }
0x3a: {  	_ = 	snop  }
0x3b: {  	_ = 	snop  }
0x3c: {  	p2 =	seq.s32 s10, $0x1;
	s10 =	sld [smem:$0x3FB6]  }
0x3d: {  	_ =	shalt  }
0x3e: {  	_ =	shalt  }
0x3f: {  	_ =	shalt  }
0x40: {  	_ =	shalt  }
0x41: {  	_ =	shalt  }
0x42: {  	_ =	shalt  }
0x43: {  	_ =	shalt  }
0x44: {  	_ =	shalt  }
0x45: {  	_ =	shalt  }
0x46: {  	_ =	shalt  }
0x47: {  	_ =	shalt  }
0x48: {  	_ =	shalt  }
0x49: {  	_ =	shalt  }
0x4a: {  	_ =	shalt  }
0x4b: {  	_ =	shalt  }
0x4c: {  	_ =	shalt  }
0x4d: {  	_ =	shalt  }
0x4e: {  	_ =	shalt  }
0x4f: {  	_ =	shalt  }
0x50: {  	_ =	shalt  }
0x51: {  	_ =	shalt  }
0x52: {  	_ =	shalt  }
0x53: {  	_ =	shalt  }
0x54: {  	_ =	shalt  }
0x55: {  	_ =	shalt  }
0x56: {  	_ =	shalt  }
0x57: {  	_ =	shalt  }
0x58: {  	_ =	shalt  }
0x59: {  	_ =	shalt  }
0x5a: {  	_ =	shalt  }
0x5b: {  	_ =	shalt  }
0x5c: {  	_ =	shalt  }
0x5d: {  	_ =	shalt  }
0x5e: {  	_ =	shalt  }
0x5f: {  	_ =	shalt  }
0x60: {  	_ =	shalt  }
0x61: {  	_ =	shalt  }
0x62: {  	_ =	shalt  }
0x63: {  	_ =	shalt  }
0x64: {  	_ =	shalt  }
0x65: {  	_ =	shalt  }
0x66: {  	_ =	shalt  }
0x67: {  	_ =	shalt  }
0x68: {  	_ =	shalt  }
0x69: {  	_ =	shalt  }
0x6a: {  	_ =	shalt  }
0x6b: {  	_ =	shalt  }
0x6c: {  	_ =	shalt  }
0x6d: {  	_ =	shalt  }
0x6e: {  	_ =	shalt  }
0x6f: {  	_ =	shalt  }
0x70: {  	_ =	shalt  }
0x71: {  	_ =	shalt  }
0x72: {  	_ =	shalt  }
0x73: {  	_ =	shalt  }
0x74: {  	_ =	shalt  }
0x75: {  	_ =	shalt  }
0x76: {  	_ =	shalt  }
0x77: {  	_ =	shalt  }
0x78: {  	_ =	shalt  }
0x79: {  	_ =	shalt  }
0x7a: {  	_ =	shalt  }
0x7b: {  	_ =	shalt  }
0x7c: {  	_ =	shalt  }
0x7d: {  	_ =	shalt  }
0x7e: {  	_ =	shalt  }
0x7f: {  	_ =	shalt  }
0x80: {  	_ =	shalt  }
0x81: {  	_ =	shalt  }
0x82: {  	_ =	shalt  }
0x83: {  	_ =	shalt  }
0x84: {  	_ =	shalt  }
0x85: {  	_ =	shalt  }
0x86: {  	_ =	shalt  }
0x87: {  	_ =	shalt  }
.Lfunc_end0:
.L_simem_size_0:
called_computation.1_lowered:
.L_overlay_start_0:
0x88: {  	s2 =	sld [smem:$0x3FD9]  }
0x89: {  	s3 =	sld [smem:$0x3FFE];
	_ =	sdelay $0x1  }
0x8a: {  	s1 =	srdreg.scid  }
0x8b: {  	s0 =	sand.u32 $0x1, s1  }
0x8c: {  	s16 =	sshll.u32 s0, $0xA;
	s2 =	sadd.s32 s3, s2  }
0x8d: {  	s2 =	sadd.s32 s2, s16  }
0x8e: {  	[smem:$0x3FC2] =	sst s2  }
0x8f: {  	_ = 	snop  }
0x90: {  	(tm) =	ssettm $0x1  }
0x91: {  	s17 =	sld [smem:$0x3FFB];
	_ =	sdelay $0x3  }
0x92: {  	_ =	strace s17  }
0x93: {  	s2 =	sld [smem:$0x3FFC];
	_ =	sdelay $0x3  }
0x94: {  	_ =	strace s2  }
0x95: {  	s2 =	sld [smem:$0x3FFD];
	_ =	sdelay $0x3  }
0x96: {  	_ =	strace s2  }
0x97: {  	_ =	strace $0x8FFFFFFF  }
0x98: {  	s18 =	sld [smem:$0x3FDB];
	_ =	sdelay $0x1  }
0x99: {  	s19 =	simm.s32 $_scs_section_size  }
0x9a: {  	s4 =	simm.s32 $_size__tile_overlayer_lowered;
	s5 =	simm.s32 $_tile_overlayer_lowered  }
0x9b: {  	s22 =	simm.s32 $0x1BFF;
	s21 =	sshll.u32 s5, $0x1;
	s2 =	sadd.s32 s19, s18  }
0x9c: {  	s6 =	simm.s32 $0x0;
	s20 =	sshll.u32 s4, $0x1;
	s4 =	sadd.s32 s21, s2  }
0x9d: {  	[timem:s6], [sflag:s22] =	dma.local [hbm:s4], s20  }
0x9e: {  	_ =	swait.ge [sflag:s22], s20  }
0x9f: {  	s3 =	ssub.s32 $0x0, s20;
	[sflag:s22] =	ssyncset.done $0x0  }
0xa0: {  	[sflag:s22] =	ssyncadd.s32 s3;
	_ =	sdelay $0x1  }
0xa1: {  	s23 =	simm.s32 $0x1B8B  }
0xa2: {  	_ =	swait.ge [sflag:s23], $0x1  }
0xa3: {  	[sflag:s23] =	ssyncset.done $0x0  }
0xa4: {  	s25 =	simm.s32 $0x1B8E;
	s24 =	sld [smem:$0x3FFE];
	[sflag:s23] =	ssyncadd.s32 $0xFFFFFFFF  }
0xa5: {  	s26 =	simm.s32 $execute0_lowered;
	[smem:$0x3FD2] =	sst s25  }
0xa6: {  	s4 =	sshll.u32 s26, $0x1;
	_ =	strace $0x80000049;
	[dreg:$0x1] =	wrdreg $0xFFFFFFFF  }
0xa7: {  	s28 =	simm.s32 $_size_execute0_lowered;
	s2 =	sadd.s32 s2, s4;
	[dreg:$0x0] =	wrdreg $0x0  }
0xa8: {  	s4 =	sshll.u32 s28, $0x1;
	[dreg:$0x2] =	wrdreg s2  }
0xa9: {  	[dreg:$0x3] =	wrdreg s4  }
0xaa: {  	[dreg:$0x4] =	wrdreg $0xC0  }
0xab: {  	_ =	task [dreg:s6], $0x5FFFF  }
0xac: {  	[dreg:$0x1] =	wrdreg $0xFFFFFFFF  }
0xad: {  	[dreg:$0x0] =	wrdreg $0x60  }
0xae: {  	[dreg:$0x2] =	wrdreg s24  }
0xaf: {  	[dreg:$0x3] =	wrdreg $0x148200  }
0xb0: {  	[dreg:$0x4] =	wrdreg $0x9  }
0xb1: {  	_ =	task.clear_ibuf [dreg:s6], $0x5FFFF;
	_ =	strace $0x90000049  }
0xb2: {  	s29 =	simm.s32 $0x9;
	_ =	strace $0x8000004B  }
0xb3: {  	_ =	swait.ge [sflag:s29], $0x1  }
0xb4: {  	[sflag:s29] =	ssyncadd.s32 $0xFFFFFFFF  }
0xb5: {  	_ =	strace $0x9000004B  }
0xb6: {  	_ =	sfence  }
0xb7: {  	s30 =	sld [smem:$0x0];
	_ =	sdelay $0x2  }
0xb8: {  	s31 =	sshll.u32 s1, $0xD;
	s1 =	sshrl.u32 s1, $0x2  }
0xb9: {  	s3 =	sand.u32 $0x4000, s31;
	s1 =	sadd.s32 s1, s30  }
0xba: {  	s0 =	sor.u32 s3, s0;
	s1 =	sshll.u32 s1, $0x11  }
0xbb: {  	s0 =	sor.u32 s1, s0  }
0xbc: {  	s0 =	sadd.s32 $0x8F2B, s0  }
0xbd: {  	[sflag:s0] =	ssyncadd.remote.s32 $0x1  }
0xbe: {  	_ =	sfence.sel $0xFFFF  }
0xbf: {  	[dreg:$0x0] =	wrdreg $0xFFFFFFFF;
	(pc) =	sbr.abs _section_cstart, $3  }
0xc0: {  	[dreg:$0x1] =	wrdreg $0xFFFFFFFF  }
0xc1: {  	_ =	task.clear_ibuf [dreg:s6], $0x2FFFF;
	_ =	strace $0x9FFFFFFF  }
0xc2: {  	(tm) =	ssettm $0x7FFFFFFF  }
0xc3: {  	_ =	shalt  }
tec
execute0_lowered:
.L_overlay_start_1:
0x0: {  	(tag) =	ssettag $0x1  }
0x1: {  	s0 =	srdreg.scid  }
0x2: {  	s31 =	sand.u32 $0x1, s0  }
0x3: {  	s21 =	stileid.u32;
	s0 =	sshll.u32 s31, $0x4  }
0x4: {  	s0 =	sor.u32 s21, s0  }
0x5: {  	s0 =	smul.u32 $0x2710, s0;
	_ =	sdelay $0x1  }
0x6: {  	s22 =	rddreg [dreg:$0x0];
	s0 =	sshrl.u32 s0, $0x3  }
0x7: {  	s2 =	rddreg [dreg:$0x1];
	s3 =	simm.s32 $0x0;
	s18 =	sadd.s32 s0, s22  }
0x8: {  	[smem:$0x7FF] =	sst s3;
	s0 =	sadd.s32 $0x2A00, s18  }
0x9: {  	_ =	strace $0x8000004A;
	s17 =	sadd.s32 $0xC640, s18;
	[dreg:$0x3] =	wrdreg s0  }
0xa: {  	s19 =	sadd.s32 $0x2AFA, s18;
	[dreg:$0x4] =	wrdreg s17  }
0xb: {  	s20 =	sadd.s32 $0xC73A, s18;
	[dreg:$0x5] =	wrdreg s19  }
0xc: {  	[dreg:$0x6] =	wrdreg s20  }
0xd: {  	s4 =	simm.s32 $0x3;
	s5 =	rddreg [dreg:$0x3]  }
0xe: {  	[tilespmem:s3], [sflag:$0x3] =	stream.linear.gather [hbm4b:s5+s3], $0x7D0, $0x38;
	[tilespmem:$0x16F30] =	vst v63  }
0xf: {  	_ =	swait.ge [sflag:s4], $0x7D0  }
0x10: {  	[sflag:s4] =	ssyncset.done $0x0  }
0x11: {  	s5 =	simm.s32 $0x2710;
	s23 =	rddreg [dreg:$0x4];
	[sflag:s4] =	ssyncadd.s32 $0xFFFFF830  }
0x12: {  	[tilespmem:s5], [sflag:$0x3] =	stream.linear.gather [hbm4b:s23+s3], $0x7D0, $0x38;
	[tilespmem:$0x16F30] =	vst v63  }
0x13: {  	_ =	swait.ge [sflag:s4], $0x7D0  }
0x14: {  	[sflag:s4] =	ssyncset.done $0x0  }
0x15: {  	s6 =	simm.s32 $0x7D0;
	s24 =	rddreg [dreg:$0x5];
	[sflag:s4] =	ssyncadd.s32 $0xFFFFF830  }
0x16: {  	[tilespmem:s6], [sflag:$0x3] =	stream.linear.gather [hbm4b:s24+s3], $0x7D0, $0x38;
	[tilespmem:$0x16F30] =	vst v63  }
0x17: {  	_ =	swait.ge [sflag:s4], $0x7D0  }
0x18: {  	[sflag:s4] =	ssyncset.done $0x0  }
0x19: {  	s7 =	simm.s32 $0x2EE0;
	s25 =	rddreg [dreg:$0x6];
	[sflag:s4] =	ssyncadd.s32 $0xFFFFF830  }
0x1a: {  	[tilespmem:s7], [sflag:$0x3] =	stream.linear.gather [hbm4b:s25+s3], $0x7D0, $0x38;
	[tilespmem:$0x16F30] =	vst v63  }
0x1b: {  	_ =	swait.ge [sflag:s4], $0x7D0  }
0x1c: {  	[sflag:s4] =	ssyncset.done $0x0  }
0x1d: {  	s9 =	simm.s32 $0xFA0;
	s8 =	sadd.s32 $0x2BF4, s18;
	[sflag:s4] =	ssyncadd.s32 $0xFFFFF830  }
0x1e: {  	[tilespmem:s9], [sflag:$0x3] =	stream.linear.gather [hbm4b:s8+s3], $0x7D0, $0x38;
	[tilespmem:$0x16F30] =	vst v63  }
0x1f: {  	_ =	swait.ge [sflag:s4], $0x7D0  }
0x20: {  	[sflag:s4] =	ssyncset.done $0x0  }
0x21: {  	s11 =	simm.s32 $0x36B0;
	s10 =	sadd.s32 $0xC834, s18;
	[sflag:s4] =	ssyncadd.s32 $0xFFFFF830  }
0x22: {  	[tilespmem:s11], [sflag:$0x3] =	stream.linear.gather [hbm4b:s10+s3], $0x7D0, $0x38;
	[tilespmem:$0x16F30] =	vst v63  }
0x23: {  	_ =	swait.ge [sflag:s4], $0x7D0  }
0x24: {  	[sflag:s4] =	ssyncset.done $0x0  }
0x25: {  	s13 =	simm.s32 $0x1770;
	s12 =	sadd.s32 $0x2CEE, s18;
	[sflag:s4] =	ssyncadd.s32 $0xFFFFF830  }
0x26: {  	[tilespmem:s13], [sflag:$0x3] =	stream.linear.gather [hbm4b:s12+s3], $0x7D0, $0x38;
	[tilespmem:$0x16F30] =	vst v63  }
0x27: {  	_ =	swait.ge [sflag:s4], $0x7D0  }
0x28: {  	[sflag:s4] =	ssyncset.done $0x0  }
0x29: {  	s15 =	simm.s32 $0x3E80;
	s14 =	sadd.s32 $0xC92E, s18;
	[sflag:s4] =	ssyncadd.s32 $0xFFFFF830  }
0x2a: {  	[tilespmem:s15], [sflag:$0x3] =	stream.linear.gather [hbm4b:s14+s3], $0x7D0, $0x38;
	[tilespmem:$0x16F30] =	vst v63  }
0x2b: {  	_ =	swait.ge [sflag:s4], $0x7D0  }
0x2c: {  	[sflag:s4] =	ssyncset.done $0x0  }
0x2d: {  	s16 =	sadd.s32 $0x2DE8, s18;
	s17 =	simm.s32 $0x1F40;
	[sflag:s4] =	ssyncadd.s32 $0xFFFFF830  }
0x2e: {  	[tilespmem:s17], [sflag:$0x3] =	stream.linear.gather [hbm4b:s16+s3], $0x7D0, $0x38;
	[tilespmem:$0x16F30] =	vst v63  }
0x2f: {  	s1 =	smul.u32 $0x3E80, s21;
	_ =	swait.ge [sflag:s4], $0x7D0  }
0x30: {  	s26 =	smov.u32 s22;
	p0 =	sgt.u32 s21, $0x9;
	[sflag:s4] =	ssyncset.done $0x0  }
0x31: {  	s18 =	sadd.s32 $0xCA28, s18;
	s19 =	simm.s32 $0x4650;
	[sflag:s4] =	ssyncadd.s32 $0xFFFFF830  }
0x32: {  	[tilespmem:s19], [sflag:$0x3] =	stream.linear.gather [hbm4b:s18+s3], $0x7D0, $0x38;
	[tilespmem:$0x16F30] =	vst v63  }
0x33: {  	s21 =	simm.s32 @!p0 $0x3;
	s20 =	sshrl.u32 s1, $0x3;
	_ =	swait.ge [sflag:s4], $0x7D0  }
0x34: {  	s20 =	sadd.s32 s20, s22;
	s22 =	simm.s32 @!p0 $0x0;
	[sflag:s4] =	ssyncset.done $0x0  }
0x35: {  	s20 =	sadd.s32 $0x1B400, s20;
	s23 =	simm.s32 @!p0 $0x4E20;
	[sflag:s4] =	ssyncadd.s32 $0xFFFFF830  }
0x36: {  	[tilespmem:s23], [sflag:$0x3] =	stream.linear.gather @!p0 [hbm4b:s20+s22], $0x3E80, $0x38;
	[tilespmem:$0x16F30] =	vst v63  }
0x37: {  	_ =	swait.ge @!p0 [sflag:s21], $0x3E80  }
0x38: {  	[sflag:s21] =	ssyncset.done @!p0 $0x0  }
0x39: {  	s24 =	sadd.s32 s1, s2;
	[sflag:s21] =	ssyncadd.s32 @!p0 $0xFFFFC180  }
0x3a: {  	[spmem:s24] =	stream.linear.scatter @!p0 [tilespmem:s23], [sflag:$0x3], $0x3E80, $0x38;
	[tilespmem:$0x16F30] =	vst v63  }
0x3b: {  	_ =	swait.ge @!p0 [sflag:s21], $0x3E80  }
0x3c: {  	[sflag:s21] =	ssyncset.done @!p0 $0x0  }
0x3d: {  	s28 =	simm.s32 $0x1;
	[sflag:s21] =	ssyncadd.s32 @!p0 $0xFFFFC180  }
0x3e: {  	s25 =	sadd.s32 $0x16400, s26;
	s26 =	simm.s32 $0x4E20;
	[bflag:$0x0] =	sbarrier.arrive $0xFFFF  }
0x3f: {  	[tilespmem:s26], [sflag:$0x1] =	stream.indirect.gather [hbm4b:s25+s6], $0x10, s3, s6, $0xb8;
	[tilespmem:$0x16F30] =	vst v63  }
0x40: {  	_ =	swait.ge [sflag:s28], $0x7D00  }
0x41: {  	[sflag:s28] =	ssyncset.done $0x0  }
0x42: {  	s29 =	simm.s32 $0xCB20;
	[sflag:s28] =	ssyncadd.s32 $0xFFFF8300  }
0x43: {  	[tilespmem:s29], [sflag:$0x2] =	stream.indirect.gather [hbm4b:s25+s6], $0x10, s6, s6, $0xb8;
	[tilespmem:$0x16F30] =	vst v63  }
0x44: {  	_ = 	snop  }
0x45: {  	[spmem:s2] =	stream.indirect.scatter.add.f32 [tilespmem:s26], [sflag:$0x3], $0x10, s5, s6, $0xb8;
	[tilespmem:$0x16F30] =	vst v63  }
0x46: {  	_ =	swait.ge [sflag:s4], $0x7D00  }
0x47: {  	[sflag:s4] =	ssyncset.done $0x0  }
0x48: {  	s30 =	simm.s32 $0x2;
	[sflag:s4] =	ssyncadd.s32 $0xFFFF8300  }
0x49: {  	_ =	swait.ge [sflag:s30], $0x7D00  }
0x4a: {  	[sflag:s30] =	ssyncset.done $0x0  }
0x4b: {  	[sflag:s30] =	ssyncadd.s32 $0xFFFF8300  }
0x4c: {  	[tilespmem:s26], [sflag:$0x1] =	stream.indirect.gather [hbm4b:s25+s6], $0x10, s9, s6, $0xb8;
	[tilespmem:$0x16F30] =	vst v63  }
0x4d: {  	_ = 	snop  }
0x4e: {  	[spmem:s2] =	stream.indirect.scatter.add.f32 [tilespmem:s29], [sflag:$0x3], $0x10, s7, s6, $0xb8;
	[tilespmem:$0x16F30] =	vst v63  }
0x4f: {  	_ =	swait.ge [sflag:s4], $0x7D00  }
0x50: {  	[sflag:s4] =	ssyncset.done $0x0  }
0x51: {  	[sflag:s4] =	ssyncadd.s32 $0xFFFF8300  }
0x52: {  	_ =	swait.ge [sflag:s28], $0x7D00  }
0x53: {  	[sflag:s28] =	ssyncset.done $0x0  }
0x54: {  	[sflag:s28] =	ssyncadd.s32 $0xFFFF8300  }
0x55: {  	[tilespmem:s29], [sflag:$0x2] =	stream.indirect.gather [hbm4b:s25+s6], $0x10, s13, s6, $0xb8;
	[tilespmem:$0x16F30] =	vst v63  }
0x56: {  	_ = 	snop  }
0x57: {  	[spmem:s2] =	stream.indirect.scatter.add.f32 [tilespmem:s26], [sflag:$0x3], $0x10, s11, s6, $0xb8;
	[tilespmem:$0x16F30] =	vst v63  }
0x58: {  	_ =	swait.ge [sflag:s4], $0x7D00  }
0x59: {  	[sflag:s4] =	ssyncset.done $0x0  }
0x5a: {  	[sflag:s4] =	ssyncadd.s32 $0xFFFF8300  }
0x5b: {  	_ =	swait.ge [sflag:s30], $0x7D00  }
0x5c: {  	[sflag:s30] =	ssyncset.done $0x0  }
0x5d: {  	[sflag:s30] =	ssyncadd.s32 $0xFFFF8300  }
0x5e: {  	[tilespmem:s26], [sflag:$0x1] =	stream.indirect.gather [hbm4b:s25+s6], $0x10, s17, s6, $0xb8;
	[tilespmem:$0x16F30] =	vst v63  }
0x5f: {  	_ = 	snop  }
0x60: {  	[spmem:s2] =	stream.indirect.scatter.add.f32 [tilespmem:s29], [sflag:$0x3], $0x10, s15, s6, $0xb8;
	[tilespmem:$0x16F30] =	vst v63  }
0x61: {  	_ =	swait.ge [sflag:s4], $0x7D00  }
0x62: {  	[sflag:s4] =	ssyncset.done $0x0  }
0x63: {  	[sflag:s4] =	ssyncadd.s32 $0xFFFF8300  }
0x64: {  	_ =	swait.ge [sflag:s28], $0x7D00  }
0x65: {  	[sflag:s28] =	ssyncset.done $0x0  }
0x66: {  	s0 =	smul.u32 $0x27100, s31;
	s31 =	ssub.s32 $0x2, s31;
	[sflag:s28] =	ssyncadd.s32 $0xFFFF8300  }
0x67: {  	[spmem:s2] =	stream.indirect.scatter.add.f32 [tilespmem:s26], [sflag:$0x3], $0x10, s19, s6, $0xb8;
	[tilespmem:$0x16F30] =	vst v63  }
0x68: {  	s0 =	sadd.s32 s1, s0;
	s1 =	sshrl.u32 s31, $0x1;
	_ =	swait.ge [sflag:s4], $0x7D00  }
0x69: {  	s1 =	ssub.s32 s31, s1;
	[sflag:s4] =	ssyncset.done $0x0  }
0x6a: {  	s1 =	smax.u32 s1, $0x1;
	[sflag:s4] =	ssyncadd.s32 $0xFFFF8300  }
0x6b: {  	s1 =	sadd.s32 $0xFFFFFFFF, s1;
	[bflag:$0x0] =	sbarrier.arrive $0xFFFF  }
0x6c: {  	[tilespmem:s23], [sflag:$0x3] =	stream.linear.gather @!p0 [spmem:s24], $0x3E80, $0x38;
	[tilespmem:$0x16F30] =	vst v63  }
0x6d: {  	p1 =	sne.s32 s1, $0x0;
	_ =	swait.ge @!p0 [sflag:s21], $0x3E80  }
.Ltmp0:
0x6e: {  	s0 =	sshrl.u32 s0, $0x3;
	s31 =	rddreg [dreg:$0x0];
	(pc) =	sbr.rel @!p1 .LBB2_2-.Ltmp0, $4  }
0x6f: {  	[sflag:s21] =	ssyncset.done @!p0 $0x0;
	s0 =	sadd.s32 s0, s31  }
0x70: {  	[sflag:s21] =	ssyncadd.s32 @!p0 $0xFFFFC180;
	s31 =	sadd.s32 $0x20400, s0  }
0x71: {  	[hbm4b:s31+s22] =	stream.linear.scatter @!p0 [tilespmem:s23], [sflag:$0x3], $0x3E80, $0x38;
	[tilespmem:$0x16F30] =	vst v63  }
0x72: {  	_ =	swait.ge @!p0 [sflag:s21], $0x3E80  }
.LBB2_1:
0x73: {  	[sflag:s21] =	ssyncset.done @!p0 $0x0  }
0x74: {  	s0 =	rddreg [dreg:$0x3];
	[sflag:s21] =	ssyncadd.s32 @!p0 $0xFFFFC180  }
0x75: {  	[tilespmem:s3], [sflag:$0x3] =	stream.linear.gather [hbm4b:s0+s3], $0x7D0, $0x38;
	[tilespmem:$0x16F30] =	vst v63  }
0x76: {  	_ =	swait.ge [sflag:s4], $0x7D0  }
0x77: {  	[sflag:s4] =	ssyncset.done $0x0  }
0x78: {  	s0 =	rddreg [dreg:$0x4];
	[sflag:s4] =	ssyncadd.s32 $0xFFFFF830  }
0x79: {  	[tilespmem:s5], [sflag:$0x3] =	stream.linear.gather [hbm4b:s0+s3], $0x7D0, $0x38;
	[tilespmem:$0x16F30] =	vst v63  }
0x7a: {  	_ =	swait.ge [sflag:s4], $0x7D0  }
0x7b: {  	[sflag:s4] =	ssyncset.done $0x0  }
0x7c: {  	s0 =	rddreg [dreg:$0x5];
	[sflag:s4] =	ssyncadd.s32 $0xFFFFF830  }
0x7d: {  	[tilespmem:s6], [sflag:$0x3] =	stream.linear.gather [hbm4b:s0+s3], $0x7D0, $0x38;
	[tilespmem:$0x16F30] =	vst v63  }
0x7e: {  	_ =	swait.ge [sflag:s4], $0x7D0  }
0x7f: {  	[sflag:s4] =	ssyncset.done $0x0  }
0x80: {  	s0 =	rddreg [dreg:$0x6];
	[sflag:s4] =	ssyncadd.s32 $0xFFFFF830  }
0x81: {  	[tilespmem:s7], [sflag:$0x3] =	stream.linear.gather [hbm4b:s0+s3], $0x7D0, $0x38;
	[tilespmem:$0x16F30] =	vst v63  }
0x82: {  	_ =	swait.ge [sflag:s4], $0x7D0  }
0x83: {  	[sflag:s4] =	ssyncset.done $0x0  }
0x84: {  	[sflag:s4] =	ssyncadd.s32 $0xFFFFF830  }
0x85: {  	[tilespmem:s9], [sflag:$0x3] =	stream.linear.gather [hbm4b:s8+s3], $0x7D0, $0x38;
	[tilespmem:$0x16F30] =	vst v63  }
0x86: {  	_ =	swait.ge [sflag:s4], $0x7D0  }
0x87: {  	[sflag:s4] =	ssyncset.done $0x0  }
0x88: {  	[sflag:s4] =	ssyncadd.s32 $0xFFFFF830  }
0x89: {  	[tilespmem:s11], [sflag:$0x3] =	stream.linear.gather [hbm4b:s10+s3], $0x7D0, $0x38;
	[tilespmem:$0x16F30] =	vst v63  }
0x8a: {  	_ =	swait.ge [sflag:s4], $0x7D0  }
0x8b: {  	[sflag:s4] =	ssyncset.done $0x0  }
0x8c: {  	[sflag:s4] =	ssyncadd.s32 $0xFFFFF830  }
0x8d: {  	[tilespmem:s13], [sflag:$0x3] =	stream.linear.gather [hbm4b:s12+s3], $0x7D0, $0x38;
	[tilespmem:$0x16F30] =	vst v63  }
0x8e: {  	_ =	swait.ge [sflag:s4], $0x7D0  }
0x8f: {  	[sflag:s4] =	ssyncset.done $0x0  }
0x90: {  	[sflag:s4] =	ssyncadd.s32 $0xFFFFF830  }
0x91: {  	[tilespmem:s15], [sflag:$0x3] =	stream.linear.gather [hbm4b:s14+s3], $0x7D0, $0x38;
	[tilespmem:$0x16F30] =	vst v63  }
0x92: {  	_ =	swait.ge [sflag:s4], $0x7D0  }
0x93: {  	[sflag:s4] =	ssyncset.done $0x0  }
0x94: {  	[sflag:s4] =	ssyncadd.s32 $0xFFFFF830  }
0x95: {  	[tilespmem:s17], [sflag:$0x3] =	stream.linear.gather [hbm4b:s16+s3], $0x7D0, $0x38;
	[tilespmem:$0x16F30] =	vst v63  }
0x96: {  	_ =	swait.ge [sflag:s4], $0x7D0  }
0x97: {  	[sflag:s4] =	ssyncset.done $0x0  }
0x98: {  	[sflag:s4] =	ssyncadd.s32 $0xFFFFF830  }
0x99: {  	[tilespmem:s19], [sflag:$0x3] =	stream.linear.gather [hbm4b:s18+s3], $0x7D0, $0x38;
	[tilespmem:$0x16F30] =	vst v63  }
0x9a: {  	_ =	swait.ge [sflag:s4], $0x7D0  }
0x9b: {  	[sflag:s4] =	ssyncset.done $0x0  }
0x9c: {  	[sflag:s4] =	ssyncadd.s32 $0xFFFFF830  }
0x9d: {  	[tilespmem:s23], [sflag:$0x3] =	stream.linear.gather @!p0 [hbm4b:s20+s22], $0x3E80, $0x38;
	[tilespmem:$0x16F30] =	vst v63  }
0x9e: {  	_ =	swait.ge @!p0 [sflag:s21], $0x3E80  }
0x9f: {  	[sflag:s21] =	ssyncset.done @!p0 $0x0  }
0xa0: {  	[sflag:s21] =	ssyncadd.s32 @!p0 $0xFFFFC180  }
0xa1: {  	[spmem:s24] =	stream.linear.scatter @!p0 [tilespmem:s23], [sflag:$0x3], $0x3E80, $0x38;
	[tilespmem:$0x16F30] =	vst v63  }
0xa2: {  	_ =	swait.ge @!p0 [sflag:s21], $0x3E80  }
0xa3: {  	[sflag:s21] =	ssyncset.done @!p0 $0x0  }
0xa4: {  	[sflag:s21] =	ssyncadd.s32 @!p0 $0xFFFFC180  }
0xa5: {  	[bflag:$0x0] =	sbarrier.arrive $0xFFFF  }
0xa6: {  	[tilespmem:s26], [sflag:$0x1] =	stream.indirect.gather [hbm4b:s25+s6], $0x10, s3, s6, $0xb8;
	[tilespmem:$0x16F30] =	vst v63  }
0xa7: {  	_ =	swait.ge [sflag:s28], $0x7D00  }
0xa8: {  	[sflag:s28] =	ssyncset.done $0x0  }
0xa9: {  	[sflag:s28] =	ssyncadd.s32 $0xFFFF8300  }
0xaa: {  	[tilespmem:s29], [sflag:$0x2] =	stream.indirect.gather [hbm4b:s25+s6], $0x10, s6, s6, $0xb8;
	[tilespmem:$0x16F30] =	vst v63  }
0xab: {  	_ = 	snop  }
0xac: {  	[spmem:s2] =	stream.indirect.scatter.add.f32 [tilespmem:s26], [sflag:$0x3], $0x10, s5, s6, $0xb8;
	[tilespmem:$0x16F30] =	vst v63  }
0xad: {  	_ =	swait.ge [sflag:s4], $0x7D00  }
0xae: {  	[sflag:s4] =	ssyncset.done $0x0  }
0xaf: {  	[sflag:s4] =	ssyncadd.s32 $0xFFFF8300  }
0xb0: {  	_ =	swait.ge [sflag:s30], $0x7D00  }
0xb1: {  	[sflag:s30] =	ssyncset.done $0x0  }
0xb2: {  	[sflag:s30] =	ssyncadd.s32 $0xFFFF8300  }
0xb3: {  	[tilespmem:s26], [sflag:$0x1] =	stream.indirect.gather [hbm4b:s25+s6], $0x10, s9, s6, $0xb8;
	[tilespmem:$0x16F30] =	vst v63  }
0xb4: {  	_ = 	snop  }
0xb5: {  	[spmem:s2] =	stream.indirect.scatter.add.f32 [tilespmem:s29], [sflag:$0x3], $0x10, s7, s6, $0xb8;
	[tilespmem:$0x16F30] =	vst v63  }
0xb6: {  	_ =	swait.ge [sflag:s4], $0x7D00  }
0xb7: {  	[sflag:s4] =	ssyncset.done $0x0  }
0xb8: {  	[sflag:s4] =	ssyncadd.s32 $0xFFFF8300  }
0xb9: {  	_ =	swait.ge [sflag:s28], $0x7D00  }
0xba: {  	[sflag:s28] =	ssyncset.done $0x0  }
0xbb: {  	[sflag:s28] =	ssyncadd.s32 $0xFFFF8300  }
0xbc: {  	[tilespmem:s29], [sflag:$0x2] =	stream.indirect.gather [hbm4b:s25+s6], $0x10, s13, s6, $0xb8;
	[tilespmem:$0x16F30] =	vst v63  }
0xbd: {  	_ = 	snop  }
0xbe: {  	[spmem:s2] =	stream.indirect.scatter.add.f32 [tilespmem:s26], [sflag:$0x3], $0x10, s11, s6, $0xb8;
	[tilespmem:$0x16F30] =	vst v63  }
0xbf: {  	_ =	swait.ge [sflag:s4], $0x7D00  }
0xc0: {  	[sflag:s4] =	ssyncset.done $0x0  }
0xc1: {  	[sflag:s4] =	ssyncadd.s32 $0xFFFF8300  }
0xc2: {  	_ =	swait.ge [sflag:s30], $0x7D00  }
0xc3: {  	[sflag:s30] =	ssyncset.done $0x0  }
0xc4: {  	[sflag:s30] =	ssyncadd.s32 $0xFFFF8300  }
0xc5: {  	[tilespmem:s26], [sflag:$0x1] =	stream.indirect.gather [hbm4b:s25+s6], $0x10, s17, s6, $0xb8;
	[tilespmem:$0x16F30] =	vst v63  }
0xc6: {  	_ = 	snop  }
0xc7: {  	[spmem:s2] =	stream.indirect.scatter.add.f32 [tilespmem:s29], [sflag:$0x3], $0x10, s15, s6, $0xb8;
	[tilespmem:$0x16F30] =	vst v63  }
0xc8: {  	_ =	swait.ge [sflag:s4], $0x7D00  }
0xc9: {  	[sflag:s4] =	ssyncset.done $0x0  }
0xca: {  	[sflag:s4] =	ssyncadd.s32 $0xFFFF8300  }
0xcb: {  	_ =	swait.ge [sflag:s28], $0x7D00  }
0xcc: {  	[sflag:s28] =	ssyncset.done $0x0  }
0xcd: {  	[sflag:s28] =	ssyncadd.s32 $0xFFFF8300  }
0xce: {  	[spmem:s2] =	stream.indirect.scatter.add.f32 [tilespmem:s26], [sflag:$0x3], $0x10, s19, s6, $0xb8;
	[tilespmem:$0x16F30] =	vst v63  }
0xcf: {  	_ =	swait.ge [sflag:s4], $0x7D00  }
0xd0: {  	[sflag:s4] =	ssyncset.done $0x0  }
0xd1: {  	s1 =	sadd.s32 $0xFFFFFFFF, s1;
	[sflag:s4] =	ssyncadd.s32 $0xFFFF8300  }
0xd2: {  	p1 =	sne.s32 s1, $0x0;
	[bflag:$0x0] =	sbarrier.arrive $0xFFFF  }
0xd3: {  	[tilespmem:s23], [sflag:$0x3] =	stream.linear.gather @!p0 [spmem:s24], $0x3E80, $0x38;
	[tilespmem:$0x16F30] =	vst v63  }
.Ltmp1:
0xd4: {  	_ =	swait.ge @!p0 [sflag:s21], $0x3E80;
	(pc) =	sbr.rel @p1 .LBB2_1-.Ltmp1, $4  }
0xd5: {  	[sflag:s21] =	ssyncset.done @!p0 $0x0  }
0xd6: {  	[sflag:s21] =	ssyncadd.s32 @!p0 $0xFFFFC180  }
0xd7: {  	[hbm4b:s31+s22] =	stream.linear.scatter @!p0 [tilespmem:s23], [sflag:$0x3], $0x3E80, $0x38;
	[tilespmem:$0x16F30] =	vst v63  }
0xd8: {  	_ =	swait.ge @!p0 [sflag:s21], $0x3E80  }
.LBB2_2:
0xd9: {  	[sflag:s21] =	ssyncset.done @!p0 $0x0  }
0xda: {  	[sflag:s21] =	ssyncadd.s32 @!p0 $0xFFFFC180  }
0xdb: {  	_ =	sfence.sel $0x180000  }
0xdc: {  	[bflag:$0x0] =	sbarrier.arrive $0xFFFF  }
0xdd: {  	_ =	strace $0x9000004A  }
0xde: {  	s0 =	stileid.u32;
	[bflag:$0x2] =	sbarrier.arrive $0xFFFF  }
0xdf: {  	p0 =	sne.s32 s0, $0x0;
	s0 =	rddreg [dreg:$0x2]  }
0xe0: {  	s0 =	sadd.s32 @!p0 $0x100000, s0  }
0xe1: {  	[sflag:s0] =	ssyncadd.tile.s32 @!p0 $0x1;
	_ =	shalt  }
.Lfunc_end2:
_tile_overlayer_lowered:
.L_overlay_start_2:
0xe2: {  	(tag) =	ssettag $0x2  }
0xe3: {  	s0 =	rddreg [dreg:$0x0];
	s2 =	stileid.u32  }
0xe4: {  	s1 =	rddreg [dreg:$0x1];
	p0 =	sne.s32 s2, $0x0  }
0xe5: {  	s3 =	rddreg [dreg:$0x2];
	[bflag:$0x3] =	sbarrier.arrive $0xFFFF;
	s2 =	simm.s32 @!p0 $0x1C03  }
0xe6: {  	[timem:s3], [sflag:s2] =	dma.local @!p0 [hbm:s0], s1  }
0xe7: {  	s0 =	simm.s32 @!p0 $0x3  }
0xe8: {  	_ =	swait.ge @!p0 [sflag:s0], s1  }
0xe9: {  	s1 =	ssub.s32 @!p0 $0x0, s1;
	[sflag:s0] =	ssyncset.done @!p0 $0x0  }
0xea: {  	[sflag:s0] =	ssyncadd.s32 @!p0 s1  }
0xeb: {  	[bflag:$0x3] =	sbarrier.arrive $0xFFFF  }
0xec: {  	_ =	shalt  }

// kernel: kernel.15.cloned.1.call-start
scs
__scs_entry_jumppad:
0x0: {  	(pc) =	sbr.rel $0x88, $3  }
0x1: {  	(tag) =	ssettag $0x0;
	lr =	simm.s32 $0x1  }
0x2: {  	[smem:$0x3F9B] =	sst lr;
	_ =	strace $0xD0000000  }
0x3: {  	_ = 	snop  }
0x4: {  	_ = 	snop  }
0x5: {  	_ = 	snop  }
0x6: {  	_ = 	snop  }
0x7: {  	_ = 	snop  }
__scs_overlays_trampoline_lowered:
0x8: {  	[smem:$0x3FAA] =	sst s0  }
0x9: {  	[smem:$0x3FAB] =	sst s1  }
0xa: {  	[smem:$0x3FAC] =	sst s2  }
0xb: {  	[smem:$0x3FAD] =	sst s3  }
0xc: {  	[smem:$0x3FAE] =	sst s4  }
0xd: {  	[smem:$0x3FAF] =	sst s5  }
0xe: {  	[smem:$0x3FB0] =	sst s6  }
0xf: {  	[smem:$0x3FB1] =	sst s7  }
0x10: {  	[smem:$0x3FB2] =	sst s8  }
0x11: {  	[smem:$0x3FB3] =	sst s9;
	s0 =	simm.s32 @!p0 $0x0  }
0x12: {  	s1 =	sld [smem:$0x3F99];
	s0 =	simm.s32 @p0 $0x1  }
0x13: {  	[smem:$0x3FB4] =	sst s0;
	s0 =	simm.s32 @!p1 $0x0  }
0x14: {  	s2 =	sld [smem:$0x3F98];
	s0 =	simm.s32 @p1 $0x1  }
0x15: {  	[smem:$0x3FB5] =	sst s0;
	s0 =	simm.s32 @!p2 $0x0  }
0x16: {  	s3 =	sld [smem:$0x3FDB];
	s0 =	simm.s32 @p2 $0x1  }
0x17: {  	s4 =	simm.s32 $0x1BF5;
	[smem:$0x3FB7] =	sst s0  }
0x18: {  	s0 =	sld [smem:$0x3F9A];
	_ =	swait.ge [sflag:s4], $0x0  }
0x19: {  	s7 =	sld [smem:$0x3F9B]  }
0x1a: {  	s8 =	sadd.s32 $0xFFFFE003, lr  }
0x1b: {  	s9 =	sadd.s32 $0xFFFFFEF7, lr;
	s5 =	simm.s32 $0xFFFFFFFF;
	p2 =	slt.u32 s8, $0xFFFFF086  }
0x1c: {  	p1 =	slt.u32 s9, $0xF7A;
	s5 =	simm.s32 @!p2 $0x0  }
0x1d: {  	s5 =	simm.s32 @p1 $0x1;
	p0 =	seq.s32 s7, s2  }
0x1e: {  	s7 =	smul.u32 @!p0 $0xF7A, s2;
	p2 =	seq.s32 @!p0 s5, $0x0  }
0x1f: {  	s9 =	smul.u32 $0xF7A, s1;
	s8 =	simm.s32 @!p0 $0x1BF5;
	p2 =	por !p2, p0  }
0x20: {  	[sflag:s8] =	ssyncset.s32 @!p0 $0xFFFFF086;
	s6 =	sadd.s32 @!p0 s3, s7;
	s7 =	simm.s32 @!p0 $0x108  }
0x21: {  	s3 =	sadd.s32 s3, s9;
	s6 =	sadd.s32 @!p0 $0x88, s6;
	s7 =	simm.s32 @p2 $0x1082  }
0x22: {  	[simem:s7], [sflag:s8] =	dma.local @!p0 [hbm:s6], $0xF7A  }
0x23: {  	s9 =	sor.u32 $0xD0000000, s2;
	s6 =	simm.s32 $0x108;
	_ =	swait.ge @!p0 [sflag:s8], $0x0  }
0x24: {  	s3 =	sadd.s32 $0x88, s3;
	s6 =	simm.s32 @!p1 $0x1082;
	[sflag:s4] =	ssyncset.s32 $0xFFFFF086  }
0x25: {  	[simem:s6], [sflag:s4] =	dma.local [hbm:s3], $0xF7A  }
0x26: {  	[smem:$0x3F9B] =	sst s1;
	(tag) =	ssettag s2;
	_ =	strace s9  }
0x27: {  	s1 =	sld [smem:$0x3FAB]  }
0x28: {  	s2 =	sld [smem:$0x3FAC]  }
0x29: {  	s4 =	sld [smem:$0x3FAE]  }
0x2a: {  	p0 =	seq.s32 s5, $0x0;
	s5 =	sld [smem:$0x3FAF]  }
0x2b: {  	s6 =	sld [smem:$0x3FB0]  }
0x2c: {  	s7 =	sld [smem:$0x3FB1]  }
0x2d: {  	s3 =	simm.s32 $0x108;
	s8 =	sld [smem:$0x3FB2]  }
0x2e: {  	s3 =	simm.s32 @!p0 $0x1082;
	s9 =	sld [smem:$0x3FB3]  }
0x2f: {  	lr =	sadd.s32 s0, s3;
	s0 =	sld [smem:$0x3FAA]  }
0x30: {  	s3 =	sld [smem:$0x3FAD]  }
0x31: {  	[smem:$0x3FB6] =	sst s10  }
0x32: {  	s10 =	sld [smem:$0x3FB4];
	_ =	sdelay $0x3  }
0x33: {  	p0 =	seq.s32 s10, $0x1;
	s10 =	sld [smem:$0x3FB6];
	_ =	sdelay $0x3  }
0x34: {  	[smem:$0x3FB6] =	sst s10  }
0x35: {  	s10 =	sld [smem:$0x3FB5];
	_ =	sdelay $0x3  }
0x36: {  	p1 =	seq.s32 s10, $0x1;
	s10 =	sld [smem:$0x3FB6];
	_ =	sdelay $0x3  }
0x37: {  	[smem:$0x3FB6] =	sst s10  }
0x38: {  	s10 =	sld [smem:$0x3FB7]  }
0x39: {  	_ = 	snop;
	(pc) =	sbr.ind lr, $3  }
0x3a: {  	_ = 	snop  }
0x3b: {  	_ = 	snop  }
0x3c: {  	p2 =	seq.s32 s10, $0x1;
	s10 =	sld [smem:$0x3FB6]  }
0x3d: {  	_ =	shalt  }
0x3e: {  	_ =	shalt  }
0x3f: {  	_ =	shalt  }
0x40: {  	_ =	shalt  }
0x41: {  	_ =	shalt  }
0x42: {  	_ =	shalt  }
0x43: {  	_ =	shalt  }
0x44: {  	_ =	shalt  }
0x45: {  	_ =	shalt  }
0x46: {  	_ =	shalt  }
0x47: {  	_ =	shalt  }
0x48: {  	_ =	shalt  }
0x49: {  	_ =	shalt  }
0x4a: {  	_ =	shalt  }
0x4b: {  	_ =	shalt  }
0x4c: {  	_ =	shalt  }
0x4d: {  	_ =	shalt  }
0x4e: {  	_ =	shalt  }
0x4f: {  	_ =	shalt  }
0x50: {  	_ =	shalt  }
0x51: {  	_ =	shalt  }
0x52: {  	_ =	shalt  }
0x53: {  	_ =	shalt  }
0x54: {  	_ =	shalt  }
0x55: {  	_ =	shalt  }
0x56: {  	_ =	shalt  }
0x57: {  	_ =	shalt  }
0x58: {  	_ =	shalt  }
0x59: {  	_ =	shalt  }
0x5a: {  	_ =	shalt  }
0x5b: {  	_ =	shalt  }
0x5c: {  	_ =	shalt  }
0x5d: {  	_ =	shalt  }
0x5e: {  	_ =	shalt  }
0x5f: {  	_ =	shalt  }
0x60: {  	_ =	shalt  }
0x61: {  	_ =	shalt  }
0x62: {  	_ =	shalt  }
0x63: {  	_ =	shalt  }
0x64: {  	_ =	shalt  }
0x65: {  	_ =	shalt  }
0x66: {  	_ =	shalt  }
0x67: {  	_ =	shalt  }
0x68: {  	_ =	shalt  }
0x69: {  	_ =	shalt  }
0x6a: {  	_ =	shalt  }
0x6b: {  	_ =	shalt  }
0x6c: {  	_ =	shalt  }
0x6d: {  	_ =	shalt  }
0x6e: {  	_ =	shalt  }
0x6f: {  	_ =	shalt  }
0x70: {  	_ =	shalt  }
0x71: {  	_ =	shalt  }
0x72: {  	_ =	shalt  }
0x73: {  	_ =	shalt  }
0x74: {  	_ =	shalt  }
0x75: {  	_ =	shalt  }
0x76: {  	_ =	shalt  }
0x77: {  	_ =	shalt  }
0x78: {  	_ =	shalt  }
0x79: {  	_ =	shalt  }
0x7a: {  	_ =	shalt  }
0x7b: {  	_ =	shalt  }
0x7c: {  	_ =	shalt  }
0x7d: {  	_ =	shalt  }
0x7e: {  	_ =	shalt  }
0x7f: {  	_ =	shalt  }
0x80: {  	_ =	shalt  }
0x81: {  	_ =	shalt  }
0x82: {  	_ =	shalt  }
0x83: {  	_ =	shalt  }
0x84: {  	_ =	shalt  }
0x85: {  	_ =	shalt  }
0x86: {  	_ =	shalt  }
0x87: {  	_ =	shalt  }
.Lfunc_end0:
.L_simem_size_0:
called_computation.2_lowered:
.L_overlay_start_0:
0x88: {  	s2 =	sld [smem:$0x3FD9]  }
0x89: {  	s3 =	sld [smem:$0x3FFE];
	_ =	sdelay $0x1  }
0x8a: {  	s1 =	srdreg.scid  }
0x8b: {  	s0 =	sand.u32 $0x1, s1  }
0x8c: {  	s16 =	sshll.u32 s0, $0xA;
	s2 =	sadd.s32 s3, s2  }
0x8d: {  	s2 =	sadd.s32 s2, s16  }
0x8e: {  	[smem:$0x3FC2] =	sst s2  }
0x8f: {  	_ = 	snop  }
0x90: {  	(tm) =	ssettm $0x1  }
0x91: {  	s17 =	sld [smem:$0x3FFB];
	_ =	sdelay $0x3  }
0x92: {  	_ =	strace s17  }
0x93: {  	s2 =	sld [smem:$0x3FFC];
	_ =	sdelay $0x3  }
0x94: {  	_ =	strace s2  }
0x95: {  	s2 =	sld [smem:$0x3FFD];
	_ =	sdelay $0x3  }
0x96: {  	_ =	strace s2  }
0x97: {  	_ =	strace $0x8FFFFFFF  }
0x98: {  	s18 =	sld [smem:$0x3FDB];
	_ =	sdelay $0x1  }
0x99: {  	s19 =	simm.s32 $_scs_section_size  }
0x9a: {  	s4 =	simm.s32 $_size__tile_overlayer_lowered;
	s5 =	simm.s32 $_tile_overlayer_lowered  }
0x9b: {  	s22 =	simm.s32 $0x1BFF;
	s21 =	sshll.u32 s5, $0x1;
	s2 =	sadd.s32 s19, s18  }
0x9c: {  	s6 =	simm.s32 $0x0;
	s20 =	sshll.u32 s4, $0x1;
	s4 =	sadd.s32 s21, s2  }
0x9d: {  	[timem:s6], [sflag:s22] =	dma.local [hbm:s4], s20  }
0x9e: {  	_ =	swait.ge [sflag:s22], s20  }
0x9f: {  	s3 =	ssub.s32 $0x0, s20;
	[sflag:s22] =	ssyncset.done $0x0  }
0xa0: {  	[sflag:s22] =	ssyncadd.s32 s3;
	_ =	sdelay $0x1  }
0xa1: {  	s23 =	simm.s32 $0x1B8B  }
0xa2: {  	_ =	swait.ge [sflag:s23], $0x1  }
0xa3: {  	[sflag:s23] =	ssyncset.done $0x0  }
0xa4: {  	s25 =	simm.s32 $0x1B8E;
	s24 =	sld [smem:$0x3FFE];
	[sflag:s23] =	ssyncadd.s32 $0xFFFFFFFF  }
0xa5: {  	s26 =	simm.s32 $execute0_lowered;
	[smem:$0x3FD2] =	sst s25  }
0xa6: {  	s4 =	sshll.u32 s26, $0x1;
	_ =	strace $0x8000004C;
	[dreg:$0x1] =	wrdreg $0xFFFFFFFF  }
0xa7: {  	s28 =	simm.s32 $_size_execute0_lowered;
	s2 =	sadd.s32 s2, s4;
	[dreg:$0x0] =	wrdreg $0x0  }
0xa8: {  	s4 =	sshll.u32 s28, $0x1;
	[dreg:$0x2] =	wrdreg s2  }
0xa9: {  	[dreg:$0x3] =	wrdreg s4  }
0xaa: {  	[dreg:$0x4] =	wrdreg $0xC0  }
0xab: {  	_ =	task [dreg:s6], $0x5FFFF  }
0xac: {  	[dreg:$0x1] =	wrdreg $0xFFFFFFFF  }
0xad: {  	[dreg:$0x0] =	wrdreg $0x60  }
0xae: {  	[dreg:$0x2] =	wrdreg s24  }
0xaf: {  	[dreg:$0x3] =	wrdreg $0x148200  }
0xb0: {  	[dreg:$0x4] =	wrdreg $0x9  }
0xb1: {  	_ =	task.clear_ibuf [dreg:s6], $0x5FFFF;
	_ =	strace $0x9000004C  }
0xb2: {  	s29 =	simm.s32 $0x9;
	_ =	strace $0x8000004E  }
0xb3: {  	_ =	swait.ge [sflag:s29], $0x1  }
0xb4: {  	[sflag:s29] =	ssyncadd.s32 $0xFFFFFFFF  }
0xb5: {  	_ =	strace $0x9000004E  }
0xb6: {  	_ =	sfence  }
0xb7: {  	s30 =	sld [smem:$0x0];
	_ =	sdelay $0x2  }
0xb8: {  	s31 =	sshll.u32 s1, $0xD;
	s1 =	sshrl.u32 s1, $0x2  }
0xb9: {  	s3 =	sand.u32 $0x4000, s31;
	s1 =	sadd.s32 s1, s30  }
0xba: {  	s0 =	sor.u32 s3, s0;
	s1 =	sshll.u32 s1, $0x11  }
0xbb: {  	s0 =	sor.u32 s1, s0  }
0xbc: {  	s0 =	sadd.s32 $0x8F2B, s0  }
0xbd: {  	[sflag:s0] =	ssyncadd.remote.s32 $0x1  }
0xbe: {  	_ =	sfence.sel $0xFFFF  }
0xbf: {  	[dreg:$0x0] =	wrdreg $0xFFFFFFFF;
	(pc) =	sbr.abs _section_cstart, $3  }
0xc0: {  	[dreg:$0x1] =	wrdreg $0xFFFFFFFF  }
0xc1: {  	_ =	task.clear_ibuf [dreg:s6], $0x2FFFF;
	_ =	strace $0x9FFFFFFF  }
0xc2: {  	(tm) =	ssettm $0x7FFFFFFF  }
0xc3: {  	_ =	shalt  }
tec
execute0_lowered:
.L_overlay_start_1:
0x0: {  	(tag) =	ssettag $0x1  }
0x1: {  	s0 =	srdreg.scid  }
0x2: {  	s31 =	sand.u32 $0x1, s0  }
0x3: {  	s21 =	stileid.u32;
	s0 =	sshll.u32 s31, $0x4  }
0x4: {  	s0 =	sor.u32 s21, s0  }
0x5: {  	s0 =	smul.u32 $0x2710, s0;
	_ =	sdelay $0x1  }
0x6: {  	s22 =	rddreg [dreg:$0x0];
	s0 =	sshrl.u32 s0, $0x3  }
0x7: {  	s2 =	rddreg [dreg:$0x1];
	s3 =	simm.s32 $0x0;
	s18 =	sadd.s32 s0, s22  }
0x8: {  	[smem:$0x7FF] =	sst s3;
	s0 =	sadd.s32 $0x2A00, s18  }
0x9: {  	_ =	strace $0x8000004D;
	s17 =	sadd.s32 $0xC640, s18;
	[dreg:$0x3] =	wrdreg s0  }
0xa: {  	s19 =	sadd.s32 $0x2AFA, s18;
	[dreg:$0x4] =	wrdreg s17  }
0xb: {  	s20 =	sadd.s32 $0xC73A, s18;
	[dreg:$0x5] =	wrdreg s19  }
0xc: {  	[dreg:$0x6] =	wrdreg s20  }
0xd: {  	s4 =	simm.s32 $0x3;
	s5 =	rddreg [dreg:$0x3]  }
0xe: {  	[tilespmem:s3], [sflag:$0x3] =	stream.linear.gather [hbm4b:s5+s3], $0x7D0, $0x38;
	[tilespmem:$0x16F30] =	vst v63  }
0xf: {  	_ =	swait.ge [sflag:s4], $0x7D0  }
0x10: {  	[sflag:s4] =	ssyncset.done $0x0  }
0x11: {  	s5 =	simm.s32 $0x2710;
	s23 =	rddreg [dreg:$0x4];
	[sflag:s4] =	ssyncadd.s32 $0xFFFFF830  }
0x12: {  	[tilespmem:s5], [sflag:$0x3] =	stream.linear.gather [hbm4b:s23+s3], $0x7D0, $0x38;
	[tilespmem:$0x16F30] =	vst v63  }
0x13: {  	_ =	swait.ge [sflag:s4], $0x7D0  }
0x14: {  	[sflag:s4] =	ssyncset.done $0x0  }
0x15: {  	s6 =	simm.s32 $0x7D0;
	s24 =	rddreg [dreg:$0x5];
	[sflag:s4] =	ssyncadd.s32 $0xFFFFF830  }
0x16: {  	[tilespmem:s6], [sflag:$0x3] =	stream.linear.gather [hbm4b:s24+s3], $0x7D0, $0x38;
	[tilespmem:$0x16F30] =	vst v63  }
0x17: {  	_ =	swait.ge [sflag:s4], $0x7D0  }
0x18: {  	[sflag:s4] =	ssyncset.done $0x0  }
0x19: {  	s7 =	simm.s32 $0x2EE0;
	s25 =	rddreg [dreg:$0x6];
	[sflag:s4] =	ssyncadd.s32 $0xFFFFF830  }
0x1a: {  	[tilespmem:s7], [sflag:$0x3] =	stream.linear.gather [hbm4b:s25+s3], $0x7D0, $0x38;
	[tilespmem:$0x16F30] =	vst v63  }
0x1b: {  	_ =	swait.ge [sflag:s4], $0x7D0  }
0x1c: {  	[sflag:s4] =	ssyncset.done $0x0  }
0x1d: {  	s9 =	simm.s32 $0xFA0;
	s8 =	sadd.s32 $0x2BF4, s18;
	[sflag:s4] =	ssyncadd.s32 $0xFFFFF830  }
0x1e: {  	[tilespmem:s9], [sflag:$0x3] =	stream.linear.gather [hbm4b:s8+s3], $0x7D0, $0x38;
	[tilespmem:$0x16F30] =	vst v63  }
0x1f: {  	_ =	swait.ge [sflag:s4], $0x7D0  }
0x20: {  	[sflag:s4] =	ssyncset.done $0x0  }
0x21: {  	s11 =	simm.s32 $0x36B0;
	s10 =	sadd.s32 $0xC834, s18;
	[sflag:s4] =	ssyncadd.s32 $0xFFFFF830  }
0x22: {  	[tilespmem:s11], [sflag:$0x3] =	stream.linear.gather [hbm4b:s10+s3], $0x7D0, $0x38;
	[tilespmem:$0x16F30] =	vst v63  }
0x23: {  	_ =	swait.ge [sflag:s4], $0x7D0  }
0x24: {  	[sflag:s4] =	ssyncset.done $0x0  }
0x25: {  	s13 =	simm.s32 $0x1770;
	s12 =	sadd.s32 $0x2CEE, s18;
	[sflag:s4] =	ssyncadd.s32 $0xFFFFF830  }
0x26: {  	[tilespmem:s13], [sflag:$0x3] =	stream.linear.gather [hbm4b:s12+s3], $0x7D0, $0x38;
	[tilespmem:$0x16F30] =	vst v63  }
0x27: {  	_ =	swait.ge [sflag:s4], $0x7D0  }
0x28: {  	[sflag:s4] =	ssyncset.done $0x0  }
0x29: {  	s15 =	simm.s32 $0x3E80;
	s14 =	sadd.s32 $0xC92E, s18;
	[sflag:s4] =	ssyncadd.s32 $0xFFFFF830  }
0x2a: {  	[tilespmem:s15], [sflag:$0x3] =	stream.linear.gather [hbm4b:s14+s3], $0x7D0, $0x38;
	[tilespmem:$0x16F30] =	vst v63  }
0x2b: {  	_ =	swait.ge [sflag:s4], $0x7D0  }
0x2c: {  	[sflag:s4] =	ssyncset.done $0x0  }
0x2d: {  	s16 =	sadd.s32 $0x2DE8, s18;
	s17 =	simm.s32 $0x1F40;
	[sflag:s4] =	ssyncadd.s32 $0xFFFFF830  }
0x2e: {  	[tilespmem:s17], [sflag:$0x3] =	stream.linear.gather [hbm4b:s16+s3], $0x7D0, $0x38;
	[tilespmem:$0x16F30] =	vst v63  }
0x2f: {  	s1 =	smul.u32 $0x3E80, s21;
	_ =	swait.ge [sflag:s4], $0x7D0  }
0x30: {  	s26 =	smov.u32 s22;
	p0 =	sgt.u32 s21, $0x9;
	[sflag:s4] =	ssyncset.done $0x0  }
0x31: {  	s18 =	sadd.s32 $0xCA28, s18;
	s19 =	simm.s32 $0x4650;
	[sflag:s4] =	ssyncadd.s32 $0xFFFFF830  }
0x32: {  	[tilespmem:s19], [sflag:$0x3] =	stream.linear.gather [hbm4b:s18+s3], $0x7D0, $0x38;
	[tilespmem:$0x16F30] =	vst v63  }
0x33: {  	s21 =	simm.s32 @!p0 $0x3;
	s20 =	sshrl.u32 s1, $0x3;
	_ =	swait.ge [sflag:s4], $0x7D0  }
0x34: {  	s20 =	sadd.s32 s20, s22;
	s22 =	simm.s32 @!p0 $0x0;
	[sflag:s4] =	ssyncset.done $0x0  }
0x35: {  	s20 =	sadd.s32 $0x1B400, s20;
	s23 =	simm.s32 @!p0 $0x4E20;
	[sflag:s4] =	ssyncadd.s32 $0xFFFFF830  }
0x36: {  	[tilespmem:s23], [sflag:$0x3] =	stream.linear.gather @!p0 [hbm4b:s20+s22], $0x3E80, $0x38;
	[tilespmem:$0x16F30] =	vst v63  }
0x37: {  	_ =	swait.ge @!p0 [sflag:s21], $0x3E80  }
0x38: {  	[sflag:s21] =	ssyncset.done @!p0 $0x0  }
0x39: {  	s24 =	sadd.s32 s1, s2;
	[sflag:s21] =	ssyncadd.s32 @!p0 $0xFFFFC180  }
0x3a: {  	[spmem:s24] =	stream.linear.scatter @!p0 [tilespmem:s23], [sflag:$0x3], $0x3E80, $0x38;
	[tilespmem:$0x16F30] =	vst v63  }
0x3b: {  	_ =	swait.ge @!p0 [sflag:s21], $0x3E80  }
0x3c: {  	[sflag:s21] =	ssyncset.done @!p0 $0x0  }
0x3d: {  	s28 =	simm.s32 $0x1;
	[sflag:s21] =	ssyncadd.s32 @!p0 $0xFFFFC180  }
0x3e: {  	s25 =	sadd.s32 $0x16400, s26;
	s26 =	simm.s32 $0x4E20;
	[bflag:$0x0] =	sbarrier.arrive $0xFFFF  }
0x3f: {  	[tilespmem:s26], [sflag:$0x1] =	stream.indirect.gather [hbm4b:s25+s6], $0x10, s3, s6, $0xb8;
	[tilespmem:$0x16F30] =	vst v63  }
0x40: {  	_ =	swait.ge [sflag:s28], $0x7D00  }
0x41: {  	[sflag:s28] =	ssyncset.done $0x0  }
0x42: {  	s29 =	simm.s32 $0xCB20;
	[sflag:s28] =	ssyncadd.s32 $0xFFFF8300  }
0x43: {  	[tilespmem:s29], [sflag:$0x2] =	stream.indirect.gather [hbm4b:s25+s6], $0x10, s6, s6, $0xb8;
	[tilespmem:$0x16F30] =	vst v63  }
0x44: {  	_ = 	snop  }
0x45: {  	[spmem:s2] =	stream.indirect.scatter.add.f32 [tilespmem:s26], [sflag:$0x3], $0x10, s5, s6, $0xb8;
	[tilespmem:$0x16F30] =	vst v63  }
0x46: {  	_ =	swait.ge [sflag:s4], $0x7D00  }
0x47: {  	[sflag:s4] =	ssyncset.done $0x0  }
0x48: {  	s30 =	simm.s32 $0x2;
	[sflag:s4] =	ssyncadd.s32 $0xFFFF8300  }
0x49: {  	_ =	swait.ge [sflag:s30], $0x7D00  }
0x4a: {  	[sflag:s30] =	ssyncset.done $0x0  }
0x4b: {  	[sflag:s30] =	ssyncadd.s32 $0xFFFF8300  }
0x4c: {  	[tilespmem:s26], [sflag:$0x1] =	stream.indirect.gather [hbm4b:s25+s6], $0x10, s9, s6, $0xb8;
	[tilespmem:$0x16F30] =	vst v63  }
0x4d: {  	_ = 	snop  }
0x4e: {  	[spmem:s2] =	stream.indirect.scatter.add.f32 [tilespmem:s29], [sflag:$0x3], $0x10, s7, s6, $0xb8;
	[tilespmem:$0x16F30] =	vst v63  }
0x4f: {  	_ =	swait.ge [sflag:s4], $0x7D00  }
0x50: {  	[sflag:s4] =	ssyncset.done $0x0  }
0x51: {  	[sflag:s4] =	ssyncadd.s32 $0xFFFF8300  }
0x52: {  	_ =	swait.ge [sflag:s28], $0x7D00  }
0x53: {  	[sflag:s28] =	ssyncset.done $0x0  }
0x54: {  	[sflag:s28] =	ssyncadd.s32 $0xFFFF8300  }
0x55: {  	[tilespmem:s29], [sflag:$0x2] =	stream.indirect.gather [hbm4b:s25+s6], $0x10, s13, s6, $0xb8;
	[tilespmem:$0x16F30] =	vst v63  }
0x56: {  	_ = 	snop  }
0x57: {  	[spmem:s2] =	stream.indirect.scatter.add.f32 [tilespmem:s26], [sflag:$0x3], $0x10, s11, s6, $0xb8;
	[tilespmem:$0x16F30] =	vst v63  }
0x58: {  	_ =	swait.ge [sflag:s4], $0x7D00  }
0x59: {  	[sflag:s4] =	ssyncset.done $0x0  }
0x5a: {  	[sflag:s4] =	ssyncadd.s32 $0xFFFF8300  }
0x5b: {  	_ =	swait.ge [sflag:s30], $0x7D00  }
0x5c: {  	[sflag:s30] =	ssyncset.done $0x0  }
0x5d: {  	[sflag:s30] =	ssyncadd.s32 $0xFFFF8300  }
0x5e: {  	[tilespmem:s26], [sflag:$0x1] =	stream.indirect.gather [hbm4b:s25+s6], $0x10, s17, s6, $0xb8;
	[tilespmem:$0x16F30] =	vst v63  }
0x5f: {  	_ = 	snop  }
0x60: {  	[spmem:s2] =	stream.indirect.scatter.add.f32 [tilespmem:s29], [sflag:$0x3], $0x10, s15, s6, $0xb8;
	[tilespmem:$0x16F30] =	vst v63  }
0x61: {  	_ =	swait.ge [sflag:s4], $0x7D00  }
0x62: {  	[sflag:s4] =	ssyncset.done $0x0  }
0x63: {  	[sflag:s4] =	ssyncadd.s32 $0xFFFF8300  }
0x64: {  	_ =	swait.ge [sflag:s28], $0x7D00  }
0x65: {  	[sflag:s28] =	ssyncset.done $0x0  }
0x66: {  	s0 =	smul.u32 $0x27100, s31;
	s31 =	ssub.s32 $0x2, s31;
	[sflag:s28] =	ssyncadd.s32 $0xFFFF8300  }
0x67: {  	[spmem:s2] =	stream.indirect.scatter.add.f32 [tilespmem:s26], [sflag:$0x3], $0x10, s19, s6, $0xb8;
	[tilespmem:$0x16F30] =	vst v63  }
0x68: {  	s0 =	sadd.s32 s1, s0;
	s1 =	sshrl.u32 s31, $0x1;
	_ =	swait.ge [sflag:s4], $0x7D00  }
0x69: {  	s1 =	ssub.s32 s31, s1;
	[sflag:s4] =	ssyncset.done $0x0  }
0x6a: {  	s1 =	smax.u32 s1, $0x1;
	[sflag:s4] =	ssyncadd.s32 $0xFFFF8300  }
0x6b: {  	s1 =	sadd.s32 $0xFFFFFFFF, s1;
	[bflag:$0x0] =	sbarrier.arrive $0xFFFF  }
0x6c: {  	[tilespmem:s23], [sflag:$0x3] =	stream.linear.gather @!p0 [spmem:s24], $0x3E80, $0x38;
	[tilespmem:$0x16F30] =	vst v63  }
0x6d: {  	p1 =	sne.s32 s1, $0x0;
	_ =	swait.ge @!p0 [sflag:s21], $0x3E80  }
.Ltmp0:
0x6e: {  	s0 =	sshrl.u32 s0, $0x3;
	s31 =	rddreg [dreg:$0x0];
	(pc) =	sbr.rel @!p1 .LBB2_2-.Ltmp0, $4  }
0x6f: {  	[sflag:s21] =	ssyncset.done @!p0 $0x0;
	s0 =	sadd.s32 s0, s31  }
0x70: {  	[sflag:s21] =	ssyncadd.s32 @!p0 $0xFFFFC180;
	s31 =	sadd.s32 $0x20400, s0  }
0x71: {  	[hbm4b:s31+s22] =	stream.linear.scatter @!p0 [tilespmem:s23], [sflag:$0x3], $0x3E80, $0x38;
	[tilespmem:$0x16F30] =	vst v63  }
0x72: {  	_ =	swait.ge @!p0 [sflag:s21], $0x3E80  }
.LBB2_1:
0x73: {  	[sflag:s21] =	ssyncset.done @!p0 $0x0  }
0x74: {  	s0 =	rddreg [dreg:$0x3];
	[sflag:s21] =	ssyncadd.s32 @!p0 $0xFFFFC180  }
0x75: {  	[tilespmem:s3], [sflag:$0x3] =	stream.linear.gather [hbm4b:s0+s3], $0x7D0, $0x38;
	[tilespmem:$0x16F30] =	vst v63  }
0x76: {  	_ =	swait.ge [sflag:s4], $0x7D0  }
0x77: {  	[sflag:s4] =	ssyncset.done $0x0  }
0x78: {  	s0 =	rddreg [dreg:$0x4];
	[sflag:s4] =	ssyncadd.s32 $0xFFFFF830  }
0x79: {  	[tilespmem:s5], [sflag:$0x3] =	stream.linear.gather [hbm4b:s0+s3], $0x7D0, $0x38;
	[tilespmem:$0x16F30] =	vst v63  }
0x7a: {  	_ =	swait.ge [sflag:s4], $0x7D0  }
0x7b: {  	[sflag:s4] =	ssyncset.done $0x0  }
0x7c: {  	s0 =	rddreg [dreg:$0x5];
	[sflag:s4] =	ssyncadd.s32 $0xFFFFF830  }
0x7d: {  	[tilespmem:s6], [sflag:$0x3] =	stream.linear.gather [hbm4b:s0+s3], $0x7D0, $0x38;
	[tilespmem:$0x16F30] =	vst v63  }
0x7e: {  	_ =	swait.ge [sflag:s4], $0x7D0  }
0x7f: {  	[sflag:s4] =	ssyncset.done $0x0  }
0x80: {  	s0 =	rddreg [dreg:$0x6];
	[sflag:s4] =	ssyncadd.s32 $0xFFFFF830  }
0x81: {  	[tilespmem:s7], [sflag:$0x3] =	stream.linear.gather [hbm4b:s0+s3], $0x7D0, $0x38;
	[tilespmem:$0x16F30] =	vst v63  }
0x82: {  	_ =	swait.ge [sflag:s4], $0x7D0  }
0x83: {  	[sflag:s4] =	ssyncset.done $0x0  }
0x84: {  	[sflag:s4] =	ssyncadd.s32 $0xFFFFF830  }
0x85: {  	[tilespmem:s9], [sflag:$0x3] =	stream.linear.gather [hbm4b:s8+s3], $0x7D0, $0x38;
	[tilespmem:$0x16F30] =	vst v63  }
0x86: {  	_ =	swait.ge [sflag:s4], $0x7D0  }
0x87: {  	[sflag:s4] =	ssyncset.done $0x0  }
0x88: {  	[sflag:s4] =	ssyncadd.s32 $0xFFFFF830  }
0x89: {  	[tilespmem:s11], [sflag:$0x3] =	stream.linear.gather [hbm4b:s10+s3], $0x7D0, $0x38;
	[tilespmem:$0x16F30] =	vst v63  }
0x8a: {  	_ =	swait.ge [sflag:s4], $0x7D0  }
0x8b: {  	[sflag:s4] =	ssyncset.done $0x0  }
0x8c: {  	[sflag:s4] =	ssyncadd.s32 $0xFFFFF830  }
0x8d: {  	[tilespmem:s13], [sflag:$0x3] =	stream.linear.gather [hbm4b:s12+s3], $0x7D0, $0x38;
	[tilespmem:$0x16F30] =	vst v63  }
0x8e: {  	_ =	swait.ge [sflag:s4], $0x7D0  }
0x8f: {  	[sflag:s4] =	ssyncset.done $0x0  }
0x90: {  	[sflag:s4] =	ssyncadd.s32 $0xFFFFF830  }
0x91: {  	[tilespmem:s15], [sflag:$0x3] =	stream.linear.gather [hbm4b:s14+s3], $0x7D0, $0x38;
	[tilespmem:$0x16F30] =	vst v63  }
0x92: {  	_ =	swait.ge [sflag:s4], $0x7D0  }
0x93: {  	[sflag:s4] =	ssyncset.done $0x0  }
0x94: {  	[sflag:s4] =	ssyncadd.s32 $0xFFFFF830  }
0x95: {  	[tilespmem:s17], [sflag:$0x3] =	stream.linear.gather [hbm4b:s16+s3], $0x7D0, $0x38;
	[tilespmem:$0x16F30] =	vst v63  }
0x96: {  	_ =	swait.ge [sflag:s4], $0x7D0  }
0x97: {  	[sflag:s4] =	ssyncset.done $0x0  }
0x98: {  	[sflag:s4] =	ssyncadd.s32 $0xFFFFF830  }
0x99: {  	[tilespmem:s19], [sflag:$0x3] =	stream.linear.gather [hbm4b:s18+s3], $0x7D0, $0x38;
	[tilespmem:$0x16F30] =	vst v63  }
0x9a: {  	_ =	swait.ge [sflag:s4], $0x7D0  }
0x9b: {  	[sflag:s4] =	ssyncset.done $0x0  }
0x9c: {  	[sflag:s4] =	ssyncadd.s32 $0xFFFFF830  }
0x9d: {  	[tilespmem:s23], [sflag:$0x3] =	stream.linear.gather @!p0 [hbm4b:s20+s22], $0x3E80, $0x38;
	[tilespmem:$0x16F30] =	vst v63  }
0x9e: {  	_ =	swait.ge @!p0 [sflag:s21], $0x3E80  }
0x9f: {  	[sflag:s21] =	ssyncset.done @!p0 $0x0  }
0xa0: {  	[sflag:s21] =	ssyncadd.s32 @!p0 $0xFFFFC180  }
0xa1: {  	[spmem:s24] =	stream.linear.scatter @!p0 [tilespmem:s23], [sflag:$0x3], $0x3E80, $0x38;
	[tilespmem:$0x16F30] =	vst v63  }
0xa2: {  	_ =	swait.ge @!p0 [sflag:s21], $0x3E80  }
0xa3: {  	[sflag:s21] =	ssyncset.done @!p0 $0x0  }
0xa4: {  	[sflag:s21] =	ssyncadd.s32 @!p0 $0xFFFFC180  }
0xa5: {  	[bflag:$0x0] =	sbarrier.arrive $0xFFFF  }
0xa6: {  	[tilespmem:s26], [sflag:$0x1] =	stream.indirect.gather [hbm4b:s25+s6], $0x10, s3, s6, $0xb8;
	[tilespmem:$0x16F30] =	vst v63  }
0xa7: {  	_ =	swait.ge [sflag:s28], $0x7D00  }
0xa8: {  	[sflag:s28] =	ssyncset.done $0x0  }
0xa9: {  	[sflag:s28] =	ssyncadd.s32 $0xFFFF8300  }
0xaa: {  	[tilespmem:s29], [sflag:$0x2] =	stream.indirect.gather [hbm4b:s25+s6], $0x10, s6, s6, $0xb8;
	[tilespmem:$0x16F30] =	vst v63  }
0xab: {  	_ = 	snop  }
0xac: {  	[spmem:s2] =	stream.indirect.scatter.add.f32 [tilespmem:s26], [sflag:$0x3], $0x10, s5, s6, $0xb8;
	[tilespmem:$0x16F30] =	vst v63  }
0xad: {  	_ =	swait.ge [sflag:s4], $0x7D00  }
0xae: {  	[sflag:s4] =	ssyncset.done $0x0  }
0xaf: {  	[sflag:s4] =	ssyncadd.s32 $0xFFFF8300  }
0xb0: {  	_ =	swait.ge [sflag:s30], $0x7D00  }
0xb1: {  	[sflag:s30] =	ssyncset.done $0x0  }
0xb2: {  	[sflag:s30] =	ssyncadd.s32 $0xFFFF8300  }
0xb3: {  	[tilespmem:s26], [sflag:$0x1] =	stream.indirect.gather [hbm4b:s25+s6], $0x10, s9, s6, $0xb8;
	[tilespmem:$0x16F30] =	vst v63  }
0xb4: {  	_ = 	snop  }
0xb5: {  	[spmem:s2] =	stream.indirect.scatter.add.f32 [tilespmem:s29], [sflag:$0x3], $0x10, s7, s6, $0xb8;
	[tilespmem:$0x16F30] =	vst v63  }
0xb6: {  	_ =	swait.ge [sflag:s4], $0x7D00  }
0xb7: {  	[sflag:s4] =	ssyncset.done $0x0  }
0xb8: {  	[sflag:s4] =	ssyncadd.s32 $0xFFFF8300  }
0xb9: {  	_ =	swait.ge [sflag:s28], $0x7D00  }
0xba: {  	[sflag:s28] =	ssyncset.done $0x0  }
0xbb: {  	[sflag:s28] =	ssyncadd.s32 $0xFFFF8300  }
0xbc: {  	[tilespmem:s29], [sflag:$0x2] =	stream.indirect.gather [hbm4b:s25+s6], $0x10, s13, s6, $0xb8;
	[tilespmem:$0x16F30] =	vst v63  }
0xbd: {  	_ = 	snop  }
0xbe: {  	[spmem:s2] =	stream.indirect.scatter.add.f32 [tilespmem:s26], [sflag:$0x3], $0x10, s11, s6, $0xb8;
	[tilespmem:$0x16F30] =	vst v63  }
0xbf: {  	_ =	swait.ge [sflag:s4], $0x7D00  }
0xc0: {  	[sflag:s4] =	ssyncset.done $0x0  }
0xc1: {  	[sflag:s4] =	ssyncadd.s32 $0xFFFF8300  }
0xc2: {  	_ =	swait.ge [sflag:s30], $0x7D00  }
0xc3: {  	[sflag:s30] =	ssyncset.done $0x0  }
0xc4: {  	[sflag:s30] =	ssyncadd.s32 $0xFFFF8300  }
0xc5: {  	[tilespmem:s26], [sflag:$0x1] =	stream.indirect.gather [hbm4b:s25+s6], $0x10, s17, s6, $0xb8;
	[tilespmem:$0x16F30] =	vst v63  }
0xc6: {  	_ = 	snop  }
0xc7: {  	[spmem:s2] =	stream.indirect.scatter.add.f32 [tilespmem:s29], [sflag:$0x3], $0x10, s15, s6, $0xb8;
	[tilespmem:$0x16F30] =	vst v63  }
0xc8: {  	_ =	swait.ge [sflag:s4], $0x7D00  }
0xc9: {  	[sflag:s4] =	ssyncset.done $0x0  }
0xca: {  	[sflag:s4] =	ssyncadd.s32 $0xFFFF8300  }
0xcb: {  	_ =	swait.ge [sflag:s28], $0x7D00  }
0xcc: {  	[sflag:s28] =	ssyncset.done $0x0  }
0xcd: {  	[sflag:s28] =	ssyncadd.s32 $0xFFFF8300  }
0xce: {  	[spmem:s2] =	stream.indirect.scatter.add.f32 [tilespmem:s26], [sflag:$0x3], $0x10, s19, s6, $0xb8;
	[tilespmem:$0x16F30] =	vst v63  }
0xcf: {  	_ =	swait.ge [sflag:s4], $0x7D00  }
0xd0: {  	[sflag:s4] =	ssyncset.done $0x0  }
0xd1: {  	s1 =	sadd.s32 $0xFFFFFFFF, s1;
	[sflag:s4] =	ssyncadd.s32 $0xFFFF8300  }
0xd2: {  	p1 =	sne.s32 s1, $0x0;
	[bflag:$0x0] =	sbarrier.arrive $0xFFFF  }
0xd3: {  	[tilespmem:s23], [sflag:$0x3] =	stream.linear.gather @!p0 [spmem:s24], $0x3E80, $0x38;
	[tilespmem:$0x16F30] =	vst v63  }
.Ltmp1:
0xd4: {  	_ =	swait.ge @!p0 [sflag:s21], $0x3E80;
	(pc) =	sbr.rel @p1 .LBB2_1-.Ltmp1, $4  }
0xd5: {  	[sflag:s21] =	ssyncset.done @!p0 $0x0  }
0xd6: {  	[sflag:s21] =	ssyncadd.s32 @!p0 $0xFFFFC180  }
0xd7: {  	[hbm4b:s31+s22] =	stream.linear.scatter @!p0 [tilespmem:s23], [sflag:$0x3], $0x3E80, $0x38;
	[tilespmem:$0x16F30] =	vst v63  }
0xd8: {  	_ =	swait.ge @!p0 [sflag:s21], $0x3E80  }
.LBB2_2:
0xd9: {  	[sflag:s21] =	ssyncset.done @!p0 $0x0  }
0xda: {  	[sflag:s21] =	ssyncadd.s32 @!p0 $0xFFFFC180  }
0xdb: {  	_ =	sfence.sel $0x180000  }
0xdc: {  	[bflag:$0x0] =	sbarrier.arrive $0xFFFF  }
0xdd: {  	_ =	strace $0x9000004D  }
0xde: {  	s0 =	stileid.u32;
	[bflag:$0x2] =	sbarrier.arrive $0xFFFF  }
0xdf: {  	p0 =	sne.s32 s0, $0x0;
	s0 =	rddreg [dreg:$0x2]  }
0xe0: {  	s0 =	sadd.s32 @!p0 $0x100000, s0  }
0xe1: {  	[sflag:s0] =	ssyncadd.tile.s32 @!p0 $0x1;
	_ =	shalt  }
.Lfunc_end2:
_tile_overlayer_lowered:
.L_overlay_start_2:
0xe2: {  	(tag) =	ssettag $0x2  }
0xe3: {  	s0 =	rddreg [dreg:$0x0];
	s2 =	stileid.u32  }
0xe4: {  	s1 =	rddreg [dreg:$0x1];
	p0 =	sne.s32 s2, $0x0  }
0xe5: {  	s3 =	rddreg [dreg:$0x2];
	[bflag:$0x3] =	sbarrier.arrive $0xFFFF;
	s2 =	simm.s32 @!p0 $0x1C03  }
0xe6: {  	[timem:s3], [sflag:s2] =	dma.local @!p0 [hbm:s0], s1  }
0xe7: {  	s0 =	simm.s32 @!p0 $0x3  }
0xe8: {  	_ =	swait.ge @!p0 [sflag:s0], s1  }
0xe9: {  	s1 =	ssub.s32 @!p0 $0x0, s1;
	[sflag:s0] =	ssyncset.done @!p0 $0x0  }
0xea: {  	[sflag:s0] =	ssyncadd.s32 @!p0 s1  }
0xeb: {  	[bflag:$0x3] =	sbarrier.arrive $0xFFFF  }
0xec: {  	_ =	shalt  }

// kernel: kernel.9.cloned.1.call-start
scs
__scs_entry_jumppad:
0x0: {  	(pc) =	sbr.rel $0x88, $3  }
0x1: {  	(tag) =	ssettag $0x0;
	lr =	simm.s32 $0x1  }
0x2: {  	[smem:$0x3F9B] =	sst lr;
	_ =	strace $0xD0000000  }
0x3: {  	_ = 	snop  }
0x4: {  	_ = 	snop  }
0x5: {  	_ = 	snop  }
0x6: {  	_ = 	snop  }
0x7: {  	_ = 	snop  }
__scs_overlays_trampoline_lowered:
0x8: {  	[smem:$0x3FAA] =	sst s0  }
0x9: {  	[smem:$0x3FAB] =	sst s1  }
0xa: {  	[smem:$0x3FAC] =	sst s2  }
0xb: {  	[smem:$0x3FAD] =	sst s3  }
0xc: {  	[smem:$0x3FAE] =	sst s4  }
0xd: {  	[smem:$0x3FAF] =	sst s5  }
0xe: {  	[smem:$0x3FB0] =	sst s6  }
0xf: {  	[smem:$0x3FB1] =	sst s7  }
0x10: {  	[smem:$0x3FB2] =	sst s8  }
0x11: {  	[smem:$0x3FB3] =	sst s9;
	s0 =	simm.s32 @!p0 $0x0  }
0x12: {  	s1 =	sld [smem:$0x3F99];
	s0 =	simm.s32 @p0 $0x1  }
0x13: {  	[smem:$0x3FB4] =	sst s0;
	s0 =	simm.s32 @!p1 $0x0  }
0x14: {  	s2 =	sld [smem:$0x3F98];
	s0 =	simm.s32 @p1 $0x1  }
0x15: {  	[smem:$0x3FB5] =	sst s0;
	s0 =	simm.s32 @!p2 $0x0  }
0x16: {  	s3 =	sld [smem:$0x3FDB];
	s0 =	simm.s32 @p2 $0x1  }
0x17: {  	s4 =	simm.s32 $0x1BF5;
	[smem:$0x3FB7] =	sst s0  }
0x18: {  	s0 =	sld [smem:$0x3F9A];
	_ =	swait.ge [sflag:s4], $0x0  }
0x19: {  	s7 =	sld [smem:$0x3F9B]  }
0x1a: {  	s8 =	sadd.s32 $0xFFFFE003, lr  }
0x1b: {  	s9 =	sadd.s32 $0xFFFFFEF7, lr;
	s5 =	simm.s32 $0xFFFFFFFF;
	p2 =	slt.u32 s8, $0xFFFFF086  }
0x1c: {  	p1 =	slt.u32 s9, $0xF7A;
	s5 =	simm.s32 @!p2 $0x0  }
0x1d: {  	s5 =	simm.s32 @p1 $0x1;
	p0 =	seq.s32 s7, s2  }
0x1e: {  	s7 =	smul.u32 @!p0 $0xF7A, s2;
	p2 =	seq.s32 @!p0 s5, $0x0  }
0x1f: {  	s9 =	smul.u32 $0xF7A, s1;
	s8 =	simm.s32 @!p0 $0x1BF5;
	p2 =	por !p2, p0  }
0x20: {  	[sflag:s8] =	ssyncset.s32 @!p0 $0xFFFFF086;
	s6 =	sadd.s32 @!p0 s3, s7;
	s7 =	simm.s32 @!p0 $0x108  }
0x21: {  	s3 =	sadd.s32 s3, s9;
	s6 =	sadd.s32 @!p0 $0x88, s6;
	s7 =	simm.s32 @p2 $0x1082  }
0x22: {  	[simem:s7], [sflag:s8] =	dma.local @!p0 [hbm:s6], $0xF7A  }
0x23: {  	s9 =	sor.u32 $0xD0000000, s2;
	s6 =	simm.s32 $0x108;
	_ =	swait.ge @!p0 [sflag:s8], $0x0  }
0x24: {  	s3 =	sadd.s32 $0x88, s3;
	s6 =	simm.s32 @!p1 $0x1082;
	[sflag:s4] =	ssyncset.s32 $0xFFFFF086  }
0x25: {  	[simem:s6], [sflag:s4] =	dma.local [hbm:s3], $0xF7A  }
0x26: {  	[smem:$0x3F9B] =	sst s1;
	(tag) =	ssettag s2;
	_ =	strace s9  }
0x27: {  	s1 =	sld [smem:$0x3FAB]  }
0x28: {  	s2 =	sld [smem:$0x3FAC]  }
0x29: {  	s4 =	sld [smem:$0x3FAE]  }
0x2a: {  	p0 =	seq.s32 s5, $0x0;
	s5 =	sld [smem:$0x3FAF]  }
0x2b: {  	s6 =	sld [smem:$0x3FB0]  }
0x2c: {  	s7 =	sld [smem:$0x3FB1]  }
0x2d: {  	s3 =	simm.s32 $0x108;
	s8 =	sld [smem:$0x3FB2]  }
0x2e: {  	s3 =	simm.s32 @!p0 $0x1082;
	s9 =	sld [smem:$0x3FB3]  }
0x2f: {  	lr =	sadd.s32 s0, s3;
	s0 =	sld [smem:$0x3FAA]  }
0x30: {  	s3 =	sld [smem:$0x3FAD]  }
0x31: {  	[smem:$0x3FB6] =	sst s10  }
0x32: {  	s10 =	sld [smem:$0x3FB4];
	_ =	sdelay $0x3  }
0x33: {  	p0 =	seq.s32 s10, $0x1;
	s10 =	sld [smem:$0x3FB6];
	_ =	sdelay $0x3  }
0x34: {  	[smem:$0x3FB6] =	sst s10  }
0x35: {  	s10 =	sld [smem:$0x3FB5];
	_ =	sdelay $0x3  }
0x36: {  	p1 =	seq.s32 s10, $0x1;
	s10 =	sld [smem:$0x3FB6];
	_ =	sdelay $0x3  }
0x37: {  	[smem:$0x3FB6] =	sst s10  }
0x38: {  	s10 =	sld [smem:$0x3FB7]  }
0x39: {  	_ = 	snop;
	(pc) =	sbr.ind lr, $3  }
0x3a: {  	_ = 	snop  }
0x3b: {  	_ = 	snop  }
0x3c: {  	p2 =	seq.s32 s10, $0x1;
	s10 =	sld [smem:$0x3FB6]  }
0x3d: {  	_ =	shalt  }
0x3e: {  	_ =	shalt  }
0x3f: {  	_ =	shalt  }
0x40: {  	_ =	shalt  }
0x41: {  	_ =	shalt  }
0x42: {  	_ =	shalt  }
0x43: {  	_ =	shalt  }
0x44: {  	_ =	shalt  }
0x45: {  	_ =	shalt  }
0x46: {  	_ =	shalt  }
0x47: {  	_ =	shalt  }
0x48: {  	_ =	shalt  }
0x49: {  	_ =	shalt  }
0x4a: {  	_ =	shalt  }
0x4b: {  	_ =	shalt  }
0x4c: {  	_ =	shalt  }
0x4d: {  	_ =	shalt  }
0x4e: {  	_ =	shalt  }
0x4f: {  	_ =	shalt  }
0x50: {  	_ =	shalt  }
0x51: {  	_ =	shalt  }
0x52: {  	_ =	shalt  }
0x53: {  	_ =	shalt  }
0x54: {  	_ =	shalt  }
0x55: {  	_ =	shalt  }
0x56: {  	_ =	shalt  }
0x57: {  	_ =	shalt  }
0x58: {  	_ =	shalt  }
0x59: {  	_ =	shalt  }
0x5a: {  	_ =	shalt  }
0x5b: {  	_ =	shalt  }
0x5c: {  	_ =	shalt  }
0x5d: {  	_ =	shalt  }
0x5e: {  	_ =	shalt  }
0x5f: {  	_ =	shalt  }
0x60: {  	_ =	shalt  }
0x61: {  	_ =	shalt  }
0x62: {  	_ =	shalt  }
0x63: {  	_ =	shalt  }
0x64: {  	_ =	shalt  }
0x65: {  	_ =	shalt  }
0x66: {  	_ =	shalt  }
0x67: {  	_ =	shalt  }
0x68: {  	_ =	shalt  }
0x69: {  	_ =	shalt  }
0x6a: {  	_ =	shalt  }
0x6b: {  	_ =	shalt  }
0x6c: {  	_ =	shalt  }
0x6d: {  	_ =	shalt  }
0x6e: {  	_ =	shalt  }
0x6f: {  	_ =	shalt  }
0x70: {  	_ =	shalt  }
0x71: {  	_ =	shalt  }
0x72: {  	_ =	shalt  }
0x73: {  	_ =	shalt  }
0x74: {  	_ =	shalt  }
0x75: {  	_ =	shalt  }
0x76: {  	_ =	shalt  }
0x77: {  	_ =	shalt  }
0x78: {  	_ =	shalt  }
0x79: {  	_ =	shalt  }
0x7a: {  	_ =	shalt  }
0x7b: {  	_ =	shalt  }
0x7c: {  	_ =	shalt  }
0x7d: {  	_ =	shalt  }
0x7e: {  	_ =	shalt  }
0x7f: {  	_ =	shalt  }
0x80: {  	_ =	shalt  }
0x81: {  	_ =	shalt  }
0x82: {  	_ =	shalt  }
0x83: {  	_ =	shalt  }
0x84: {  	_ =	shalt  }
0x85: {  	_ =	shalt  }
0x86: {  	_ =	shalt  }
0x87: {  	_ =	shalt  }
.Lfunc_end0:
.L_simem_size_0:
called_computation_lowered:
.L_overlay_start_0:
0x88: {  	s2 =	sld [smem:$0x3FD9]  }
0x89: {  	s3 =	sld [smem:$0x3FFE];
	_ =	sdelay $0x1  }
0x8a: {  	s1 =	srdreg.scid  }
0x8b: {  	s0 =	sand.u32 $0x1, s1  }
0x8c: {  	s17 =	sshll.u32 s0, $0xA;
	s2 =	sadd.s32 s3, s2  }
0x8d: {  	s2 =	sadd.s32 s2, s17  }
0x8e: {  	[smem:$0x3FC2] =	sst s2  }
0x8f: {  	_ = 	snop  }
0x90: {  	s2 =	sld [smem:$0x3FD0];
	(tm) =	ssettm $0x1  }
0x91: {  	s18 =	sld [smem:$0x3FFB];
	_ =	sdelay $0x3  }
0x92: {  	_ =	strace s18  }
0x93: {  	s3 =	sld [smem:$0x3FFC];
	_ =	sdelay $0x3  }
0x94: {  	_ =	strace s3  }
0x95: {  	s3 =	sld [smem:$0x3FFD];
	_ =	sdelay $0x3  }
0x96: {  	_ =	strace s3  }
0x97: {  	_ =	strace $0x8FFFFFFF  }
0x98: {  	s19 =	sld [smem:$0x3FDB];
	_ =	sdelay $0x1  }
0x99: {  	s4 =	simm.s32 $_scs_section_size  }
0x9a: {  	s5 =	simm.s32 $_size__tile_overlayer_lowered;
	s6 =	simm.s32 $_tile_overlayer_lowered  }
0x9b: {  	s22 =	simm.s32 $0x1BFF;
	s21 =	sshll.u32 s6, $0x1;
	s3 =	sadd.s32 s4, s19  }
0x9c: {  	s7 =	simm.s32 $0x0;
	s20 =	sshll.u32 s5, $0x1;
	s5 =	sadd.s32 s21, s3  }
0x9d: {  	[timem:s7], [sflag:s22] =	dma.local [hbm:s5], s20  }
0x9e: {  	_ =	swait.ge [sflag:s22], s20  }
0x9f: {  	s4 =	ssub.s32 $0x0, s20;
	[sflag:s22] =	ssyncset.done $0x0  }
0xa0: {  	[sflag:s22] =	ssyncadd.s32 s4;
	_ =	sdelay $0x1  }
0xa1: {  	s23 =	simm.s32 $0x1B8B  }
0xa2: {  	_ =	swait.ge [sflag:s23], $0x1  }
0xa3: {  	[sflag:s23] =	ssyncset.done $0x0  }
0xa4: {  	s25 =	simm.s32 $0x1B8E;
	s24 =	sld [smem:$0x3FFE];
	[sflag:s23] =	ssyncadd.s32 $0xFFFFFFFF  }
0xa5: {  	s26 =	simm.s32 $execute0_lowered;
	[smem:$0x3FD2] =	sst s25  }
0xa6: {  	s5 =	sshll.u32 s26, $0x1;
	_ =	strace $0x80000046;
	[dreg:$0x1] =	wrdreg $0xFFFFFFFF  }
0xa7: {  	s28 =	simm.s32 $_size_execute0_lowered;
	s3 =	sadd.s32 s3, s5;
	[dreg:$0x0] =	wrdreg $0x0  }
0xa8: {  	s5 =	sshll.u32 s28, $0x1;
	[dreg:$0x2] =	wrdreg s3  }
0xa9: {  	[dreg:$0x3] =	wrdreg s5  }
0xaa: {  	[dreg:$0x4] =	wrdreg $0xC0  }
0xab: {  	_ =	task [dreg:s7], $0x5FFFF  }
0xac: {  	[dreg:$0x1] =	wrdreg $0xFFFFFFFF  }
0xad: {  	[dreg:$0x0] =	wrdreg $0x60  }
0xae: {  	[dreg:$0x2] =	wrdreg s24  }
0xaf: {  	[dreg:$0x3] =	wrdreg s2  }
0xb0: {  	[dreg:$0x4] =	wrdreg $0x12CC80  }
0xb1: {  	[dreg:$0x5] =	wrdreg $0x9  }
0xb2: {  	_ =	task.clear_ibuf [dreg:s7], $0x6FFFF;
	_ =	strace $0x90000046  }
0xb3: {  	s29 =	simm.s32 $0x9;
	_ =	strace $0x80000048  }
0xb4: {  	_ =	swait.ge [sflag:s29], $0x1  }
0xb5: {  	[sflag:s29] =	ssyncadd.s32 $0xFFFFFFFF  }
0xb6: {  	_ =	strace $0x90000048  }
0xb7: {  	_ =	sfence  }
0xb8: {  	s30 =	sld [smem:$0x0];
	_ =	sdelay $0x2  }
0xb9: {  	s31 =	sshll.u32 s1, $0xD;
	s1 =	sshrl.u32 s1, $0x2  }
0xba: {  	s3 =	sand.u32 $0x4000, s31;
	s1 =	sadd.s32 s1, s30  }
0xbb: {  	s0 =	sor.u32 s3, s0;
	s1 =	sshll.u32 s1, $0x11  }
0xbc: {  	s0 =	sor.u32 s1, s0  }
0xbd: {  	s0 =	sadd.s32 $0x8F2B, s0  }
0xbe: {  	[sflag:s0] =	ssyncadd.remote.s32 $0x1  }
0xbf: {  	_ =	sfence.sel $0xFFFF  }
0xc0: {  	[dreg:$0x0] =	wrdreg $0xFFFFFFFF;
	(pc) =	sbr.abs _section_cstart, $3  }
0xc1: {  	[dreg:$0x1] =	wrdreg $0xFFFFFFFF  }
0xc2: {  	_ =	task.clear_ibuf [dreg:s7], $0x2FFFF;
	_ =	strace $0x9FFFFFFF  }
0xc3: {  	(tm) =	ssettm $0x7FFFFFFF  }
tec
execute0_lowered:
.L_overlay_start_1:
0x0: {  	(tag) =	ssettag $0x1  }
0x1: {  	s4 =	rddreg [dreg:$0x0]  }
0x2: {  	s1 =	rddreg [dreg:$0x1]  }
0x3: {  	s2 =	rddreg [dreg:$0x2]  }
0x4: {  	s3 =	srdreg.scid;
	s0 =	rddreg [dreg:$0x3]  }
0x5: {  	s9 =	stileid.u32;
	s12 =	simm.s32 $0xEE48;
	s13 =	simm.s32 $0x0  }
0x6: {  	s5 =	sand.u32 $0x1, s3;
	s3 =	simm.s32 $0x0;
	s7 =	smul.u32 $0x3E8, s9  }
0x7: {  	s8 =	smul.u32 $0x4E20, s9;
	p0 =	sne.s32 s9, $0x0;
	p1 =	sgt.u32 s9, $0x4  }
0x8: {  	v2 =	vimm.f32 $0.0e+00;
	s6 =	smul.u32 $0x1388, s5;
	[smem:$0x7FF] =	sst s3;
	s5 =	ssub.s32 $0x2, s5  }
0x9: {  	v3 =	vimm.s32 $0x0;
	v4 =	vimm.s32 $0x1;
	v5 =	vimm.s32 $0x2;
	s9 =	simm.s32 $0x4E20;
	_ =	strace $0x80000047;
	s11 =	sshrl.u32 s5, $0x1  }
.Ltmp0:
0xa: {  	v6 =	vimm.s32 $0x3;
	v7 =	vimm.s32 $0x4;
	v8 =	vimm.s32 $0x5;
	s8 =	sshrl.u32 s8, $0x3;
	s10 =	sadd.s32 s7, s6;
	(pc) =	sbr.rel .LBB2_1-.Ltmp0, $4  }
0xb: {  	v9 =	vimm.s32 $0x6;
	v10 =	vimm.s32 $0x7;
	v0 =	vmov s6;
	s6 =	sadd.s32 $0x1388, s6;
	s31 =	ssub.s32 s5, s11;
	s5 =	sadd.s32 s7, s2  }
0xc: {  	v11 =	vimm.s32 $0x8;
	v12 =	vimm.s32 $0x9;
	v13 =	vimm.s32 $0xA;
	s11 =	simm.s32 $0xEA60;
	s10 =	sshll.u32 s10, $0x1;
	s7 =	smax.u32 s31, $0x1  }
0xd: {  	v14 =	vimm.s32 $0xB;
	v15 =	vimm.s32 $0xC;
	v16 =	vimm.s32 $0xD;
	s30 =	sadd.s32 s10, s4;
	s4 =	sadd.s32 s4, s8;
	s8 =	simm.s32 $0x1  }
0xe: {  	v17 =	vimm.s32 $0xE;
	v18 =	vimm.s32 $0xF;
	v1 =	vmov s6;
	s10 =	simm.s32 $0x9C40;
	s4 =	sadd.s32 $0xC640, s4;
	s6 =	sadd.s32 $0x16400, s30  }
.LBB2_6:
0xf: {  	v19 =	vld [tilespmem:s16+$0xEA60];
	_ =	sdelay $0x4  }
0x10: {  	v20 =	vperm.xlane v19, v3  }
0x11: {  	s14 =	sadd.s32 $0x100, s14;
	v21 =	vperm.xlane v19, v4  }
0x12: {  	v22 =	vperm.xlane v19, v5;
	[tilespmem:s14+$0xFFFFFF80] =	vst v20  }
0x13: {  	v53 =	vperm.xlane v19, v7;
	[tilespmem:s14+$0xFFFFFF90] =	vst v21  }
0x14: {  	v54 =	vperm.xlane v19, v8;
	[tilespmem:s14+$0xFFFFFFA0] =	vst v22  }
0x15: {  	v55 =	vperm.xlane v19, v10;
	[tilespmem:s14+$0xFFFFFFC0] =	vst v53  }
0x16: {  	v56 =	vperm.xlane v19, v11;
	[tilespmem:s14+$0xFFFFFFD0] =	vst v54  }
0x17: {  	v57 =	vperm.xlane v19, v13;
	[tilespmem:s14+$0xFFFFFFF0] =	vst v55  }
0x18: {  	v20 =	vperm.xlane v19, v6;
	[tilespmem:s14+$0x0] =	vst v56  }
0x19: {  	v58 =	vperm.xlane v19, v14;
	[tilespmem:s14+$0x20] =	vst v57  }
0x1a: {  	[tilespmem:s14+$0xFFFFFFB0] =	vst v20;
	v20 =	vperm.xlane v19, v9  }
0x1b: {  	v59 =	vperm.xlane v19, v16;
	[tilespmem:s14+$0x30] =	vst v58  }
0x1c: {  	[tilespmem:s14+$0xFFFFFFE0] =	vst v20;
	v20 =	vperm.xlane v19, v12  }
0x1d: {  	v60 =	vperm.xlane v19, v17;
	[tilespmem:s14+$0x50] =	vst v59  }
0x1e: {  	[tilespmem:s14+$0x10] =	vst v20;
	v20 =	vperm.xlane v19, v15  }
0x1f: {  	[tilespmem:s14+$0x60] =	vst v60;
	v19 =	vperm.xlane v19, v18  }
0x20: {  	[tilespmem:s14+$0x40] =	vst v20  }
0x21: {  	[tilespmem:s14+$0x70] =	vst v19  }
0x22: {  	v19 =	vld [tilespmem:$0xEE38];
	_ =	sdelay $0x4  }
0x23: {  	v20 =	vperm.xlane v19, v11  }
0x24: {  	v61 =	vperm.xlane v19, v12  }
0x25: {  	[tilespmem:$0x12C48] =	vst v20;
	v20 =	vperm.xlane v19, v13  }
0x26: {  	v62 =	vperm.xlane v19, v14;
	[tilespmem:$0x12C58] =	vst v61  }
0x27: {  	[tilespmem:$0x12C68] =	vst v20;
	v20 =	vperm.xlane v19, v15  }
0x28: {  	v63 =	vperm.xlane v19, v16;
	[tilespmem:$0x12C78] =	vst v62  }
0x29: {  	[tilespmem:$0x12C88] =	vst v20;
	v20 =	vperm.xlane v19, v17  }
0x2a: {  	[tilespmem:$0x12C98] =	vst v63;
	v19 =	vperm.xlane v19, v18  }
0x2b: {  	[tilespmem:$0x12CA8] =	vst v20  }
0x2c: {  	[tilespmem:$0x12CB8] =	vst v19  }
0x2d: {  	[hbm4b:s6+s3] =	stream.linear.scatter [tilespmem:s12], [sflag:$0x1], $0x3E80, $0x38;
	[tilespmem:$0x12E08] =	vst v63  }
0x2e: {  	_ =	swait.ge [sflag:s8], $0x3E80  }
0x2f: {  	[sflag:s8] =	ssyncset.done $0x0  }
0x30: {  	[sflag:s8] =	ssyncadd.s32 $0xFFFFC180  }
.LBB2_7:
0x31: {  	s13 =	sadd.s32 $0x1, s13  }
0x32: {  	p2 =	sne.s32 s13, s7  }
.Ltmp1:
0x33: {  	_ = 	snop;
	(pc) =	sbr.rel @!p2 .LBB2_8-.Ltmp1, $1  }
0x34: {  	_ =	sdelay $0x3  }
.LBB2_1:
0x35: {  	[tilespmem:s3], [sflag:$0x1] =	stream.linear.gather [hbm4b:s4+s3], $0x4E20, $0x38;
	[tilespmem:$0x12E08] =	vst v63  }
0x36: {  	_ =	swait.ge [sflag:s8], $0x4E20  }
0x37: {  	[sflag:s8] =	ssyncset.done $0x0  }
0x38: {  	s14 =	simm.s32 @!p0 $0x0;
	s15 =	simm.s32 @!p0 $0x9C40;
	[sflag:s8] =	ssyncadd.s32 $0xFFFFB1E0  }
0x39: {  	[tilespmem:s15], [sflag:$0x1] =	stream.linear.gather @!p0 [hbm4b:s1+s14], $0x1400, $0x38;
	[tilespmem:$0x12E08] =	vst v63  }
0x3a: {  	s14 =	simm.s32 @!p0 $0x1  }
0x3b: {  	_ =	swait.ge @!p0 [sflag:s14], $0x1400  }
0x3c: {  	[sflag:s14] =	ssyncset.done @!p0 $0x0  }
0x3d: {  	[sflag:s14] =	ssyncadd.s32 @!p0 $0xFFFFEC00  }
0x3e: {  	[spmem:s2] =	stream.linear.scatter @!p0 [tilespmem:s15], [sflag:$0x1], $0x1400, $0x38;
	[tilespmem:$0x12E08] =	vst v63  }
0x3f: {  	_ =	swait.ge @!p0 [sflag:s14], $0x1400  }
0x40: {  	[sflag:s14] =	ssyncset.done @!p0 $0x0  }
0x41: {  	[sflag:s14] =	ssyncadd.s32 @!p0 $0xFFFFEC00;
	s14 =	simm.s32 $0x0  }
0x42: {  	v19 =	vld [tilespmem:s14+$0x0];
	_ =	sdelay $0x2  }
0x43: {  	s15 =	simm.s32 $0x40  }
.LBB2_2:
0x44: {  	p2 =	sne.s32 s15, $0x13840  }
.Ltmp2:
0x45: {  	s16 =	sshra.s32 s15, $0x2;
	s15 =	sadd.s32 $0x40, s15;
	vm0 =	vge.s32 v19, v0;
	vm1 =	vlt.s32 v19, v1;
	v20 =	vsub.s32 v19, v0;
	(pc) =	sbr.rel @p2 .LBB2_2-.Ltmp2, $4  }
0x46: {  	v21 =	vand.u32 $0xFFF, v19;
	vm0 =	vmand vm0, vm1;
	v19 =	vld [tilespmem:s16+$0x0]  }
0x47: {  	v20 =	vsel vm0, v20, v21;
	v21 =	vsel vm0, $0x3F800000, v2  }
0x48: {  	[tilespmem:s14+$0x9C40] =	vst v21  }
0x49: {  	[tilespmem:s14+$0x4E20] =	vst v20;
	s14 =	smov.u32 s16  }
0x4a: {  	_ = 	snop  }
0x4b: {  	vm0 =	vge.s32 v19, v0;
	vm1 =	vlt.s32 v19, v1  }
0x4c: {  	vm0 =	vmand vm0, vm1  }
0x4d: {  	v20 =	vsub.s32 v19, v0;
	v19 =	vand.u32 $0xFFF, v19;
	v21 =	vsel vm0, $0x3F800000, v2  }
0x4e: {  	v19 =	vsel vm0, v20, v19;
	[tilespmem:s14+$0x9C40] =	vst v21  }
0x4f: {  	[tilespmem:s14+$0x4E20] =	vst v19  }
0x50: {  	[bflag:$0x0] =	sbarrier.arrive $0xFFFF  }
0x51: {  	[spmem:s2] =	stream.indirect.scatter.add.f32 [tilespmem:s10], [sflag:$0x1], $0x1, s9, s9, $0xb8;
	[tilespmem:$0x12E08] =	vst v63  }
.Ltmp3:
0x52: {  	_ =	swait.ge [sflag:s8], $0x4E20;
	(pc) =	sbr.rel @p1 .LBB2_7-.Ltmp3, $3  }
0x53: {  	[sflag:s8] =	ssyncset.done $0x0  }
0x54: {  	[sflag:s8] =	ssyncadd.s32 $0xFFFFB1E0  }
0x55: {  	[bflag:$0x0] =	sbarrier.arrive $0xFFFF;
	_ =	sdelay $0x1  }
0x56: {  	[tilespmem:s11], [sflag:$0x1] =	stream.linear.gather [spmem:s5], $0x3E8, $0x38;
	[tilespmem:$0x12E08] =	vst v63  }
0x57: {  	_ =	swait.ge [sflag:s8], $0x3E8  }
0x58: {  	[sflag:s8] =	ssyncset.done $0x0  }
0x59: {  	s14 =	simm.s32 $0x0;
	[sflag:s8] =	ssyncadd.s32 $0xFFFFFC18  }
0x5a: {  	v19 =	vld [tilespmem:s14+$0xEA60];
	_ =	sdelay $0x4  }
0x5b: {  	v20 =	vperm.xlane v19, v3  }
0x5c: {  	s14 =	simm.s32 $0xEEC8;
	v21 =	vperm.xlane v19, v4  }
0x5d: {  	v22 =	vperm.xlane v19, v5;
	[tilespmem:s14+$0xFFFFFF80] =	vst v20  }
0x5e: {  	v56 =	vperm.xlane v19, v7;
	[tilespmem:s14+$0xFFFFFF90] =	vst v21  }
0x5f: {  	v57 =	vperm.xlane v19, v8;
	[tilespmem:s14+$0xFFFFFFA0] =	vst v22  }
0x60: {  	v58 =	vperm.xlane v19, v10;
	[tilespmem:s14+$0xFFFFFFC0] =	vst v56  }
0x61: {  	v59 =	vperm.xlane v19, v11;
	[tilespmem:s14+$0xFFFFFFD0] =	vst v57  }
0x62: {  	v60 =	vperm.xlane v19, v13;
	[tilespmem:s14+$0xFFFFFFF0] =	vst v58  }
0x63: {  	v20 =	vperm.xlane v19, v6;
	[tilespmem:s14+$0x0] =	vst v59  }
0x64: {  	v61 =	vperm.xlane v19, v14;
	[tilespmem:s14+$0x20] =	vst v60  }
0x65: {  	[tilespmem:s14+$0xFFFFFFB0] =	vst v20;
	v20 =	vperm.xlane v19, v9  }
0x66: {  	v62 =	vperm.xlane v19, v16;
	[tilespmem:s14+$0x30] =	vst v61  }
0x67: {  	[tilespmem:s14+$0xFFFFFFE0] =	vst v20;
	v20 =	vperm.xlane v19, v12  }
0x68: {  	v63 =	vperm.xlane v19, v17;
	[tilespmem:s14+$0x50] =	vst v62  }
0x69: {  	[tilespmem:s14+$0x10] =	vst v20;
	v20 =	vperm.xlane v19, v15  }
0x6a: {  	[tilespmem:s14+$0x60] =	vst v63;
	v19 =	vperm.xlane v19, v18  }
0x6b: {  	[tilespmem:s14+$0x40] =	vst v20  }
0x6c: {  	s16 =	simm.s32 $0x10;
	s15 =	simm.s32 $0x80;
	[tilespmem:s14+$0x70] =	vst v19  }
.LBB2_5:
0x6d: {  	p2 =	sne.s32 s15, $0xF40;
	v19 =	vld [tilespmem:s16+$0xEA60];
	_ =	sdelay $0x4  }
0x6e: {  	v20 =	vperm.xlane v19, v3;
	v21 =	vperm.xlane v19, v4  }
0x6f: {  	s14 =	sadd.s32 $0x100, s14;
	v22 =	vperm.xlane v19, v5;
	v23 =	vperm.xlane v19, v6  }
0x70: {  	v24 =	vperm.xlane v19, v8;
	[tilespmem:s14+$0xFFFFFF80] =	vst v20;
	v20 =	vperm.xlane v19, v7  }
0x71: {  	v25 =	vperm.xlane v19, v10;
	[tilespmem:s14+$0xFFFFFF90] =	vst v21;
	v21 =	vperm.xlane v19, v9  }
0x72: {  	v26 =	vperm.xlane v19, v12;
	[tilespmem:s14+$0xFFFFFFA0] =	vst v22;
	v22 =	vperm.xlane v19, v11  }
0x73: {  	v27 =	vperm.xlane v19, v14;
	[tilespmem:s14+$0xFFFFFFB0] =	vst v23;
	v23 =	vperm.xlane v19, v13  }
0x74: {  	v28 =	vperm.xlane v19, v16;
	[tilespmem:s14+$0xFFFFFFC0] =	vst v20;
	v20 =	vperm.xlane v19, v15  }
0x75: {  	[tilespmem:s14+$0xFFFFFFD0] =	vst v24;
	v24 =	vperm.xlane v19, v17;
	v19 =	vperm.xlane v19, v18  }
0x76: {  	[tilespmem:s14+$0xFFFFFFE0] =	vst v21  }
0x77: {  	[tilespmem:s14+$0xFFFFFFF0] =	vst v25  }
0x78: {  	[tilespmem:s14+$0x0] =	vst v22  }
0x79: {  	[tilespmem:s14+$0x10] =	vst v26  }
0x7a: {  	[tilespmem:s14+$0x20] =	vst v23  }
.Ltmp4:
0x7b: {  	[tilespmem:s14+$0x30] =	vst v27;
	(pc) =	sbr.rel @p2 .LBB2_5-.Ltmp4, $4  }
0x7c: {  	[tilespmem:s14+$0x40] =	vst v20  }
0x7d: {  	[tilespmem:s14+$0x50] =	vst v28  }
0x7e: {  	[tilespmem:s14+$0x60] =	vst v24  }
0x7f: {  	s16 =	sshra.s32 s15, $0x2;
	s15 =	sadd.s32 $0x40, s15;
	[tilespmem:s14+$0x70] =	vst v19  }
.Ltmp5:
0x80: {  	_ = 	snop;
	(pc) =	sbr.rel .LBB2_6-.Ltmp5, $1  }
0x81: {  	_ =	sdelay $0x3  }
.LBB2_8:
0x82: {  	_ =	sfence.sel $0x180000  }
0x83: {  	[bflag:$0x0] =	sbarrier.arrive $0xFFFF  }
0x84: {  	_ =	strace $0x90000047  }
0x85: {  	s0 =	sadd.s32 @!p0 $0x100000, s0;
	[bflag:$0x2] =	sbarrier.arrive $0xFFFF  }
0x86: {  	[sflag:s0] =	ssyncadd.tile.s32 @!p0 $0x1;
	_ =	shalt  }
.Lfunc_end2:
_tile_overlayer_lowered:
.L_overlay_start_2:
0x87: {  	(tag) =	ssettag $0x2  }
0x88: {  	s0 =	rddreg [dreg:$0x0];
	s2 =	stileid.u32  }
0x89: {  	s1 =	rddreg [dreg:$0x1];
	p0 =	sne.s32 s2, $0x0  }
0x8a: {  	s3 =	rddreg [dreg:$0x2];
	[bflag:$0x3] =	sbarrier.arrive $0xFFFF;
	s2 =	simm.s32 @!p0 $0x1C01  }
0x8b: {  	[timem:s3], [sflag:s2] =	dma.local @!p0 [hbm:s0], s1  }
0x8c: {  	s0 =	simm.s32 @!p0 $0x1  }
0x8d: {  	_ =	swait.ge @!p0 [sflag:s0], s1  }
0x8e: {  	s1 =	ssub.s32 @!p0 $0x0, s1;
	[sflag:s0] =	ssyncset.done @!p0 $0x0  }
0x8f: {  	[sflag:s0] =	ssyncadd.s32 @!p0 s1  }
0x90: {  	[bflag:$0x3] =	sbarrier.arrive $0xFFFF  }
0x91: {  	_ =	shalt  }

</sc_bundles>
